<compile_context>
chip_gen: v7x
topology: tpu7x:2x2x1
jax: 0.10.2.dev20260603
libtpu: 0.0.44.dev20260713+nightly
codegen_flags: <defaults>
</compile_context>

<pallas_src>
import functools

import jax
import jax.numpy as jnp
from jax import lax
from jax.experimental import pallas as pl
from jax.experimental.pallas import tpu as pltpu
from jax.experimental.pallas import tpu_sc as plsc

HIDDEN = 2048
BATCH = 4
SEQ = 2048
B = BATCH * SEQ
NC, NS = 2, 16
NW = NC * NS
BPW = B // NW
WPR = SEQ // BPW
CHUNK = 8
NCHUNK = BPW // CHUNK
NBUF = 6

_mesh = plsc.VectorSubcoreMesh(core_axis_name="c", subcore_axis_name="s")

_scratch = [pltpu.VMEM((BPW,), jnp.int32)]
_scratch += [pltpu.VMEM((CHUNK, HIDDEN), jnp.float32) for _ in range(NBUF)]
_scratch += [pltpu.SemaphoreType.DMA for _ in range(2 * NBUF)]


@functools.partial(
    pl.kernel,
    out_type=jax.ShapeDtypeStruct((BATCH, SEQ, HIDDEN), jnp.float32),
    mesh=_mesh,
    scratch_types=_scratch,
)
def _sc_gather(idx_hbm, table_hbm, out_hbm, idx_v, *bufs_and_sems):
    bufs = bufs_and_sems[:NBUF]
    gsems = bufs_and_sems[NBUF:2 * NBUF]
    wsems = bufs_and_sems[2 * NBUF:]

    wid = lax.axis_index("s") * NC + lax.axis_index("c")
    row = wid // WPR
    col = (wid % WPR) * BPW

    pltpu.sync_copy(idx_hbm.at[row, pl.ds(col, BPW)], idx_v)

    gather_h = [None] * NBUF
    write_h = [None] * NBUF

    for g in range(NBUF - 1):
        gather_h[g] = pltpu.async_copy(
            table_hbm.at[idx_v.at[pl.ds(g * CHUNK, CHUNK)]], bufs[g], gsems[g])

    for g in range(NCHUNK):
        cur = g % NBUF
        nxt = (g + NBUF - 1) % NBUF
        if g + NBUF - 1 < NCHUNK:
            if write_h[nxt] is not None:
                write_h[nxt].wait()
                write_h[nxt] = None
            gather_h[nxt] = pltpu.async_copy(
                table_hbm.at[idx_v.at[pl.ds((g + NBUF - 1) * CHUNK, CHUNK)]],
                bufs[nxt], gsems[nxt])
        gather_h[cur].wait()
        write_h[cur] = pltpu.async_copy(
            bufs[cur], out_hbm.at[row, pl.ds(col + g * CHUNK, CHUNK)],
            wsems[cur])

    for h in write_h:
        if h is not None:
            h.wait()


def kernel(input_ids, wte):
    return _sc_gather(input_ids.astype(jnp.int32), wte)

# --- scband reference (transcript-rebuilt; emitter-appended) ---
"""Pipeline reference for scband-phi-embedding-635655159893 (READ-ONLY COPY).

The authoritative reference and input builder live on the scoring server;
editing this copy changes nothing except your own understanding.
"""

import jax, jax.numpy as jnp
import numpy as np

VOCAB = 51200
HIDDEN = 2048

def setup_inputs(seed: int = 0) -> dict:
    key = jax.random.key(seed)
    k1, k2 = jax.random.split(key)
    input_ids = jax.random.randint(k1, (4, 2048), 0, VOCAB, dtype=jnp.int64 if jax.config.jax_enable_x64 else jnp.int32)
    wte = jax.random.normal(k2, (VOCAB, HIDDEN), dtype=jnp.float32) * 0.02
    return {"input_ids": input_ids, "wte": wte}

def reference(input_ids, wte):
    # PhiEmbedding.forward: hidden_states = self.wte(input_ids)
    # Embedding lookup -> gather rows of the table.
    return jnp.take(wte, input_ids, axis=0)

if __name__ == "__main__":
    import jax
    _d = setup_inputs()
    print(jax.jit(kernel)(*tuple(_d.values())))

</pallas_src>

<mosaic_0001>
#map = affine_map<(d0, d1) -> (0, 0)>
#map1 = affine_map<(d0, d1) -> (0, 0, 0)>
module attributes {stable_mosaic.version = 14 : i64} {
  func.func @_sc_gather(%arg0: i32, %arg1: i32, %arg2: memref<4x2048xi32, #tpu.memory_space<hbm>>, %arg3: memref<51200x2048xf32, #tpu.memory_space<hbm>>, %arg4: memref<4x2048x2048xf32, #tpu.memory_space<hbm>>, %arg5: memref<256xi32, #tpu.memory_space<vmem>>, %arg6: memref<8x2048xf32, #tpu.memory_space<vmem>>, %arg7: memref<8x2048xf32, #tpu.memory_space<vmem>>, %arg8: memref<8x2048xf32, #tpu.memory_space<vmem>>, %arg9: memref<8x2048xf32, #tpu.memory_space<vmem>>, %arg10: memref<8x2048xf32, #tpu.memory_space<vmem>>, %arg11: memref<8x2048xf32, #tpu.memory_space<vmem>>, %arg12: memref<!tpu.dma_semaphore, #tpu.memory_space<semaphore_mem>>, %arg13: memref<!tpu.dma_semaphore, #tpu.memory_space<semaphore_mem>>, %arg14: memref<!tpu.dma_semaphore, #tpu.memory_space<semaphore_mem>>, %arg15: memref<!tpu.dma_semaphore, #tpu.memory_space<semaphore_mem>>, %arg16: memref<!tpu.dma_semaphore, #tpu.memory_space<semaphore_mem>>, %arg17: memref<!tpu.dma_semaphore, #tpu.memory_space<semaphore_mem>>, %arg18: memref<!tpu.dma_semaphore, #tpu.memory_space<semaphore_mem>>, %arg19: memref<!tpu.dma_semaphore, #tpu.memory_space<semaphore_mem>>, %arg20: memref<!tpu.dma_semaphore, #tpu.memory_space<semaphore_mem>>, %arg21: memref<!tpu.dma_semaphore, #tpu.memory_space<semaphore_mem>>, %arg22: memref<!tpu.dma_semaphore, #tpu.memory_space<semaphore_mem>>, %arg23: memref<!tpu.dma_semaphore, #tpu.memory_space<semaphore_mem>>) attributes {dimension_semantics = [#tpu.dimension_semantics<core_parallel>, #tpu.dimension_semantics<subcore_parallel>], iteration_bounds = array<i64: 2, 16>, scalar_prefetch = 0 : i64, scratch_operands = 19 : i64, tpu.core_type = #tpu.core_type<sc_vector_subcore>, window_params = [{transform_indices = #map}, {transform_indices = #map}, {transform_indices = #map1}]} {
    %mul3A = arith.constant 2 : i32
    %mul3A_0 = arith.muli %arg1, %mul3A : i32
    %add3A = arith.addi %mul3A_0, %arg0 : i32
    %jit3A = arith.constant 8 : i32
    %div3A = arith.divsi %add3A, %jit3A : i32
    %sign3A = arith.constant 0 : i32
    %sign3A_1 = arith.cmpi sgt, %add3A, %sign3A : i32
    %sign3A_2 = arith.extui %sign3A_1 : i1 to i32
    %sign3A_3 = arith.constant 0 : i32
    %sign3A_4 = arith.cmpi slt, %add3A, %sign3A_3 : i32
    %sign3A_5 = arith.extui %sign3A_4 : i1 to i32
    %sign3A_6 = arith.subi %sign3A_2, %sign3A_5 : i32
    %sign3A_7 = arith.constant 0 : i32
    %sign3A_8 = arith.cmpi sgt, %jit3A, %sign3A_7 : i32
    %sign3A_9 = arith.extui %sign3A_8 : i1 to i32
    %sign3A_10 = arith.constant 0 : i32
    %sign3A_11 = arith.cmpi slt, %jit3A, %sign3A_10 : i32
    %sign3A_12 = arith.extui %sign3A_11 : i1 to i32
    %sign3A_13 = arith.subi %sign3A_9, %sign3A_12 : i32
    %ne3A = arith.cmpi ne, %sign3A_6, %sign3A_13 : i32
    %rem3A = arith.remsi %add3A, %jit3A : i32
    %ne3A_14 = arith.constant 0 : i32
    %ne3A_15 = arith.cmpi ne, %rem3A, %ne3A_14 : i32
    %and3A = arith.andi %ne3A, %ne3A_15 : i1
    %sub3A = arith.constant 1 : i32
    %sub3A_16 = arith.subi %div3A, %sub3A : i32
    %select_n3A = arith.select %and3A, %sub3A_16, %div3A : i32
    %jit3A_17 = arith.constant 8 : i32
    %eq3A = arith.constant 0 : i32
    %eq3A_18 = arith.cmpi eq, %jit3A_17, %eq3A : i32
    %jit3A_19 = arith.constant 1 : i32
    %select_n3A_20 = arith.select %eq3A_18, %jit3A_19, %jit3A_17 : i32
    %rem3A_21 = arith.remsi %add3A, %select_n3A_20 : i32
    %ne3A_22 = arith.constant 0 : i32
    %ne3A_23 = arith.cmpi ne, %rem3A_21, %ne3A_22 : i32
    %lt3A = arith.constant 0 : i32
    %lt3A_24 = arith.cmpi slt, %rem3A_21, %lt3A : i32
    %lt3A_25 = arith.constant 0 : i32
    %lt3A_26 = arith.cmpi slt, %select_n3A_20, %lt3A_25 : i32
    %ne3A_27 = arith.xori %lt3A_24, %lt3A_26 : i1
    %and3A_28 = arith.andi %ne3A_27, %ne3A_23 : i1
    %add3A_29 = arith.addi %rem3A_21, %select_n3A_20 : i32
    %select_n3A_30 = arith.select %and3A_28, %add3A_29, %rem3A_21 : i32
    %mul3A_31 = arith.constant 256 : i32
    %mul3A_32 = arith.muli %select_n3A_30, %mul3A_31 : i32
    "tpu.region"() ({
      %run_scoped3A = tpu.sem_alloc : memref<!tpu.dma_semaphore, #tpu.memory_space<semaphore_mem>>
      %dma_start3A_799 = tpu.memref_slice %arg2[%select_n3A, %mul3A_32] : memref<4x2048xi32, #tpu.memory_space<hbm>> -> memref<1x256xi32, #tpu.memory_space<hbm>>
      %dma_start3A_800 = tpu.memref_squeeze %dma_start3A_799 : memref<1x256xi32, #tpu.memory_space<hbm>> -> memref<256xi32, #tpu.memory_space<hbm>>
      %dma_start3A_801 = tpu.memref_slice %arg2[%select_n3A, %mul3A_32] : memref<4x2048xi32, #tpu.memory_space<hbm>> -> memref<1x256xi32, #tpu.memory_space<hbm>>
      %dma_start3A_802 = tpu.memref_squeeze %dma_start3A_801 : memref<1x256xi32, #tpu.memory_space<hbm>> -> memref<256xi32, #tpu.memory_space<hbm>>
      tpu.enqueue_dma source(%dma_start3A_802 : memref<256xi32, #tpu.memory_space<hbm>>) target(%arg5 : memref<256xi32, #tpu.memory_space<vmem>>) target_semaphore(%run_scoped3A : memref<!tpu.dma_semaphore, #tpu.memory_space<semaphore_mem>>)
      %dma_wait3A_803 = tpu.memref_slice %arg2[%select_n3A, %mul3A_32] : memref<4x2048xi32, #tpu.memory_space<hbm>> -> memref<1x256xi32, #tpu.memory_space<hbm>>
      %dma_wait3A_804 = tpu.memref_squeeze %dma_wait3A_803 : memref<1x256xi32, #tpu.memory_space<hbm>> -> memref<256xi32, #tpu.memory_space<hbm>>
      %dma_wait3A_805 = tpu.memref_slice %arg2[%select_n3A, %mul3A_32] : memref<4x2048xi32, #tpu.memory_space<hbm>> -> memref<1x256xi32, #tpu.memory_space<hbm>>
      %dma_wait3A_806 = tpu.memref_squeeze %dma_wait3A_805 : memref<1x256xi32, #tpu.memory_space<hbm>> -> memref<256xi32, #tpu.memory_space<hbm>>
      tpu.wait_dma2 semaphore(%run_scoped3A : memref<!tpu.dma_semaphore, #tpu.memory_space<semaphore_mem>>) src(%dma_wait3A_806 : memref<256xi32, #tpu.memory_space<hbm>>) dst(%arg5 : memref<256xi32, #tpu.memory_space<vmem>>)
      tpu.yield
    }) : () -> ()
    %dma_start3A = arith.constant 0 : i32
    %dma_start3A_33 = tpu.memref_slice %arg5[%dma_start3A] : memref<256xi32, #tpu.memory_space<vmem>> -> memref<8xi32, #tpu.memory_space<vmem>>
    %dma_start3A_34 = arith.constant 0 : i32
    %dma_start3A_35 = arith.constant 0 : i32
    %dma_start3A_36 = tpu.memref_slice %arg3[%dma_start3A_34, %dma_start3A_35] : memref<51200x2048xf32, #tpu.memory_space<hbm>> -> memref<51200x2048xf32, #tpu.memory_space<hbm>>
    tpu.enqueue_indirect_dma source(%dma_start3A_36 : memref<51200x2048xf32, #tpu.memory_space<hbm>>) target(%arg6 : memref<8x2048xf32, #tpu.memory_space<vmem>>) offsets(%dma_start3A_33 : memref<8xi32, #tpu.memory_space<vmem>>) semaphore(%arg12 : memref<!tpu.dma_semaphore, #tpu.memory_space<semaphore_mem>>)
    %dma_start3A_37 = arith.constant 8 : i32
    %dma_start3A_38 = tpu.memref_slice %arg5[%dma_start3A_37] : memref<256xi32, #tpu.memory_space<vmem>> -> memref<8xi32, #tpu.memory_space<vmem>>
    %dma_start3A_39 = arith.constant 0 : i32
    %dma_start3A_40 = arith.constant 0 : i32
    %dma_start3A_41 = tpu.memref_slice %arg3[%dma_start3A_39, %dma_start3A_40] : memref<51200x2048xf32, #tpu.memory_space<hbm>> -> memref<51200x2048xf32, #tpu.memory_space<hbm>>
    tpu.enqueue_indirect_dma source(%dma_start3A_41 : memref<51200x2048xf32, #tpu.memory_space<hbm>>) target(%arg7 : memref<8x2048xf32, #tpu.memory_space<vmem>>) offsets(%dma_start3A_38 : memref<8xi32, #tpu.memory_space<vmem>>) semaphore(%arg13 : memref<!tpu.dma_semaphore, #tpu.memory_space<semaphore_mem>>)
    %dma_start3A_42 = arith.constant 16 : i32
    %dma_start3A_43 = tpu.memref_slice %arg5[%dma_start3A_42] : memref<256xi32, #tpu.memory_space<vmem>> -> memref<8xi32, #tpu.memory_space<vmem>>
    %dma_start3A_44 = arith.constant 0 : i32
    %dma_start3A_45 = arith.constant 0 : i32
    %dma_start3A_46 = tpu.memref_slice %arg3[%dma_start3A_44, %dma_start3A_45] : memref<51200x2048xf32, #tpu.memory_space<hbm>> -> memref<51200x2048xf32, #tpu.memory_space<hbm>>
    tpu.enqueue_indirect_dma source(%dma_start3A_46 : memref<51200x2048xf32, #tpu.memory_space<hbm>>) target(%arg8 : memref<8x2048xf32, #tpu.memory_space<vmem>>) offsets(%dma_start3A_43 : memref<8xi32, #tpu.memory_space<vmem>>) semaphore(%arg14 : memref<!tpu.dma_semaphore, #tpu.memory_space<semaphore_mem>>)
    %dma_start3A_47 = arith.constant 24 : i32
    %dma_start3A_48 = tpu.memref_slice %arg5[%dma_start3A_47] : memref<256xi32, #tpu.memory_space<vmem>> -> memref<8xi32, #tpu.memory_space<vmem>>
    %dma_start3A_49 = arith.constant 0 : i32
    %dma_start3A_50 = arith.constant 0 : i32
    %dma_start3A_51 = tpu.memref_slice %arg3[%dma_start3A_49, %dma_start3A_50] : memref<51200x2048xf32, #tpu.memory_space<hbm>> -> memref<51200x2048xf32, #tpu.memory_space<hbm>>
    tpu.enqueue_indirect_dma source(%dma_start3A_51 : memref<51200x2048xf32, #tpu.memory_space<hbm>>) target(%arg9 : memref<8x2048xf32, #tpu.memory_space<vmem>>) offsets(%dma_start3A_48 : memref<8xi32, #tpu.memory_space<vmem>>) semaphore(%arg15 : memref<!tpu.dma_semaphore, #tpu.memory_space<semaphore_mem>>)
    %dma_start3A_52 = arith.constant 32 : i32
    %dma_start3A_53 = tpu.memref_slice %arg5[%dma_start3A_52] : memref<256xi32, #tpu.memory_space<vmem>> -> memref<8xi32, #tpu.memory_space<vmem>>
    %dma_start3A_54 = arith.constant 0 : i32
    %dma_start3A_55 = arith.constant 0 : i32
    %dma_start3A_56 = tpu.memref_slice %arg3[%dma_start3A_54, %dma_start3A_55] : memref<51200x2048xf32, #tpu.memory_space<hbm>> -> memref<51200x2048xf32, #tpu.memory_space<hbm>>
    tpu.enqueue_indirect_dma source(%dma_start3A_56 : memref<51200x2048xf32, #tpu.memory_space<hbm>>) target(%arg10 : memref<8x2048xf32, #tpu.memory_space<vmem>>) offsets(%dma_start3A_53 : memref<8xi32, #tpu.memory_space<vmem>>) semaphore(%arg16 : memref<!tpu.dma_semaphore, #tpu.memory_space<semaphore_mem>>)
    %dma_start3A_57 = arith.constant 40 : i32
    %dma_start3A_58 = tpu.memref_slice %arg5[%dma_start3A_57] : memref<256xi32, #tpu.memory_space<vmem>> -> memref<8xi32, #tpu.memory_space<vmem>>
    %dma_start3A_59 = arith.constant 0 : i32
    %dma_start3A_60 = arith.constant 0 : i32
    %dma_start3A_61 = tpu.memref_slice %arg3[%dma_start3A_59, %dma_start3A_60] : memref<51200x2048xf32, #tpu.memory_space<hbm>> -> memref<51200x2048xf32, #tpu.memory_space<hbm>>
    tpu.enqueue_indirect_dma source(%dma_start3A_61 : memref<51200x2048xf32, #tpu.memory_space<hbm>>) target(%arg11 : memref<8x2048xf32, #tpu.memory_space<vmem>>) offsets(%dma_start3A_58 : memref<8xi32, #tpu.memory_space<vmem>>) semaphore(%arg17 : memref<!tpu.dma_semaphore, #tpu.memory_space<semaphore_mem>>)
    %dma_wait3A = arith.constant 0 : i32
    %dma_wait3A_62 = tpu.memref_slice %arg5[%dma_wait3A] : memref<256xi32, #tpu.memory_space<vmem>> -> memref<8xi32, #tpu.memory_space<vmem>>
    %dma_wait3A_63 = arith.constant 0 : i32
    %dma_wait3A_64 = arith.constant 0 : i32
    %dma_wait3A_65 = tpu.memref_slice %arg3[%dma_wait3A_63, %dma_wait3A_64] : memref<51200x2048xf32, #tpu.memory_space<hbm>> -> memref<51200x2048xf32, #tpu.memory_space<hbm>>
    tpu.wait_indirect_dma semaphore(%arg12 : memref<!tpu.dma_semaphore, #tpu.memory_space<semaphore_mem>>) src(%dma_wait3A_65 : memref<51200x2048xf32, #tpu.memory_space<hbm>>) dst(%arg6 : memref<8x2048xf32, #tpu.memory_space<vmem>>)
    %add3A_66 = arith.constant 0 : i32
    %add3A_67 = arith.addi %mul3A_32, %add3A_66 : i32
    %dma_start3A_68 = arith.constant 0 : i32
    %dma_start3A_69 = tpu.memref_slice %arg4[%select_n3A, %add3A_67, %dma_start3A_68] : memref<4x2048x2048xf32, #tpu.memory_space<hbm>> -> memref<1x8x2048xf32, #tpu.memory_space<hbm>>
    %dma_start3A_70 = tpu.memref_squeeze %dma_start3A_69 : memref<1x8x2048xf32, #tpu.memory_space<hbm>> -> memref<8x2048xf32, #tpu.memory_space<hbm>>
    %dma_start3A_71 = arith.constant 0 : i32
    %dma_start3A_72 = tpu.memref_slice %arg4[%select_n3A, %add3A_67, %dma_start3A_71] : memref<4x2048x2048xf32, #tpu.memory_space<hbm>> -> memref<1x8x2048xf32, #tpu.memory_space<hbm>>
    %dma_start3A_73 = tpu.memref_squeeze %dma_start3A_72 : memref<1x8x2048xf32, #tpu.memory_space<hbm>> -> memref<8x2048xf32, #tpu.memory_space<hbm>>
    tpu.enqueue_dma source(%arg6 : memref<8x2048xf32, #tpu.memory_space<vmem>>) target(%dma_start3A_73 : memref<8x2048xf32, #tpu.memory_space<hbm>>) target_semaphore(%arg18 : memref<!tpu.dma_semaphore, #tpu.memory_space<semaphore_mem>>)
    %dma_wait3A_74 = arith.constant 0 : i32
    %dma_wait3A_75 = tpu.memref_slice %arg4[%select_n3A, %add3A_67, %dma_wait3A_74] : memref<4x2048x2048xf32, #tpu.memory_space<hbm>> -> memref<1x8x2048xf32, #tpu.memory_space<hbm>>
    %dma_wait3A_76 = tpu.memref_squeeze %dma_wait3A_75 : memref<1x8x2048xf32, #tpu.memory_space<hbm>> -> memref<8x2048xf32, #tpu.memory_space<hbm>>
    %dma_wait3A_77 = arith.constant 0 : i32
    %dma_wait3A_78 = tpu.memref_slice %arg4[%select_n3A, %add3A_67, %dma_wait3A_77] : memref<4x2048x2048xf32, #tpu.memory_space<hbm>> -> memref<1x8x2048xf32, #tpu.memory_space<hbm>>
    %dma_wait3A_79 = tpu.memref_squeeze %dma_wait3A_78 : memref<1x8x2048xf32, #tpu.memory_space<hbm>> -> memref<8x2048xf32, #tpu.memory_space<hbm>>
    tpu.wait_dma2 semaphore(%arg18 : memref<!tpu.dma_semaphore, #tpu.memory_space<semaphore_mem>>) src(%arg6 : memref<8x2048xf32, #tpu.memory_space<vmem>>) dst(%dma_wait3A_79 : memref<8x2048xf32, #tpu.memory_space<hbm>>)
    %dma_start3A_80 = arith.constant 48 : i32
    %dma_start3A_81 = tpu.memref_slice %arg5[%dma_start3A_80] : memref<256xi32, #tpu.memory_space<vmem>> -> memref<8xi32, #tpu.memory_space<vmem>>
    %dma_start3A_82 = arith.constant 0 : i32
    %dma_start3A_83 = arith.constant 0 : i32
    %dma_start3A_84 = tpu.memref_slice %arg3[%dma_start3A_82, %dma_start3A_83] : memref<51200x2048xf32, #tpu.memory_space<hbm>> -> memref<51200x2048xf32, #tpu.memory_space<hbm>>
    tpu.enqueue_indirect_dma source(%dma_start3A_84 : memref<51200x2048xf32, #tpu.memory_space<hbm>>) target(%arg6 : memref<8x2048xf32, #tpu.memory_space<vmem>>) offsets(%dma_start3A_81 : memref<8xi32, #tpu.memory_space<vmem>>) semaphore(%arg12 : memref<!tpu.dma_semaphore, #tpu.memory_space<semaphore_mem>>)
    %dma_wait3A_85 = arith.constant 8 : i32
    %dma_wait3A_86 = tpu.memref_slice %arg5[%dma_wait3A_85] : memref<256xi32, #tpu.memory_space<vmem>> -> memref<8xi32, #tpu.memory_space<vmem>>
    %dma_wait3A_87 = arith.constant 0 : i32
    %dma_wait3A_88 = arith.constant 0 : i32
    %dma_wait3A_89 = tpu.memref_slice %arg3[%dma_wait3A_87, %dma_wait3A_88] : memref<51200x2048xf32, #tpu.memory_space<hbm>> -> memref<51200x2048xf32, #tpu.memory_space<hbm>>
    tpu.wait_indirect_dma semaphore(%arg13 : memref<!tpu.dma_semaphore, #tpu.memory_space<semaphore_mem>>) src(%dma_wait3A_89 : memref<51200x2048xf32, #tpu.memory_space<hbm>>) dst(%arg7 : memref<8x2048xf32, #tpu.memory_space<vmem>>)
    %add3A_90 = arith.constant 8 : i32
    %add3A_91 = arith.addi %mul3A_32, %add3A_90 : i32
    %dma_start3A_92 = arith.constant 0 : i32
    %dma_start3A_93 = tpu.memref_slice %arg4[%select_n3A, %add3A_91, %dma_start3A_92] : memref<4x2048x2048xf32, #tpu.memory_space<hbm>> -> memref<1x8x2048xf32, #tpu.memory_space<hbm>>
    %dma_start3A_94 = tpu.memref_squeeze %dma_start3A_93 : memref<1x8x2048xf32, #tpu.memory_space<hbm>> -> memref<8x2048xf32, #tpu.memory_space<hbm>>
    %dma_start3A_95 = arith.constant 0 : i32
    %dma_start3A_96 = tpu.memref_slice %arg4[%select_n3A, %add3A_91, %dma_start3A_95] : memref<4x2048x2048xf32, #tpu.memory_space<hbm>> -> memref<1x8x2048xf32, #tpu.memory_space<hbm>>
    %dma_start3A_97 = tpu.memref_squeeze %dma_start3A_96 : memref<1x8x2048xf32, #tpu.memory_space<hbm>> -> memref<8x2048xf32, #tpu.memory_space<hbm>>
    tpu.enqueue_dma source(%arg7 : memref<8x2048xf32, #tpu.memory_space<vmem>>) target(%dma_start3A_97 : memref<8x2048xf32, #tpu.memory_space<hbm>>) target_semaphore(%arg19 : memref<!tpu.dma_semaphore, #tpu.memory_space<semaphore_mem>>)
    %dma_wait3A_98 = arith.constant 0 : i32
    %dma_wait3A_99 = tpu.memref_slice %arg4[%select_n3A, %add3A_91, %dma_wait3A_98] : memref<4x2048x2048xf32, #tpu.memory_space<hbm>> -> memref<1x8x2048xf32, #tpu.memory_space<hbm>>
    %dma_wait3A_100 = tpu.memref_squeeze %dma_wait3A_99 : memref<1x8x2048xf32, #tpu.memory_space<hbm>> -> memref<8x2048xf32, #tpu.memory_space<hbm>>
    %dma_wait3A_101 = arith.constant 0 : i32
    %dma_wait3A_102 = tpu.memref_slice %arg4[%select_n3A, %add3A_91, %dma_wait3A_101] : memref<4x2048x2048xf32, #tpu.memory_space<hbm>> -> memref<1x8x2048xf32, #tpu.memory_space<hbm>>
    %dma_wait3A_103 = tpu.memref_squeeze %dma_wait3A_102 : memref<1x8x2048xf32, #tpu.memory_space<hbm>> -> memref<8x2048xf32, #tpu.memory_space<hbm>>
    tpu.wait_dma2 semaphore(%arg19 : memref<!tpu.dma_semaphore, #tpu.memory_space<semaphore_mem>>) src(%arg7 : memref<8x2048xf32, #tpu.memory_space<vmem>>) dst(%dma_wait3A_103 : memref<8x2048xf32, #tpu.memory_space<hbm>>)
    %dma_start3A_104 = arith.constant 56 : i32
    %dma_start3A_105 = tpu.memref_slice %arg5[%dma_start3A_104] : memref<256xi32, #tpu.memory_space<vmem>> -> memref<8xi32, #tpu.memory_space<vmem>>
    %dma_start3A_106 = arith.constant 0 : i32
    %dma_start3A_107 = arith.constant 0 : i32
    %dma_start3A_108 = tpu.memref_slice %arg3[%dma_start3A_106, %dma_start3A_107] : memref<51200x2048xf32, #tpu.memory_space<hbm>> -> memref<51200x2048xf32, #tpu.memory_space<hbm>>
    tpu.enqueue_indirect_dma source(%dma_start3A_108 : memref<51200x2048xf32, #tpu.memory_space<hbm>>) target(%arg7 : memref<8x2048xf32, #tpu.memory_space<vmem>>) offsets(%dma_start3A_105 : memref<8xi32, #tpu.memory_space<vmem>>) semaphore(%arg13 : memref<!tpu.dma_semaphore, #tpu.memory_space<semaphore_mem>>)
    %dma_wait3A_109 = arith.constant 16 : i32
    %dma_wait3A_110 = tpu.memref_slice %arg5[%dma_wait3A_109] : memref<256xi32, #tpu.memory_space<vmem>> -> memref<8xi32, #tpu.memory_space<vmem>>
    %dma_wait3A_111 = arith.constant 0 : i32
    %dma_wait3A_112 = arith.constant 0 : i32
    %dma_wait3A_113 = tpu.memref_slice %arg3[%dma_wait3A_111, %dma_wait3A_112] : memref<51200x2048xf32, #tpu.memory_space<hbm>> -> memref<51200x2048xf32, #tpu.memory_space<hbm>>
    tpu.wait_indirect_dma semaphore(%arg14 : memref<!tpu.dma_semaphore, #tpu.memory_space<semaphore_mem>>) src(%dma_wait3A_113 : memref<51200x2048xf32, #tpu.memory_space<hbm>>) dst(%arg8 : memref<8x2048xf32, #tpu.memory_space<vmem>>)
    %add3A_114 = arith.constant 16 : i32
    %add3A_115 = arith.addi %mul3A_32, %add3A_114 : i32
    %dma_start3A_116 = arith.constant 0 : i32
    %dma_start3A_117 = tpu.memref_slice %arg4[%select_n3A, %add3A_115, %dma_start3A_116] : memref<4x2048x2048xf32, #tpu.memory_space<hbm>> -> memref<1x8x2048xf32, #tpu.memory_space<hbm>>
    %dma_start3A_118 = tpu.memref_squeeze %dma_start3A_117 : memref<1x8x2048xf32, #tpu.memory_space<hbm>> -> memref<8x2048xf32, #tpu.memory_space<hbm>>
    %dma_start3A_119 = arith.constant 0 : i32
    %dma_start3A_120 = tpu.memref_slice %arg4[%select_n3A, %add3A_115, %dma_start3A_119] : memref<4x2048x2048xf32, #tpu.memory_space<hbm>> -> memref<1x8x2048xf32, #tpu.memory_space<hbm>>
    %dma_start3A_121 = tpu.memref_squeeze %dma_start3A_120 : memref<1x8x2048xf32, #tpu.memory_space<hbm>> -> memref<8x2048xf32, #tpu.memory_space<hbm>>
    tpu.enqueue_dma source(%arg8 : memref<8x2048xf32, #tpu.memory_space<vmem>>) target(%dma_start3A_121 : memref<8x2048xf32, #tpu.memory_space<hbm>>) target_semaphore(%arg20 : memref<!tpu.dma_semaphore, #tpu.memory_space<semaphore_mem>>)
    %dma_wait3A_122 = arith.constant 0 : i32
    %dma_wait3A_123 = tpu.memref_slice %arg4[%select_n3A, %add3A_115, %dma_wait3A_122] : memref<4x2048x2048xf32, #tpu.memory_space<hbm>> -> memref<1x8x2048xf32, #tpu.memory_space<hbm>>
    %dma_wait3A_124 = tpu.memref_squeeze %dma_wait3A_123 : memref<1x8x2048xf32, #tpu.memory_space<hbm>> -> memref<8x2048xf32, #tpu.memory_space<hbm>>
    %dma_wait3A_125 = arith.constant 0 : i32
    %dma_wait3A_126 = tpu.memref_slice %arg4[%select_n3A, %add3A_115, %dma_wait3A_125] : memref<4x2048x2048xf32, #tpu.memory_space<hbm>> -> memref<1x8x2048xf32, #tpu.memory_space<hbm>>
    %dma_wait3A_127 = tpu.memref_squeeze %dma_wait3A_126 : memref<1x8x2048xf32, #tpu.memory_space<hbm>> -> memref<8x2048xf32, #tpu.memory_space<hbm>>
    tpu.wait_dma2 semaphore(%arg20 : memref<!tpu.dma_semaphore, #tpu.memory_space<semaphore_mem>>) src(%arg8 : memref<8x2048xf32, #tpu.memory_space<vmem>>) dst(%dma_wait3A_127 : memref<8x2048xf32, #tpu.memory_space<hbm>>)
    %dma_start3A_128 = arith.constant 64 : i32
    %dma_start3A_129 = tpu.memref_slice %arg5[%dma_start3A_128] : memref<256xi32, #tpu.memory_space<vmem>> -> memref<8xi32, #tpu.memory_space<vmem>>
    %dma_start3A_130 = arith.constant 0 : i32
    %dma_start3A_131 = arith.constant 0 : i32
    %dma_start3A_132 = tpu.memref_slice %arg3[%dma_start3A_130, %dma_start3A_131] : memref<51200x2048xf32, #tpu.memory_space<hbm>> -> memref<51200x2048xf32, #tpu.memory_space<hbm>>
    tpu.enqueue_indirect_dma source(%dma_start3A_132 : memref<51200x2048xf32, #tpu.memory_space<hbm>>) target(%arg8 : memref<8x2048xf32, #tpu.memory_space<vmem>>) offsets(%dma_start3A_129 : memref<8xi32, #tpu.memory_space<vmem>>) semaphore(%arg14 : memref<!tpu.dma_semaphore, #tpu.memory_space<semaphore_mem>>)
    %dma_wait3A_133 = arith.constant 24 : i32
    %dma_wait3A_134 = tpu.memref_slice %arg5[%dma_wait3A_133] : memref<256xi32, #tpu.memory_space<vmem>> -> memref<8xi32, #tpu.memory_space<vmem>>
    %dma_wait3A_135 = arith.constant 0 : i32
    %dma_wait3A_136 = arith.constant 0 : i32
    %dma_wait3A_137 = tpu.memref_slice %arg3[%dma_wait3A_135, %dma_wait3A_136] : memref<51200x2048xf32, #tpu.memory_space<hbm>> -> memref<51200x2048xf32, #tpu.memory_space<hbm>>
    tpu.wait_indirect_dma semaphore(%arg15 : memref<!tpu.dma_semaphore, #tpu.memory_space<semaphore_mem>>) src(%dma_wait3A_137 : memref<51200x2048xf32, #tpu.memory_space<hbm>>) dst(%arg9 : memref<8x2048xf32, #tpu.memory_space<vmem>>)
    %add3A_138 = arith.constant 24 : i32
    %add3A_139 = arith.addi %mul3A_32, %add3A_138 : i32
    %dma_start3A_140 = arith.constant 0 : i32
    %dma_start3A_141 = tpu.memref_slice %arg4[%select_n3A, %add3A_139, %dma_start3A_140] : memref<4x2048x2048xf32, #tpu.memory_space<hbm>> -> memref<1x8x2048xf32, #tpu.memory_space<hbm>>
    %dma_start3A_142 = tpu.memref_squeeze %dma_start3A_141 : memref<1x8x2048xf32, #tpu.memory_space<hbm>> -> memref<8x2048xf32, #tpu.memory_space<hbm>>
    %dma_start3A_143 = arith.constant 0 : i32
    %dma_start3A_144 = tpu.memref_slice %arg4[%select_n3A, %add3A_139, %dma_start3A_143] : memref<4x2048x2048xf32, #tpu.memory_space<hbm>> -> memref<1x8x2048xf32, #tpu.memory_space<hbm>>
    %dma_start3A_145 = tpu.memref_squeeze %dma_start3A_144 : memref<1x8x2048xf32, #tpu.memory_space<hbm>> -> memref<8x2048xf32, #tpu.memory_space<hbm>>
    tpu.enqueue_dma source(%arg9 : memref<8x2048xf32, #tpu.memory_space<vmem>>) target(%dma_start3A_145 : memref<8x2048xf32, #tpu.memory_space<hbm>>) target_semaphore(%arg21 : memref<!tpu.dma_semaphore, #tpu.memory_space<semaphore_mem>>)
    %dma_wait3A_146 = arith.constant 0 : i32
    %dma_wait3A_147 = tpu.memref_slice %arg4[%select_n3A, %add3A_139, %dma_wait3A_146] : memref<4x2048x2048xf32, #tpu.memory_space<hbm>> -> memref<1x8x2048xf32, #tpu.memory_space<hbm>>
    %dma_wait3A_148 = tpu.memref_squeeze %dma_wait3A_147 : memref<1x8x2048xf32, #tpu.memory_space<hbm>> -> memref<8x2048xf32, #tpu.memory_space<hbm>>
    %dma_wait3A_149 = arith.constant 0 : i32
    %dma_wait3A_150 = tpu.memref_slice %arg4[%select_n3A, %add3A_139, %dma_wait3A_149] : memref<4x2048x2048xf32, #tpu.memory_space<hbm>> -> memref<1x8x2048xf32, #tpu.memory_space<hbm>>
    %dma_wait3A_151 = tpu.memref_squeeze %dma_wait3A_150 : memref<1x8x2048xf32, #tpu.memory_space<hbm>> -> memref<8x2048xf32, #tpu.memory_space<hbm>>
    tpu.wait_dma2 semaphore(%arg21 : memref<!tpu.dma_semaphore, #tpu.memory_space<semaphore_mem>>) src(%arg9 : memref<8x2048xf32, #tpu.memory_space<vmem>>) dst(%dma_wait3A_151 : memref<8x2048xf32, #tpu.memory_space<hbm>>)
    %dma_start3A_152 = arith.constant 72 : i32
    %dma_start3A_153 = tpu.memref_slice %arg5[%dma_start3A_152] : memref<256xi32, #tpu.memory_space<vmem>> -> memref<8xi32, #tpu.memory_space<vmem>>
    %dma_start3A_154 = arith.constant 0 : i32
    %dma_start3A_155 = arith.constant 0 : i32
    %dma_start3A_156 = tpu.memref_slice %arg3[%dma_start3A_154, %dma_start3A_155] : memref<51200x2048xf32, #tpu.memory_space<hbm>> -> memref<51200x2048xf32, #tpu.memory_space<hbm>>
    tpu.enqueue_indirect_dma source(%dma_start3A_156 : memref<51200x2048xf32, #tpu.memory_space<hbm>>) target(%arg9 : memref<8x2048xf32, #tpu.memory_space<vmem>>) offsets(%dma_start3A_153 : memref<8xi32, #tpu.memory_space<vmem>>) semaphore(%arg15 : memref<!tpu.dma_semaphore, #tpu.memory_space<semaphore_mem>>)
    %dma_wait3A_157 = arith.constant 32 : i32
    %dma_wait3A_158 = tpu.memref_slice %arg5[%dma_wait3A_157] : memref<256xi32, #tpu.memory_space<vmem>> -> memref<8xi32, #tpu.memory_space<vmem>>
    %dma_wait3A_159 = arith.constant 0 : i32
    %dma_wait3A_160 = arith.constant 0 : i32
    %dma_wait3A_161 = tpu.memref_slice %arg3[%dma_wait3A_159, %dma_wait3A_160] : memref<51200x2048xf32, #tpu.memory_space<hbm>> -> memref<51200x2048xf32, #tpu.memory_space<hbm>>
    tpu.wait_indirect_dma semaphore(%arg16 : memref<!tpu.dma_semaphore, #tpu.memory_space<semaphore_mem>>) src(%dma_wait3A_161 : memref<51200x2048xf32, #tpu.memory_space<hbm>>) dst(%arg10 : memref<8x2048xf32, #tpu.memory_space<vmem>>)
    %add3A_162 = arith.constant 32 : i32
    %add3A_163 = arith.addi %mul3A_32, %add3A_162 : i32
    %dma_start3A_164 = arith.constant 0 : i32
    %dma_start3A_165 = tpu.memref_slice %arg4[%select_n3A, %add3A_163, %dma_start3A_164] : memref<4x2048x2048xf32, #tpu.memory_space<hbm>> -> memref<1x8x2048xf32, #tpu.memory_space<hbm>>
    %dma_start3A_166 = tpu.memref_squeeze %dma_start3A_165 : memref<1x8x2048xf32, #tpu.memory_space<hbm>> -> memref<8x2048xf32, #tpu.memory_space<hbm>>
    %dma_start3A_167 = arith.constant 0 : i32
    %dma_start3A_168 = tpu.memref_slice %arg4[%select_n3A, %add3A_163, %dma_start3A_167] : memref<4x2048x2048xf32, #tpu.memory_space<hbm>> -> memref<1x8x2048xf32, #tpu.memory_space<hbm>>
    %dma_start3A_169 = tpu.memref_squeeze %dma_start3A_168 : memref<1x8x2048xf32, #tpu.memory_space<hbm>> -> memref<8x2048xf32, #tpu.memory_space<hbm>>
    tpu.enqueue_dma source(%arg10 : memref<8x2048xf32, #tpu.memory_space<vmem>>) target(%dma_start3A_169 : memref<8x2048xf32, #tpu.memory_space<hbm>>) target_semaphore(%arg22 : memref<!tpu.dma_semaphore, #tpu.memory_space<semaphore_mem>>)
    %dma_wait3A_170 = arith.constant 0 : i32
    %dma_wait3A_171 = tpu.memref_slice %arg4[%select_n3A, %add3A_163, %dma_wait3A_170] : memref<4x2048x2048xf32, #tpu.memory_space<hbm>> -> memref<1x8x2048xf32, #tpu.memory_space<hbm>>
    %dma_wait3A_172 = tpu.memref_squeeze %dma_wait3A_171 : memref<1x8x2048xf32, #tpu.memory_space<hbm>> -> memref<8x2048xf32, #tpu.memory_space<hbm>>
    %dma_wait3A_173 = arith.constant 0 : i32
    %dma_wait3A_174 = tpu.memref_slice %arg4[%select_n3A, %add3A_163, %dma_wait3A_173] : memref<4x2048x2048xf32, #tpu.memory_space<hbm>> -> memref<1x8x2048xf32, #tpu.memory_space<hbm>>
    %dma_wait3A_175 = tpu.memref_squeeze %dma_wait3A_174 : memref<1x8x2048xf32, #tpu.memory_space<hbm>> -> memref<8x2048xf32, #tpu.memory_space<hbm>>
    tpu.wait_dma2 semaphore(%arg22 : memref<!tpu.dma_semaphore, #tpu.memory_space<semaphore_mem>>) src(%arg10 : memref<8x2048xf32, #tpu.memory_space<vmem>>) dst(%dma_wait3A_175 : memref<8x2048xf32, #tpu.memory_space<hbm>>)
    %dma_start3A_176 = arith.constant 80 : i32
    %dma_start3A_177 = tpu.memref_slice %arg5[%dma_start3A_176] : memref<256xi32, #tpu.memory_space<vmem>> -> memref<8xi32, #tpu.memory_space<vmem>>
    %dma_start3A_178 = arith.constant 0 : i32
    %dma_start3A_179 = arith.constant 0 : i32
    %dma_start3A_180 = tpu.memref_slice %arg3[%dma_start3A_178, %dma_start3A_179] : memref<51200x2048xf32, #tpu.memory_space<hbm>> -> memref<51200x2048xf32, #tpu.memory_space<hbm>>
    tpu.enqueue_indirect_dma source(%dma_start3A_180 : memref<51200x2048xf32, #tpu.memory_space<hbm>>) target(%arg10 : memref<8x2048xf32, #tpu.memory_space<vmem>>) offsets(%dma_start3A_177 : memref<8xi32, #tpu.memory_space<vmem>>) semaphore(%arg16 : memref<!tpu.dma_semaphore, #tpu.memory_space<semaphore_mem>>)
    %dma_wait3A_181 = arith.constant 40 : i32
    %dma_wait3A_182 = tpu.memref_slice %arg5[%dma_wait3A_181] : memref<256xi32, #tpu.memory_space<vmem>> -> memref<8xi32, #tpu.memory_space<vmem>>
    %dma_wait3A_183 = arith.constant 0 : i32
    %dma_wait3A_184 = arith.constant 0 : i32
    %dma_wait3A_185 = tpu.memref_slice %arg3[%dma_wait3A_183, %dma_wait3A_184] : memref<51200x2048xf32, #tpu.memory_space<hbm>> -> memref<51200x2048xf32, #tpu.memory_space<hbm>>
    tpu.wait_indirect_dma semaphore(%arg17 : memref<!tpu.dma_semaphore, #tpu.memory_space<semaphore_mem>>) src(%dma_wait3A_185 : memref<51200x2048xf32, #tpu.memory_space<hbm>>) dst(%arg11 : memref<8x2048xf32, #tpu.memory_space<vmem>>)
    %add3A_186 = arith.constant 40 : i32
    %add3A_187 = arith.addi %mul3A_32, %add3A_186 : i32
    %dma_start3A_188 = arith.constant 0 : i32
    %dma_start3A_189 = tpu.memref_slice %arg4[%select_n3A, %add3A_187, %dma_start3A_188] : memref<4x2048x2048xf32, #tpu.memory_space<hbm>> -> memref<1x8x2048xf32, #tpu.memory_space<hbm>>
    %dma_start3A_190 = tpu.memref_squeeze %dma_start3A_189 : memref<1x8x2048xf32, #tpu.memory_space<hbm>> -> memref<8x2048xf32, #tpu.memory_space<hbm>>
    %dma_start3A_191 = arith.constant 0 : i32
    %dma_start3A_192 = tpu.memref_slice %arg4[%select_n3A, %add3A_187, %dma_start3A_191] : memref<4x2048x2048xf32, #tpu.memory_space<hbm>> -> memref<1x8x2048xf32, #tpu.memory_space<hbm>>
    %dma_start3A_193 = tpu.memref_squeeze %dma_start3A_192 : memref<1x8x2048xf32, #tpu.memory_space<hbm>> -> memref<8x2048xf32, #tpu.memory_space<hbm>>
    tpu.enqueue_dma source(%arg11 : memref<8x2048xf32, #tpu.memory_space<vmem>>) target(%dma_start3A_193 : memref<8x2048xf32, #tpu.memory_space<hbm>>) target_semaphore(%arg23 : memref<!tpu.dma_semaphore, #tpu.memory_space<semaphore_mem>>)
    %dma_wait3A_194 = arith.constant 0 : i32
    %dma_wait3A_195 = tpu.memref_slice %arg4[%select_n3A, %add3A_187, %dma_wait3A_194] : memref<4x2048x2048xf32, #tpu.memory_space<hbm>> -> memref<1x8x2048xf32, #tpu.memory_space<hbm>>
    %dma_wait3A_196 = tpu.memref_squeeze %dma_wait3A_195 : memref<1x8x2048xf32, #tpu.memory_space<hbm>> -> memref<8x2048xf32, #tpu.memory_space<hbm>>
    %dma_wait3A_197 = arith.constant 0 : i32
    %dma_wait3A_198 = tpu.memref_slice %arg4[%select_n3A, %add3A_187, %dma_wait3A_197] : memref<4x2048x2048xf32, #tpu.memory_space<hbm>> -> memref<1x8x2048xf32, #tpu.memory_space<hbm>>
    %dma_wait3A_199 = tpu.memref_squeeze %dma_wait3A_198 : memref<1x8x2048xf32, #tpu.memory_space<hbm>> -> memref<8x2048xf32, #tpu.memory_space<hbm>>
    tpu.wait_dma2 semaphore(%arg23 : memref<!tpu.dma_semaphore, #tpu.memory_space<semaphore_mem>>) src(%arg11 : memref<8x2048xf32, #tpu.memory_space<vmem>>) dst(%dma_wait3A_199 : memref<8x2048xf32, #tpu.memory_space<hbm>>)
    %dma_start3A_200 = arith.constant 88 : i32
    %dma_start3A_201 = tpu.memref_slice %arg5[%dma_start3A_200] : memref<256xi32, #tpu.memory_space<vmem>> -> memref<8xi32, #tpu.memory_space<vmem>>
    %dma_start3A_202 = arith.constant 0 : i32
    %dma_start3A_203 = arith.constant 0 : i32
    %dma_start3A_204 = tpu.memref_slice %arg3[%dma_start3A_202, %dma_start3A_203] : memref<51200x2048xf32, #tpu.memory_space<hbm>> -> memref<51200x2048xf32, #tpu.memory_space<hbm>>
    tpu.enqueue_indirect_dma source(%dma_start3A_204 : memref<51200x2048xf32, #tpu.memory_space<hbm>>) target(%arg11 : memref<8x2048xf32, #tpu.memory_space<vmem>>) offsets(%dma_start3A_201 : memref<8xi32, #tpu.memory_space<vmem>>) semaphore(%arg17 : memref<!tpu.dma_semaphore, #tpu.memory_space<semaphore_mem>>)
    %dma_wait3A_205 = arith.constant 48 : i32
    %dma_wait3A_206 = tpu.memref_slice %arg5[%dma_wait3A_205] : memref<256xi32, #tpu.memory_space<vmem>> -> memref<8xi32, #tpu.memory_space<vmem>>
    %dma_wait3A_207 = arith.constant 0 : i32
    %dma_wait3A_208 = arith.constant 0 : i32
    %dma_wait3A_209 = tpu.memref_slice %arg3[%dma_wait3A_207, %dma_wait3A_208] : memref<51200x2048xf32, #tpu.memory_space<hbm>> -> memref<51200x2048xf32, #tpu.memory_space<hbm>>
    tpu.wait_indirect_dma semaphore(%arg12 : memref<!tpu.dma_semaphore, #tpu.memory_space<semaphore_mem>>) src(%dma_wait3A_209 : memref<51200x2048xf32, #tpu.memory_space<hbm>>) dst(%arg6 : memref<8x2048xf32, #tpu.memory_space<vmem>>)
    %add3A_210 = arith.constant 48 : i32
    %add3A_211 = arith.addi %mul3A_32, %add3A_210 : i32
    %dma_start3A_212 = arith.constant 0 : i32
    %dma_start3A_213 = tpu.memref_slice %arg4[%select_n3A, %add3A_211, %dma_start3A_212] : memref<4x2048x2048xf32, #tpu.memory_space<hbm>> -> memref<1x8x2048xf32, #tpu.memory_space<hbm>>
    %dma_start3A_214 = tpu.memref_squeeze %dma_start3A_213 : memref<1x8x2048xf32, #tpu.memory_space<hbm>> -> memref<8x2048xf32, #tpu.memory_space<hbm>>
    %dma_start3A_215 = arith.constant 0 : i32
    %dma_start3A_216 = tpu.memref_slice %arg4[%select_n3A, %add3A_211, %dma_start3A_215] : memref<4x2048x2048xf32, #tpu.memory_space<hbm>> -> memref<1x8x2048xf32, #tpu.memory_space<hbm>>
    %dma_start3A_217 = tpu.memref_squeeze %dma_start3A_216 : memref<1x8x2048xf32, #tpu.memory_space<hbm>> -> memref<8x2048xf32, #tpu.memory_space<hbm>>
    tpu.enqueue_dma source(%arg6 : memref<8x2048xf32, #tpu.memory_space<vmem>>) target(%dma_start3A_217 : memref<8x2048xf32, #tpu.memory_space<hbm>>) target_semaphore(%arg18 : memref<!tpu.dma_semaphore, #tpu.memory_space<semaphore_mem>>)
    %dma_wait3A_218 = arith.constant 0 : i32
    %dma_wait3A_219 = tpu.memref_slice %arg4[%select_n3A, %add3A_211, %dma_wait3A_218] : memref<4x2048x2048xf32, #tpu.memory_space<hbm>> -> memref<1x8x2048xf32, #tpu.memory_space<hbm>>
    %dma_wait3A_220 = tpu.memref_squeeze %dma_wait3A_219 : memref<1x8x2048xf32, #tpu.memory_space<hbm>> -> memref<8x2048xf32, #tpu.memory_space<hbm>>
    %dma_wait3A_221 = arith.constant 0 : i32
    %dma_wait3A_222 = tpu.memref_slice %arg4[%select_n3A, %add3A_211, %dma_wait3A_221] : memref<4x2048x2048xf32, #tpu.memory_space<hbm>> -> memref<1x8x2048xf32, #tpu.memory_space<hbm>>
    %dma_wait3A_223 = tpu.memref_squeeze %dma_wait3A_222 : memref<1x8x2048xf32, #tpu.memory_space<hbm>> -> memref<8x2048xf32, #tpu.memory_space<hbm>>
    tpu.wait_dma2 semaphore(%arg18 : memref<!tpu.dma_semaphore, #tpu.memory_space<semaphore_mem>>) src(%arg6 : memref<8x2048xf32, #tpu.memory_space<vmem>>) dst(%dma_wait3A_223 : memref<8x2048xf32, #tpu.memory_space<hbm>>)
    %dma_start3A_224 = arith.constant 96 : i32
    %dma_start3A_225 = tpu.memref_slice %arg5[%dma_start3A_224] : memref<256xi32, #tpu.memory_space<vmem>> -> memref<8xi32, #tpu.memory_space<vmem>>
    %dma_start3A_226 = arith.constant 0 : i32
    %dma_start3A_227 = arith.constant 0 : i32
    %dma_start3A_228 = tpu.memref_slice %arg3[%dma_start3A_226, %dma_start3A_227] : memref<51200x2048xf32, #tpu.memory_space<hbm>> -> memref<51200x2048xf32, #tpu.memory_space<hbm>>
    tpu.enqueue_indirect_dma source(%dma_start3A_228 : memref<51200x2048xf32, #tpu.memory_space<hbm>>) target(%arg6 : memref<8x2048xf32, #tpu.memory_space<vmem>>) offsets(%dma_start3A_225 : memref<8xi32, #tpu.memory_space<vmem>>) semaphore(%arg12 : memref<!tpu.dma_semaphore, #tpu.memory_space<semaphore_mem>>)
    %dma_wait3A_229 = arith.constant 56 : i32
    %dma_wait3A_230 = tpu.memref_slice %arg5[%dma_wait3A_229] : memref<256xi32, #tpu.memory_space<vmem>> -> memref<8xi32, #tpu.memory_space<vmem>>
    %dma_wait3A_231 = arith.constant 0 : i32
    %dma_wait3A_232 = arith.constant 0 : i32
    %dma_wait3A_233 = tpu.memref_slice %arg3[%dma_wait3A_231, %dma_wait3A_232] : memref<51200x2048xf32, #tpu.memory_space<hbm>> -> memref<51200x2048xf32, #tpu.memory_space<hbm>>
    tpu.wait_indirect_dma semaphore(%arg13 : memref<!tpu.dma_semaphore, #tpu.memory_space<semaphore_mem>>) src(%dma_wait3A_233 : memref<51200x2048xf32, #tpu.memory_space<hbm>>) dst(%arg7 : memref<8x2048xf32, #tpu.memory_space<vmem>>)
    %add3A_234 = arith.constant 56 : i32
    %add3A_235 = arith.addi %mul3A_32, %add3A_234 : i32
    %dma_start3A_236 = arith.constant 0 : i32
    %dma_start3A_237 = tpu.memref_slice %arg4[%select_n3A, %add3A_235, %dma_start3A_236] : memref<4x2048x2048xf32, #tpu.memory_space<hbm>> -> memref<1x8x2048xf32, #tpu.memory_space<hbm>>
    %dma_start3A_238 = tpu.memref_squeeze %dma_start3A_237 : memref<1x8x2048xf32, #tpu.memory_space<hbm>> -> memref<8x2048xf32, #tpu.memory_space<hbm>>
    %dma_start3A_239 = arith.constant 0 : i32
    %dma_start3A_240 = tpu.memref_slice %arg4[%select_n3A, %add3A_235, %dma_start3A_239] : memref<4x2048x2048xf32, #tpu.memory_space<hbm>> -> memref<1x8x2048xf32, #tpu.memory_space<hbm>>
    %dma_start3A_241 = tpu.memref_squeeze %dma_start3A_240 : memref<1x8x2048xf32, #tpu.memory_space<hbm>> -> memref<8x2048xf32, #tpu.memory_space<hbm>>
    tpu.enqueue_dma source(%arg7 : memref<8x2048xf32, #tpu.memory_space<vmem>>) target(%dma_start3A_241 : memref<8x2048xf32, #tpu.memory_space<hbm>>) target_semaphore(%arg19 : memref<!tpu.dma_semaphore, #tpu.memory_space<semaphore_mem>>)
    %dma_wait3A_242 = arith.constant 0 : i32
    %dma_wait3A_243 = tpu.memref_slice %arg4[%select_n3A, %add3A_235, %dma_wait3A_242] : memref<4x2048x2048xf32, #tpu.memory_space<hbm>> -> memref<1x8x2048xf32, #tpu.memory_space<hbm>>
    %dma_wait3A_244 = tpu.memref_squeeze %dma_wait3A_243 : memref<1x8x2048xf32, #tpu.memory_space<hbm>> -> memref<8x2048xf32, #tpu.memory_space<hbm>>
    %dma_wait3A_245 = arith.constant 0 : i32
    %dma_wait3A_246 = tpu.memref_slice %arg4[%select_n3A, %add3A_235, %dma_wait3A_245] : memref<4x2048x2048xf32, #tpu.memory_space<hbm>> -> memref<1x8x2048xf32, #tpu.memory_space<hbm>>
    %dma_wait3A_247 = tpu.memref_squeeze %dma_wait3A_246 : memref<1x8x2048xf32, #tpu.memory_space<hbm>> -> memref<8x2048xf32, #tpu.memory_space<hbm>>
    tpu.wait_dma2 semaphore(%arg19 : memref<!tpu.dma_semaphore, #tpu.memory_space<semaphore_mem>>) src(%arg7 : memref<8x2048xf32, #tpu.memory_space<vmem>>) dst(%dma_wait3A_247 : memref<8x2048xf32, #tpu.memory_space<hbm>>)
    %dma_start3A_248 = arith.constant 104 : i32
    %dma_start3A_249 = tpu.memref_slice %arg5[%dma_start3A_248] : memref<256xi32, #tpu.memory_space<vmem>> -> memref<8xi32, #tpu.memory_space<vmem>>
    %dma_start3A_250 = arith.constant 0 : i32
    %dma_start3A_251 = arith.constant 0 : i32
    %dma_start3A_252 = tpu.memref_slice %arg3[%dma_start3A_250, %dma_start3A_251] : memref<51200x2048xf32, #tpu.memory_space<hbm>> -> memref<51200x2048xf32, #tpu.memory_space<hbm>>
    tpu.enqueue_indirect_dma source(%dma_start3A_252 : memref<51200x2048xf32, #tpu.memory_space<hbm>>) target(%arg7 : memref<8x2048xf32, #tpu.memory_space<vmem>>) offsets(%dma_start3A_249 : memref<8xi32, #tpu.memory_space<vmem>>) semaphore(%arg13 : memref<!tpu.dma_semaphore, #tpu.memory_space<semaphore_mem>>)
    %dma_wait3A_253 = arith.constant 64 : i32
    %dma_wait3A_254 = tpu.memref_slice %arg5[%dma_wait3A_253] : memref<256xi32, #tpu.memory_space<vmem>> -> memref<8xi32, #tpu.memory_space<vmem>>
    %dma_wait3A_255 = arith.constant 0 : i32
    %dma_wait3A_256 = arith.constant 0 : i32
    %dma_wait3A_257 = tpu.memref_slice %arg3[%dma_wait3A_255, %dma_wait3A_256] : memref<51200x2048xf32, #tpu.memory_space<hbm>> -> memref<51200x2048xf32, #tpu.memory_space<hbm>>
    tpu.wait_indirect_dma semaphore(%arg14 : memref<!tpu.dma_semaphore, #tpu.memory_space<semaphore_mem>>) src(%dma_wait3A_257 : memref<51200x2048xf32, #tpu.memory_space<hbm>>) dst(%arg8 : memref<8x2048xf32, #tpu.memory_space<vmem>>)
    %add3A_258 = arith.constant 64 : i32
    %add3A_259 = arith.addi %mul3A_32, %add3A_258 : i32
    %dma_start3A_260 = arith.constant 0 : i32
    %dma_start3A_261 = tpu.memref_slice %arg4[%select_n3A, %add3A_259, %dma_start3A_260] : memref<4x2048x2048xf32, #tpu.memory_space<hbm>> -> memref<1x8x2048xf32, #tpu.memory_space<hbm>>
    %dma_start3A_262 = tpu.memref_squeeze %dma_start3A_261 : memref<1x8x2048xf32, #tpu.memory_space<hbm>> -> memref<8x2048xf32, #tpu.memory_space<hbm>>
    %dma_start3A_263 = arith.constant 0 : i32
    %dma_start3A_264 = tpu.memref_slice %arg4[%select_n3A, %add3A_259, %dma_start3A_263] : memref<4x2048x2048xf32, #tpu.memory_space<hbm>> -> memref<1x8x2048xf32, #tpu.memory_space<hbm>>
    %dma_start3A_265 = tpu.memref_squeeze %dma_start3A_264 : memref<1x8x2048xf32, #tpu.memory_space<hbm>> -> memref<8x2048xf32, #tpu.memory_space<hbm>>
    tpu.enqueue_dma source(%arg8 : memref<8x2048xf32, #tpu.memory_space<vmem>>) target(%dma_start3A_265 : memref<8x2048xf32, #tpu.memory_space<hbm>>) target_semaphore(%arg20 : memref<!tpu.dma_semaphore, #tpu.memory_space<semaphore_mem>>)
    %dma_wait3A_266 = arith.constant 0 : i32
    %dma_wait3A_267 = tpu.memref_slice %arg4[%select_n3A, %add3A_259, %dma_wait3A_266] : memref<4x2048x2048xf32, #tpu.memory_space<hbm>> -> memref<1x8x2048xf32, #tpu.memory_space<hbm>>
    %dma_wait3A_268 = tpu.memref_squeeze %dma_wait3A_267 : memref<1x8x2048xf32, #tpu.memory_space<hbm>> -> memref<8x2048xf32, #tpu.memory_space<hbm>>
    %dma_wait3A_269 = arith.constant 0 : i32
    %dma_wait3A_270 = tpu.memref_slice %arg4[%select_n3A, %add3A_259, %dma_wait3A_269] : memref<4x2048x2048xf32, #tpu.memory_space<hbm>> -> memref<1x8x2048xf32, #tpu.memory_space<hbm>>
    %dma_wait3A_271 = tpu.memref_squeeze %dma_wait3A_270 : memref<1x8x2048xf32, #tpu.memory_space<hbm>> -> memref<8x2048xf32, #tpu.memory_space<hbm>>
    tpu.wait_dma2 semaphore(%arg20 : memref<!tpu.dma_semaphore, #tpu.memory_space<semaphore_mem>>) src(%arg8 : memref<8x2048xf32, #tpu.memory_space<vmem>>) dst(%dma_wait3A_271 : memref<8x2048xf32, #tpu.memory_space<hbm>>)
    %dma_start3A_272 = arith.constant 112 : i32
    %dma_start3A_273 = tpu.memref_slice %arg5[%dma_start3A_272] : memref<256xi32, #tpu.memory_space<vmem>> -> memref<8xi32, #tpu.memory_space<vmem>>
    %dma_start3A_274 = arith.constant 0 : i32
    %dma_start3A_275 = arith.constant 0 : i32
    %dma_start3A_276 = tpu.memref_slice %arg3[%dma_start3A_274, %dma_start3A_275] : memref<51200x2048xf32, #tpu.memory_space<hbm>> -> memref<51200x2048xf32, #tpu.memory_space<hbm>>
    tpu.enqueue_indirect_dma source(%dma_start3A_276 : memref<51200x2048xf32, #tpu.memory_space<hbm>>) target(%arg8 : memref<8x2048xf32, #tpu.memory_space<vmem>>) offsets(%dma_start3A_273 : memref<8xi32, #tpu.memory_space<vmem>>) semaphore(%arg14 : memref<!tpu.dma_semaphore, #tpu.memory_space<semaphore_mem>>)
    %dma_wait3A_277 = arith.constant 72 : i32
    %dma_wait3A_278 = tpu.memref_slice %arg5[%dma_wait3A_277] : memref<256xi32, #tpu.memory_space<vmem>> -> memref<8xi32, #tpu.memory_space<vmem>>
    %dma_wait3A_279 = arith.constant 0 : i32
    %dma_wait3A_280 = arith.constant 0 : i32
    %dma_wait3A_281 = tpu.memref_slice %arg3[%dma_wait3A_279, %dma_wait3A_280] : memref<51200x2048xf32, #tpu.memory_space<hbm>> -> memref<51200x2048xf32, #tpu.memory_space<hbm>>
    tpu.wait_indirect_dma semaphore(%arg15 : memref<!tpu.dma_semaphore, #tpu.memory_space<semaphore_mem>>) src(%dma_wait3A_281 : memref<51200x2048xf32, #tpu.memory_space<hbm>>) dst(%arg9 : memref<8x2048xf32, #tpu.memory_space<vmem>>)
    %add3A_282 = arith.constant 72 : i32
    %add3A_283 = arith.addi %mul3A_32, %add3A_282 : i32
    %dma_start3A_284 = arith.constant 0 : i32
    %dma_start3A_285 = tpu.memref_slice %arg4[%select_n3A, %add3A_283, %dma_start3A_284] : memref<4x2048x2048xf32, #tpu.memory_space<hbm>> -> memref<1x8x2048xf32, #tpu.memory_space<hbm>>
    %dma_start3A_286 = tpu.memref_squeeze %dma_start3A_285 : memref<1x8x2048xf32, #tpu.memory_space<hbm>> -> memref<8x2048xf32, #tpu.memory_space<hbm>>
    %dma_start3A_287 = arith.constant 0 : i32
    %dma_start3A_288 = tpu.memref_slice %arg4[%select_n3A, %add3A_283, %dma_start3A_287] : memref<4x2048x2048xf32, #tpu.memory_space<hbm>> -> memref<1x8x2048xf32, #tpu.memory_space<hbm>>
    %dma_start3A_289 = tpu.memref_squeeze %dma_start3A_288 : memref<1x8x2048xf32, #tpu.memory_space<hbm>> -> memref<8x2048xf32, #tpu.memory_space<hbm>>
    tpu.enqueue_dma source(%arg9 : memref<8x2048xf32, #tpu.memory_space<vmem>>) target(%dma_start3A_289 : memref<8x2048xf32, #tpu.memory_space<hbm>>) target_semaphore(%arg21 : memref<!tpu.dma_semaphore, #tpu.memory_space<semaphore_mem>>)
    %dma_wait3A_290 = arith.constant 0 : i32
    %dma_wait3A_291 = tpu.memref_slice %arg4[%select_n3A, %add3A_283, %dma_wait3A_290] : memref<4x2048x2048xf32, #tpu.memory_space<hbm>> -> memref<1x8x2048xf32, #tpu.memory_space<hbm>>
    %dma_wait3A_292 = tpu.memref_squeeze %dma_wait3A_291 : memref<1x8x2048xf32, #tpu.memory_space<hbm>> -> memref<8x2048xf32, #tpu.memory_space<hbm>>
    %dma_wait3A_293 = arith.constant 0 : i32
    %dma_wait3A_294 = tpu.memref_slice %arg4[%select_n3A, %add3A_283, %dma_wait3A_293] : memref<4x2048x2048xf32, #tpu.memory_space<hbm>> -> memref<1x8x2048xf32, #tpu.memory_space<hbm>>
    %dma_wait3A_295 = tpu.memref_squeeze %dma_wait3A_294 : memref<1x8x2048xf32, #tpu.memory_space<hbm>> -> memref<8x2048xf32, #tpu.memory_space<hbm>>
    tpu.wait_dma2 semaphore(%arg21 : memref<!tpu.dma_semaphore, #tpu.memory_space<semaphore_mem>>) src(%arg9 : memref<8x2048xf32, #tpu.memory_space<vmem>>) dst(%dma_wait3A_295 : memref<8x2048xf32, #tpu.memory_space<hbm>>)
    %dma_start3A_296 = arith.constant 120 : i32
    %dma_start3A_297 = tpu.memref_slice %arg5[%dma_start3A_296] : memref<256xi32, #tpu.memory_space<vmem>> -> memref<8xi32, #tpu.memory_space<vmem>>
    %dma_start3A_298 = arith.constant 0 : i32
    %dma_start3A_299 = arith.constant 0 : i32
    %dma_start3A_300 = tpu.memref_slice %arg3[%dma_start3A_298, %dma_start3A_299] : memref<51200x2048xf32, #tpu.memory_space<hbm>> -> memref<51200x2048xf32, #tpu.memory_space<hbm>>
    tpu.enqueue_indirect_dma source(%dma_start3A_300 : memref<51200x2048xf32, #tpu.memory_space<hbm>>) target(%arg9 : memref<8x2048xf32, #tpu.memory_space<vmem>>) offsets(%dma_start3A_297 : memref<8xi32, #tpu.memory_space<vmem>>) semaphore(%arg15 : memref<!tpu.dma_semaphore, #tpu.memory_space<semaphore_mem>>)
    %dma_wait3A_301 = arith.constant 80 : i32
    %dma_wait3A_302 = tpu.memref_slice %arg5[%dma_wait3A_301] : memref<256xi32, #tpu.memory_space<vmem>> -> memref<8xi32, #tpu.memory_space<vmem>>
    %dma_wait3A_303 = arith.constant 0 : i32
    %dma_wait3A_304 = arith.constant 0 : i32
    %dma_wait3A_305 = tpu.memref_slice %arg3[%dma_wait3A_303, %dma_wait3A_304] : memref<51200x2048xf32, #tpu.memory_space<hbm>> -> memref<51200x2048xf32, #tpu.memory_space<hbm>>
    tpu.wait_indirect_dma semaphore(%arg16 : memref<!tpu.dma_semaphore, #tpu.memory_space<semaphore_mem>>) src(%dma_wait3A_305 : memref<51200x2048xf32, #tpu.memory_space<hbm>>) dst(%arg10 : memref<8x2048xf32, #tpu.memory_space<vmem>>)
    %add3A_306 = arith.constant 80 : i32
    %add3A_307 = arith.addi %mul3A_32, %add3A_306 : i32
    %dma_start3A_308 = arith.constant 0 : i32
    %dma_start3A_309 = tpu.memref_slice %arg4[%select_n3A, %add3A_307, %dma_start3A_308] : memref<4x2048x2048xf32, #tpu.memory_space<hbm>> -> memref<1x8x2048xf32, #tpu.memory_space<hbm>>
    %dma_start3A_310 = tpu.memref_squeeze %dma_start3A_309 : memref<1x8x2048xf32, #tpu.memory_space<hbm>> -> memref<8x2048xf32, #tpu.memory_space<hbm>>
    %dma_start3A_311 = arith.constant 0 : i32
    %dma_start3A_312 = tpu.memref_slice %arg4[%select_n3A, %add3A_307, %dma_start3A_311] : memref<4x2048x2048xf32, #tpu.memory_space<hbm>> -> memref<1x8x2048xf32, #tpu.memory_space<hbm>>
    %dma_start3A_313 = tpu.memref_squeeze %dma_start3A_312 : memref<1x8x2048xf32, #tpu.memory_space<hbm>> -> memref<8x2048xf32, #tpu.memory_space<hbm>>
    tpu.enqueue_dma source(%arg10 : memref<8x2048xf32, #tpu.memory_space<vmem>>) target(%dma_start3A_313 : memref<8x2048xf32, #tpu.memory_space<hbm>>) target_semaphore(%arg22 : memref<!tpu.dma_semaphore, #tpu.memory_space<semaphore_mem>>)
    %dma_wait3A_314 = arith.constant 0 : i32
    %dma_wait3A_315 = tpu.memref_slice %arg4[%select_n3A, %add3A_307, %dma_wait3A_314] : memref<4x2048x2048xf32, #tpu.memory_space<hbm>> -> memref<1x8x2048xf32, #tpu.memory_space<hbm>>
    %dma_wait3A_316 = tpu.memref_squeeze %dma_wait3A_315 : memref<1x8x2048xf32, #tpu.memory_space<hbm>> -> memref<8x2048xf32, #tpu.memory_space<hbm>>
    %dma_wait3A_317 = arith.constant 0 : i32
    %dma_wait3A_318 = tpu.memref_slice %arg4[%select_n3A, %add3A_307, %dma_wait3A_317] : memref<4x2048x2048xf32, #tpu.memory_space<hbm>> -> memref<1x8x2048xf32, #tpu.memory_space<hbm>>
    %dma_wait3A_319 = tpu.memref_squeeze %dma_wait3A_318 : memref<1x8x2048xf32, #tpu.memory_space<hbm>> -> memref<8x2048xf32, #tpu.memory_space<hbm>>
    tpu.wait_dma2 semaphore(%arg22 : memref<!tpu.dma_semaphore, #tpu.memory_space<semaphore_mem>>) src(%arg10 : memref<8x2048xf32, #tpu.memory_space<vmem>>) dst(%dma_wait3A_319 : memref<8x2048xf32, #tpu.memory_space<hbm>>)
    %dma_start3A_320 = arith.constant 128 : i32
    %dma_start3A_321 = tpu.memref_slice %arg5[%dma_start3A_320] : memref<256xi32, #tpu.memory_space<vmem>> -> memref<8xi32, #tpu.memory_space<vmem>>
    %dma_start3A_322 = arith.constant 0 : i32
    %dma_start3A_323 = arith.constant 0 : i32
    %dma_start3A_324 = tpu.memref_slice %arg3[%dma_start3A_322, %dma_start3A_323] : memref<51200x2048xf32, #tpu.memory_space<hbm>> -> memref<51200x2048xf32, #tpu.memory_space<hbm>>
    tpu.enqueue_indirect_dma source(%dma_start3A_324 : memref<51200x2048xf32, #tpu.memory_space<hbm>>) target(%arg10 : memref<8x2048xf32, #tpu.memory_space<vmem>>) offsets(%dma_start3A_321 : memref<8xi32, #tpu.memory_space<vmem>>) semaphore(%arg16 : memref<!tpu.dma_semaphore, #tpu.memory_space<semaphore_mem>>)
    %dma_wait3A_325 = arith.constant 88 : i32
    %dma_wait3A_326 = tpu.memref_slice %arg5[%dma_wait3A_325] : memref<256xi32, #tpu.memory_space<vmem>> -> memref<8xi32, #tpu.memory_space<vmem>>
    %dma_wait3A_327 = arith.constant 0 : i32
    %dma_wait3A_328 = arith.constant 0 : i32
    %dma_wait3A_329 = tpu.memref_slice %arg3[%dma_wait3A_327, %dma_wait3A_328] : memref<51200x2048xf32, #tpu.memory_space<hbm>> -> memref<51200x2048xf32, #tpu.memory_space<hbm>>
    tpu.wait_indirect_dma semaphore(%arg17 : memref<!tpu.dma_semaphore, #tpu.memory_space<semaphore_mem>>) src(%dma_wait3A_329 : memref<51200x2048xf32, #tpu.memory_space<hbm>>) dst(%arg11 : memref<8x2048xf32, #tpu.memory_space<vmem>>)
    %add3A_330 = arith.constant 88 : i32
    %add3A_331 = arith.addi %mul3A_32, %add3A_330 : i32
    %dma_start3A_332 = arith.constant 0 : i32
    %dma_start3A_333 = tpu.memref_slice %arg4[%select_n3A, %add3A_331, %dma_start3A_332] : memref<4x2048x2048xf32, #tpu.memory_space<hbm>> -> memref<1x8x2048xf32, #tpu.memory_space<hbm>>
    %dma_start3A_334 = tpu.memref_squeeze %dma_start3A_333 : memref<1x8x2048xf32, #tpu.memory_space<hbm>> -> memref<8x2048xf32, #tpu.memory_space<hbm>>
    %dma_start3A_335 = arith.constant 0 : i32
    %dma_start3A_336 = tpu.memref_slice %arg4[%select_n3A, %add3A_331, %dma_start3A_335] : memref<4x2048x2048xf32, #tpu.memory_space<hbm>> -> memref<1x8x2048xf32, #tpu.memory_space<hbm>>
    %dma_start3A_337 = tpu.memref_squeeze %dma_start3A_336 : memref<1x8x2048xf32, #tpu.memory_space<hbm>> -> memref<8x2048xf32, #tpu.memory_space<hbm>>
    tpu.enqueue_dma source(%arg11 : memref<8x2048xf32, #tpu.memory_space<vmem>>) target(%dma_start3A_337 : memref<8x2048xf32, #tpu.memory_space<hbm>>) target_semaphore(%arg23 : memref<!tpu.dma_semaphore, #tpu.memory_space<semaphore_mem>>)
    %dma_wait3A_338 = arith.constant 0 : i32
    %dma_wait3A_339 = tpu.memref_slice %arg4[%select_n3A, %add3A_331, %dma_wait3A_338] : memref<4x2048x2048xf32, #tpu.memory_space<hbm>> -> memref<1x8x2048xf32, #tpu.memory_space<hbm>>
    %dma_wait3A_340 = tpu.memref_squeeze %dma_wait3A_339 : memref<1x8x2048xf32, #tpu.memory_space<hbm>> -> memref<8x2048xf32, #tpu.memory_space<hbm>>
    %dma_wait3A_341 = arith.constant 0 : i32
    %dma_wait3A_342 = tpu.memref_slice %arg4[%select_n3A, %add3A_331, %dma_wait3A_341] : memref<4x2048x2048xf32, #tpu.memory_space<hbm>> -> memref<1x8x2048xf32, #tpu.memory_space<hbm>>
    %dma_wait3A_343 = tpu.memref_squeeze %dma_wait3A_342 : memref<1x8x2048xf32, #tpu.memory_space<hbm>> -> memref<8x2048xf32, #tpu.memory_space<hbm>>
    tpu.wait_dma2 semaphore(%arg23 : memref<!tpu.dma_semaphore, #tpu.memory_space<semaphore_mem>>) src(%arg11 : memref<8x2048xf32, #tpu.memory_space<vmem>>) dst(%dma_wait3A_343 : memref<8x2048xf32, #tpu.memory_space<hbm>>)
    %dma_start3A_344 = arith.constant 136 : i32
    %dma_start3A_345 = tpu.memref_slice %arg5[%dma_start3A_344] : memref<256xi32, #tpu.memory_space<vmem>> -> memref<8xi32, #tpu.memory_space<vmem>>
    %dma_start3A_346 = arith.constant 0 : i32
    %dma_start3A_347 = arith.constant 0 : i32
    %dma_start3A_348 = tpu.memref_slice %arg3[%dma_start3A_346, %dma_start3A_347] : memref<51200x2048xf32, #tpu.memory_space<hbm>> -> memref<51200x2048xf32, #tpu.memory_space<hbm>>
    tpu.enqueue_indirect_dma source(%dma_start3A_348 : memref<51200x2048xf32, #tpu.memory_space<hbm>>) target(%arg11 : memref<8x2048xf32, #tpu.memory_space<vmem>>) offsets(%dma_start3A_345 : memref<8xi32, #tpu.memory_space<vmem>>) semaphore(%arg17 : memref<!tpu.dma_semaphore, #tpu.memory_space<semaphore_mem>>)
    %dma_wait3A_349 = arith.constant 96 : i32
    %dma_wait3A_350 = tpu.memref_slice %arg5[%dma_wait3A_349] : memref<256xi32, #tpu.memory_space<vmem>> -> memref<8xi32, #tpu.memory_space<vmem>>
    %dma_wait3A_351 = arith.constant 0 : i32
    %dma_wait3A_352 = arith.constant 0 : i32
    %dma_wait3A_353 = tpu.memref_slice %arg3[%dma_wait3A_351, %dma_wait3A_352] : memref<51200x2048xf32, #tpu.memory_space<hbm>> -> memref<51200x2048xf32, #tpu.memory_space<hbm>>
    tpu.wait_indirect_dma semaphore(%arg12 : memref<!tpu.dma_semaphore, #tpu.memory_space<semaphore_mem>>) src(%dma_wait3A_353 : memref<51200x2048xf32, #tpu.memory_space<hbm>>) dst(%arg6 : memref<8x2048xf32, #tpu.memory_space<vmem>>)
    %add3A_354 = arith.constant 96 : i32
    %add3A_355 = arith.addi %mul3A_32, %add3A_354 : i32
    %dma_start3A_356 = arith.constant 0 : i32
    %dma_start3A_357 = tpu.memref_slice %arg4[%select_n3A, %add3A_355, %dma_start3A_356] : memref<4x2048x2048xf32, #tpu.memory_space<hbm>> -> memref<1x8x2048xf32, #tpu.memory_space<hbm>>
    %dma_start3A_358 = tpu.memref_squeeze %dma_start3A_357 : memref<1x8x2048xf32, #tpu.memory_space<hbm>> -> memref<8x2048xf32, #tpu.memory_space<hbm>>
    %dma_start3A_359 = arith.constant 0 : i32
    %dma_start3A_360 = tpu.memref_slice %arg4[%select_n3A, %add3A_355, %dma_start3A_359] : memref<4x2048x2048xf32, #tpu.memory_space<hbm>> -> memref<1x8x2048xf32, #tpu.memory_space<hbm>>
    %dma_start3A_361 = tpu.memref_squeeze %dma_start3A_360 : memref<1x8x2048xf32, #tpu.memory_space<hbm>> -> memref<8x2048xf32, #tpu.memory_space<hbm>>
    tpu.enqueue_dma source(%arg6 : memref<8x2048xf32, #tpu.memory_space<vmem>>) target(%dma_start3A_361 : memref<8x2048xf32, #tpu.memory_space<hbm>>) target_semaphore(%arg18 : memref<!tpu.dma_semaphore, #tpu.memory_space<semaphore_mem>>)
    %dma_wait3A_362 = arith.constant 0 : i32
    %dma_wait3A_363 = tpu.memref_slice %arg4[%select_n3A, %add3A_355, %dma_wait3A_362] : memref<4x2048x2048xf32, #tpu.memory_space<hbm>> -> memref<1x8x2048xf32, #tpu.memory_space<hbm>>
    %dma_wait3A_364 = tpu.memref_squeeze %dma_wait3A_363 : memref<1x8x2048xf32, #tpu.memory_space<hbm>> -> memref<8x2048xf32, #tpu.memory_space<hbm>>
    %dma_wait3A_365 = arith.constant 0 : i32
    %dma_wait3A_366 = tpu.memref_slice %arg4[%select_n3A, %add3A_355, %dma_wait3A_365] : memref<4x2048x2048xf32, #tpu.memory_space<hbm>> -> memref<1x8x2048xf32, #tpu.memory_space<hbm>>
    %dma_wait3A_367 = tpu.memref_squeeze %dma_wait3A_366 : memref<1x8x2048xf32, #tpu.memory_space<hbm>> -> memref<8x2048xf32, #tpu.memory_space<hbm>>
    tpu.wait_dma2 semaphore(%arg18 : memref<!tpu.dma_semaphore, #tpu.memory_space<semaphore_mem>>) src(%arg6 : memref<8x2048xf32, #tpu.memory_space<vmem>>) dst(%dma_wait3A_367 : memref<8x2048xf32, #tpu.memory_space<hbm>>)
    %dma_start3A_368 = arith.constant 144 : i32
    %dma_start3A_369 = tpu.memref_slice %arg5[%dma_start3A_368] : memref<256xi32, #tpu.memory_space<vmem>> -> memref<8xi32, #tpu.memory_space<vmem>>
    %dma_start3A_370 = arith.constant 0 : i32
    %dma_start3A_371 = arith.constant 0 : i32
    %dma_start3A_372 = tpu.memref_slice %arg3[%dma_start3A_370, %dma_start3A_371] : memref<51200x2048xf32, #tpu.memory_space<hbm>> -> memref<51200x2048xf32, #tpu.memory_space<hbm>>
    tpu.enqueue_indirect_dma source(%dma_start3A_372 : memref<51200x2048xf32, #tpu.memory_space<hbm>>) target(%arg6 : memref<8x2048xf32, #tpu.memory_space<vmem>>) offsets(%dma_start3A_369 : memref<8xi32, #tpu.memory_space<vmem>>) semaphore(%arg12 : memref<!tpu.dma_semaphore, #tpu.memory_space<semaphore_mem>>)
    %dma_wait3A_373 = arith.constant 104 : i32
    %dma_wait3A_374 = tpu.memref_slice %arg5[%dma_wait3A_373] : memref<256xi32, #tpu.memory_space<vmem>> -> memref<8xi32, #tpu.memory_space<vmem>>
    %dma_wait3A_375 = arith.constant 0 : i32
    %dma_wait3A_376 = arith.constant 0 : i32
    %dma_wait3A_377 = tpu.memref_slice %arg3[%dma_wait3A_375, %dma_wait3A_376] : memref<51200x2048xf32, #tpu.memory_space<hbm>> -> memref<51200x2048xf32, #tpu.memory_space<hbm>>
    tpu.wait_indirect_dma semaphore(%arg13 : memref<!tpu.dma_semaphore, #tpu.memory_space<semaphore_mem>>) src(%dma_wait3A_377 : memref<51200x2048xf32, #tpu.memory_space<hbm>>) dst(%arg7 : memref<8x2048xf32, #tpu.memory_space<vmem>>)
    %add3A_378 = arith.constant 104 : i32
    %add3A_379 = arith.addi %mul3A_32, %add3A_378 : i32
    %dma_start3A_380 = arith.constant 0 : i32
    %dma_start3A_381 = tpu.memref_slice %arg4[%select_n3A, %add3A_379, %dma_start3A_380] : memref<4x2048x2048xf32, #tpu.memory_space<hbm>> -> memref<1x8x2048xf32, #tpu.memory_space<hbm>>
    %dma_start3A_382 = tpu.memref_squeeze %dma_start3A_381 : memref<1x8x2048xf32, #tpu.memory_space<hbm>> -> memref<8x2048xf32, #tpu.memory_space<hbm>>
    %dma_start3A_383 = arith.constant 0 : i32
    %dma_start3A_384 = tpu.memref_slice %arg4[%select_n3A, %add3A_379, %dma_start3A_383] : memref<4x2048x2048xf32, #tpu.memory_space<hbm>> -> memref<1x8x2048xf32, #tpu.memory_space<hbm>>
    %dma_start3A_385 = tpu.memref_squeeze %dma_start3A_384 : memref<1x8x2048xf32, #tpu.memory_space<hbm>> -> memref<8x2048xf32, #tpu.memory_space<hbm>>
    tpu.enqueue_dma source(%arg7 : memref<8x2048xf32, #tpu.memory_space<vmem>>) target(%dma_start3A_385 : memref<8x2048xf32, #tpu.memory_space<hbm>>) target_semaphore(%arg19 : memref<!tpu.dma_semaphore, #tpu.memory_space<semaphore_mem>>)
    %dma_wait3A_386 = arith.constant 0 : i32
    %dma_wait3A_387 = tpu.memref_slice %arg4[%select_n3A, %add3A_379, %dma_wait3A_386] : memref<4x2048x2048xf32, #tpu.memory_space<hbm>> -> memref<1x8x2048xf32, #tpu.memory_space<hbm>>
    %dma_wait3A_388 = tpu.memref_squeeze %dma_wait3A_387 : memref<1x8x2048xf32, #tpu.memory_space<hbm>> -> memref<8x2048xf32, #tpu.memory_space<hbm>>
    %dma_wait3A_389 = arith.constant 0 : i32
    %dma_wait3A_390 = tpu.memref_slice %arg4[%select_n3A, %add3A_379, %dma_wait3A_389] : memref<4x2048x2048xf32, #tpu.memory_space<hbm>> -> memref<1x8x2048xf32, #tpu.memory_space<hbm>>
    %dma_wait3A_391 = tpu.memref_squeeze %dma_wait3A_390 : memref<1x8x2048xf32, #tpu.memory_space<hbm>> -> memref<8x2048xf32, #tpu.memory_space<hbm>>
    tpu.wait_dma2 semaphore(%arg19 : memref<!tpu.dma_semaphore, #tpu.memory_space<semaphore_mem>>) src(%arg7 : memref<8x2048xf32, #tpu.memory_space<vmem>>) dst(%dma_wait3A_391 : memref<8x2048xf32, #tpu.memory_space<hbm>>)
    %dma_start3A_392 = arith.constant 152 : i32
    %dma_start3A_393 = tpu.memref_slice %arg5[%dma_start3A_392] : memref<256xi32, #tpu.memory_space<vmem>> -> memref<8xi32, #tpu.memory_space<vmem>>
    %dma_start3A_394 = arith.constant 0 : i32
    %dma_start3A_395 = arith.constant 0 : i32
    %dma_start3A_396 = tpu.memref_slice %arg3[%dma_start3A_394, %dma_start3A_395] : memref<51200x2048xf32, #tpu.memory_space<hbm>> -> memref<51200x2048xf32, #tpu.memory_space<hbm>>
    tpu.enqueue_indirect_dma source(%dma_start3A_396 : memref<51200x2048xf32, #tpu.memory_space<hbm>>) target(%arg7 : memref<8x2048xf32, #tpu.memory_space<vmem>>) offsets(%dma_start3A_393 : memref<8xi32, #tpu.memory_space<vmem>>) semaphore(%arg13 : memref<!tpu.dma_semaphore, #tpu.memory_space<semaphore_mem>>)
    %dma_wait3A_397 = arith.constant 112 : i32
    %dma_wait3A_398 = tpu.memref_slice %arg5[%dma_wait3A_397] : memref<256xi32, #tpu.memory_space<vmem>> -> memref<8xi32, #tpu.memory_space<vmem>>
    %dma_wait3A_399 = arith.constant 0 : i32
    %dma_wait3A_400 = arith.constant 0 : i32
    %dma_wait3A_401 = tpu.memref_slice %arg3[%dma_wait3A_399, %dma_wait3A_400] : memref<51200x2048xf32, #tpu.memory_space<hbm>> -> memref<51200x2048xf32, #tpu.memory_space<hbm>>
    tpu.wait_indirect_dma semaphore(%arg14 : memref<!tpu.dma_semaphore, #tpu.memory_space<semaphore_mem>>) src(%dma_wait3A_401 : memref<51200x2048xf32, #tpu.memory_space<hbm>>) dst(%arg8 : memref<8x2048xf32, #tpu.memory_space<vmem>>)
    %add3A_402 = arith.constant 112 : i32
    %add3A_403 = arith.addi %mul3A_32, %add3A_402 : i32
    %dma_start3A_404 = arith.constant 0 : i32
    %dma_start3A_405 = tpu.memref_slice %arg4[%select_n3A, %add3A_403, %dma_start3A_404] : memref<4x2048x2048xf32, #tpu.memory_space<hbm>> -> memref<1x8x2048xf32, #tpu.memory_space<hbm>>
    %dma_start3A_406 = tpu.memref_squeeze %dma_start3A_405 : memref<1x8x2048xf32, #tpu.memory_space<hbm>> -> memref<8x2048xf32, #tpu.memory_space<hbm>>
    %dma_start3A_407 = arith.constant 0 : i32
    %dma_start3A_408 = tpu.memref_slice %arg4[%select_n3A, %add3A_403, %dma_start3A_407] : memref<4x2048x2048xf32, #tpu.memory_space<hbm>> -> memref<1x8x2048xf32, #tpu.memory_space<hbm>>
    %dma_start3A_409 = tpu.memref_squeeze %dma_start3A_408 : memref<1x8x2048xf32, #tpu.memory_space<hbm>> -> memref<8x2048xf32, #tpu.memory_space<hbm>>
    tpu.enqueue_dma source(%arg8 : memref<8x2048xf32, #tpu.memory_space<vmem>>) target(%dma_start3A_409 : memref<8x2048xf32, #tpu.memory_space<hbm>>) target_semaphore(%arg20 : memref<!tpu.dma_semaphore, #tpu.memory_space<semaphore_mem>>)
    %dma_wait3A_410 = arith.constant 0 : i32
    %dma_wait3A_411 = tpu.memref_slice %arg4[%select_n3A, %add3A_403, %dma_wait3A_410] : memref<4x2048x2048xf32, #tpu.memory_space<hbm>> -> memref<1x8x2048xf32, #tpu.memory_space<hbm>>
    %dma_wait3A_412 = tpu.memref_squeeze %dma_wait3A_411 : memref<1x8x2048xf32, #tpu.memory_space<hbm>> -> memref<8x2048xf32, #tpu.memory_space<hbm>>
    %dma_wait3A_413 = arith.constant 0 : i32
    %dma_wait3A_414 = tpu.memref_slice %arg4[%select_n3A, %add3A_403, %dma_wait3A_413] : memref<4x2048x2048xf32, #tpu.memory_space<hbm>> -> memref<1x8x2048xf32, #tpu.memory_space<hbm>>
    %dma_wait3A_415 = tpu.memref_squeeze %dma_wait3A_414 : memref<1x8x2048xf32, #tpu.memory_space<hbm>> -> memref<8x2048xf32, #tpu.memory_space<hbm>>
    tpu.wait_dma2 semaphore(%arg20 : memref<!tpu.dma_semaphore, #tpu.memory_space<semaphore_mem>>) src(%arg8 : memref<8x2048xf32, #tpu.memory_space<vmem>>) dst(%dma_wait3A_415 : memref<8x2048xf32, #tpu.memory_space<hbm>>)
    %dma_start3A_416 = arith.constant 160 : i32
    %dma_start3A_417 = tpu.memref_slice %arg5[%dma_start3A_416] : memref<256xi32, #tpu.memory_space<vmem>> -> memref<8xi32, #tpu.memory_space<vmem>>
    %dma_start3A_418 = arith.constant 0 : i32
    %dma_start3A_419 = arith.constant 0 : i32
    %dma_start3A_420 = tpu.memref_slice %arg3[%dma_start3A_418, %dma_start3A_419] : memref<51200x2048xf32, #tpu.memory_space<hbm>> -> memref<51200x2048xf32, #tpu.memory_space<hbm>>
    tpu.enqueue_indirect_dma source(%dma_start3A_420 : memref<51200x2048xf32, #tpu.memory_space<hbm>>) target(%arg8 : memref<8x2048xf32, #tpu.memory_space<vmem>>) offsets(%dma_start3A_417 : memref<8xi32, #tpu.memory_space<vmem>>) semaphore(%arg14 : memref<!tpu.dma_semaphore, #tpu.memory_space<semaphore_mem>>)
    %dma_wait3A_421 = arith.constant 120 : i32
    %dma_wait3A_422 = tpu.memref_slice %arg5[%dma_wait3A_421] : memref<256xi32, #tpu.memory_space<vmem>> -> memref<8xi32, #tpu.memory_space<vmem>>
    %dma_wait3A_423 = arith.constant 0 : i32
    %dma_wait3A_424 = arith.constant 0 : i32
    %dma_wait3A_425 = tpu.memref_slice %arg3[%dma_wait3A_423, %dma_wait3A_424] : memref<51200x2048xf32, #tpu.memory_space<hbm>> -> memref<51200x2048xf32, #tpu.memory_space<hbm>>
    tpu.wait_indirect_dma semaphore(%arg15 : memref<!tpu.dma_semaphore, #tpu.memory_space<semaphore_mem>>) src(%dma_wait3A_425 : memref<51200x2048xf32, #tpu.memory_space<hbm>>) dst(%arg9 : memref<8x2048xf32, #tpu.memory_space<vmem>>)
    %add3A_426 = arith.constant 120 : i32
    %add3A_427 = arith.addi %mul3A_32, %add3A_426 : i32
    %dma_start3A_428 = arith.constant 0 : i32
    %dma_start3A_429 = tpu.memref_slice %arg4[%select_n3A, %add3A_427, %dma_start3A_428] : memref<4x2048x2048xf32, #tpu.memory_space<hbm>> -> memref<1x8x2048xf32, #tpu.memory_space<hbm>>
    %dma_start3A_430 = tpu.memref_squeeze %dma_start3A_429 : memref<1x8x2048xf32, #tpu.memory_space<hbm>> -> memref<8x2048xf32, #tpu.memory_space<hbm>>
    %dma_start3A_431 = arith.constant 0 : i32
    %dma_start3A_432 = tpu.memref_slice %arg4[%select_n3A, %add3A_427, %dma_start3A_431] : memref<4x2048x2048xf32, #tpu.memory_space<hbm>> -> memref<1x8x2048xf32, #tpu.memory_space<hbm>>
    %dma_start3A_433 = tpu.memref_squeeze %dma_start3A_432 : memref<1x8x2048xf32, #tpu.memory_space<hbm>> -> memref<8x2048xf32, #tpu.memory_space<hbm>>
    tpu.enqueue_dma source(%arg9 : memref<8x2048xf32, #tpu.memory_space<vmem>>) target(%dma_start3A_433 : memref<8x2048xf32, #tpu.memory_space<hbm>>) target_semaphore(%arg21 : memref<!tpu.dma_semaphore, #tpu.memory_space<semaphore_mem>>)
    %dma_wait3A_434 = arith.constant 0 : i32
    %dma_wait3A_435 = tpu.memref_slice %arg4[%select_n3A, %add3A_427, %dma_wait3A_434] : memref<4x2048x2048xf32, #tpu.memory_space<hbm>> -> memref<1x8x2048xf32, #tpu.memory_space<hbm>>
    %dma_wait3A_436 = tpu.memref_squeeze %dma_wait3A_435 : memref<1x8x2048xf32, #tpu.memory_space<hbm>> -> memref<8x2048xf32, #tpu.memory_space<hbm>>
    %dma_wait3A_437 = arith.constant 0 : i32
    %dma_wait3A_438 = tpu.memref_slice %arg4[%select_n3A, %add3A_427, %dma_wait3A_437] : memref<4x2048x2048xf32, #tpu.memory_space<hbm>> -> memref<1x8x2048xf32, #tpu.memory_space<hbm>>
    %dma_wait3A_439 = tpu.memref_squeeze %dma_wait3A_438 : memref<1x8x2048xf32, #tpu.memory_space<hbm>> -> memref<8x2048xf32, #tpu.memory_space<hbm>>
    tpu.wait_dma2 semaphore(%arg21 : memref<!tpu.dma_semaphore, #tpu.memory_space<semaphore_mem>>) src(%arg9 : memref<8x2048xf32, #tpu.memory_space<vmem>>) dst(%dma_wait3A_439 : memref<8x2048xf32, #tpu.memory_space<hbm>>)
    %dma_start3A_440 = arith.constant 168 : i32
    %dma_start3A_441 = tpu.memref_slice %arg5[%dma_start3A_440] : memref<256xi32, #tpu.memory_space<vmem>> -> memref<8xi32, #tpu.memory_space<vmem>>
    %dma_start3A_442 = arith.constant 0 : i32
    %dma_start3A_443 = arith.constant 0 : i32
    %dma_start3A_444 = tpu.memref_slice %arg3[%dma_start3A_442, %dma_start3A_443] : memref<51200x2048xf32, #tpu.memory_space<hbm>> -> memref<51200x2048xf32, #tpu.memory_space<hbm>>
    tpu.enqueue_indirect_dma source(%dma_start3A_444 : memref<51200x2048xf32, #tpu.memory_space<hbm>>) target(%arg9 : memref<8x2048xf32, #tpu.memory_space<vmem>>) offsets(%dma_start3A_441 : memref<8xi32, #tpu.memory_space<vmem>>) semaphore(%arg15 : memref<!tpu.dma_semaphore, #tpu.memory_space<semaphore_mem>>)
    %dma_wait3A_445 = arith.constant 128 : i32
    %dma_wait3A_446 = tpu.memref_slice %arg5[%dma_wait3A_445] : memref<256xi32, #tpu.memory_space<vmem>> -> memref<8xi32, #tpu.memory_space<vmem>>
    %dma_wait3A_447 = arith.constant 0 : i32
    %dma_wait3A_448 = arith.constant 0 : i32
    %dma_wait3A_449 = tpu.memref_slice %arg3[%dma_wait3A_447, %dma_wait3A_448] : memref<51200x2048xf32, #tpu.memory_space<hbm>> -> memref<51200x2048xf32, #tpu.memory_space<hbm>>
    tpu.wait_indirect_dma semaphore(%arg16 : memref<!tpu.dma_semaphore, #tpu.memory_space<semaphore_mem>>) src(%dma_wait3A_449 : memref<51200x2048xf32, #tpu.memory_space<hbm>>) dst(%arg10 : memref<8x2048xf32, #tpu.memory_space<vmem>>)
    %add3A_450 = arith.constant 128 : i32
    %add3A_451 = arith.addi %mul3A_32, %add3A_450 : i32
    %dma_start3A_452 = arith.constant 0 : i32
    %dma_start3A_453 = tpu.memref_slice %arg4[%select_n3A, %add3A_451, %dma_start3A_452] : memref<4x2048x2048xf32, #tpu.memory_space<hbm>> -> memref<1x8x2048xf32, #tpu.memory_space<hbm>>
    %dma_start3A_454 = tpu.memref_squeeze %dma_start3A_453 : memref<1x8x2048xf32, #tpu.memory_space<hbm>> -> memref<8x2048xf32, #tpu.memory_space<hbm>>
    %dma_start3A_455 = arith.constant 0 : i32
    %dma_start3A_456 = tpu.memref_slice %arg4[%select_n3A, %add3A_451, %dma_start3A_455] : memref<4x2048x2048xf32, #tpu.memory_space<hbm>> -> memref<1x8x2048xf32, #tpu.memory_space<hbm>>
    %dma_start3A_457 = tpu.memref_squeeze %dma_start3A_456 : memref<1x8x2048xf32, #tpu.memory_space<hbm>> -> memref<8x2048xf32, #tpu.memory_space<hbm>>
    tpu.enqueue_dma source(%arg10 : memref<8x2048xf32, #tpu.memory_space<vmem>>) target(%dma_start3A_457 : memref<8x2048xf32, #tpu.memory_space<hbm>>) target_semaphore(%arg22 : memref<!tpu.dma_semaphore, #tpu.memory_space<semaphore_mem>>)
    %dma_wait3A_458 = arith.constant 0 : i32
    %dma_wait3A_459 = tpu.memref_slice %arg4[%select_n3A, %add3A_451, %dma_wait3A_458] : memref<4x2048x2048xf32, #tpu.memory_space<hbm>> -> memref<1x8x2048xf32, #tpu.memory_space<hbm>>
    %dma_wait3A_460 = tpu.memref_squeeze %dma_wait3A_459 : memref<1x8x2048xf32, #tpu.memory_space<hbm>> -> memref<8x2048xf32, #tpu.memory_space<hbm>>
    %dma_wait3A_461 = arith.constant 0 : i32
    %dma_wait3A_462 = tpu.memref_slice %arg4[%select_n3A, %add3A_451, %dma_wait3A_461] : memref<4x2048x2048xf32, #tpu.memory_space<hbm>> -> memref<1x8x2048xf32, #tpu.memory_space<hbm>>
    %dma_wait3A_463 = tpu.memref_squeeze %dma_wait3A_462 : memref<1x8x2048xf32, #tpu.memory_space<hbm>> -> memref<8x2048xf32, #tpu.memory_space<hbm>>
    tpu.wait_dma2 semaphore(%arg22 : memref<!tpu.dma_semaphore, #tpu.memory_space<semaphore_mem>>) src(%arg10 : memref<8x2048xf32, #tpu.memory_space<vmem>>) dst(%dma_wait3A_463 : memref<8x2048xf32, #tpu.memory_space<hbm>>)
    %dma_start3A_464 = arith.constant 176 : i32
    %dma_start3A_465 = tpu.memref_slice %arg5[%dma_start3A_464] : memref<256xi32, #tpu.memory_space<vmem>> -> memref<8xi32, #tpu.memory_space<vmem>>
    %dma_start3A_466 = arith.constant 0 : i32
    %dma_start3A_467 = arith.constant 0 : i32
    %dma_start3A_468 = tpu.memref_slice %arg3[%dma_start3A_466, %dma_start3A_467] : memref<51200x2048xf32, #tpu.memory_space<hbm>> -> memref<51200x2048xf32, #tpu.memory_space<hbm>>
    tpu.enqueue_indirect_dma source(%dma_start3A_468 : memref<51200x2048xf32, #tpu.memory_space<hbm>>) target(%arg10 : memref<8x2048xf32, #tpu.memory_space<vmem>>) offsets(%dma_start3A_465 : memref<8xi32, #tpu.memory_space<vmem>>) semaphore(%arg16 : memref<!tpu.dma_semaphore, #tpu.memory_space<semaphore_mem>>)
    %dma_wait3A_469 = arith.constant 136 : i32
    %dma_wait3A_470 = tpu.memref_slice %arg5[%dma_wait3A_469] : memref<256xi32, #tpu.memory_space<vmem>> -> memref<8xi32, #tpu.memory_space<vmem>>
    %dma_wait3A_471 = arith.constant 0 : i32
    %dma_wait3A_472 = arith.constant 0 : i32
    %dma_wait3A_473 = tpu.memref_slice %arg3[%dma_wait3A_471, %dma_wait3A_472] : memref<51200x2048xf32, #tpu.memory_space<hbm>> -> memref<51200x2048xf32, #tpu.memory_space<hbm>>
    tpu.wait_indirect_dma semaphore(%arg17 : memref<!tpu.dma_semaphore, #tpu.memory_space<semaphore_mem>>) src(%dma_wait3A_473 : memref<51200x2048xf32, #tpu.memory_space<hbm>>) dst(%arg11 : memref<8x2048xf32, #tpu.memory_space<vmem>>)
    %add3A_474 = arith.constant 136 : i32
    %add3A_475 = arith.addi %mul3A_32, %add3A_474 : i32
    %dma_start3A_476 = arith.constant 0 : i32
    %dma_start3A_477 = tpu.memref_slice %arg4[%select_n3A, %add3A_475, %dma_start3A_476] : memref<4x2048x2048xf32, #tpu.memory_space<hbm>> -> memref<1x8x2048xf32, #tpu.memory_space<hbm>>
    %dma_start3A_478 = tpu.memref_squeeze %dma_start3A_477 : memref<1x8x2048xf32, #tpu.memory_space<hbm>> -> memref<8x2048xf32, #tpu.memory_space<hbm>>
    %dma_start3A_479 = arith.constant 0 : i32
    %dma_start3A_480 = tpu.memref_slice %arg4[%select_n3A, %add3A_475, %dma_start3A_479] : memref<4x2048x2048xf32, #tpu.memory_space<hbm>> -> memref<1x8x2048xf32, #tpu.memory_space<hbm>>
    %dma_start3A_481 = tpu.memref_squeeze %dma_start3A_480 : memref<1x8x2048xf32, #tpu.memory_space<hbm>> -> memref<8x2048xf32, #tpu.memory_space<hbm>>
    tpu.enqueue_dma source(%arg11 : memref<8x2048xf32, #tpu.memory_space<vmem>>) target(%dma_start3A_481 : memref<8x2048xf32, #tpu.memory_space<hbm>>) target_semaphore(%arg23 : memref<!tpu.dma_semaphore, #tpu.memory_space<semaphore_mem>>)
    %dma_wait3A_482 = arith.constant 0 : i32
    %dma_wait3A_483 = tpu.memref_slice %arg4[%select_n3A, %add3A_475, %dma_wait3A_482] : memref<4x2048x2048xf32, #tpu.memory_space<hbm>> -> memref<1x8x2048xf32, #tpu.memory_space<hbm>>
    %dma_wait3A_484 = tpu.memref_squeeze %dma_wait3A_483 : memref<1x8x2048xf32, #tpu.memory_space<hbm>> -> memref<8x2048xf32, #tpu.memory_space<hbm>>
    %dma_wait3A_485 = arith.constant 0 : i32
    %dma_wait3A_486 = tpu.memref_slice %arg4[%select_n3A, %add3A_475, %dma_wait3A_485] : memref<4x2048x2048xf32, #tpu.memory_space<hbm>> -> memref<1x8x2048xf32, #tpu.memory_space<hbm>>
    %dma_wait3A_487 = tpu.memref_squeeze %dma_wait3A_486 : memref<1x8x2048xf32, #tpu.memory_space<hbm>> -> memref<8x2048xf32, #tpu.memory_space<hbm>>
    tpu.wait_dma2 semaphore(%arg23 : memref<!tpu.dma_semaphore, #tpu.memory_space<semaphore_mem>>) src(%arg11 : memref<8x2048xf32, #tpu.memory_space<vmem>>) dst(%dma_wait3A_487 : memref<8x2048xf32, #tpu.memory_space<hbm>>)
    %dma_start3A_488 = arith.constant 184 : i32
    %dma_start3A_489 = tpu.memref_slice %arg5[%dma_start3A_488] : memref<256xi32, #tpu.memory_space<vmem>> -> memref<8xi32, #tpu.memory_space<vmem>>
    %dma_start3A_490 = arith.constant 0 : i32
    %dma_start3A_491 = arith.constant 0 : i32
    %dma_start3A_492 = tpu.memref_slice %arg3[%dma_start3A_490, %dma_start3A_491] : memref<51200x2048xf32, #tpu.memory_space<hbm>> -> memref<51200x2048xf32, #tpu.memory_space<hbm>>
    tpu.enqueue_indirect_dma source(%dma_start3A_492 : memref<51200x2048xf32, #tpu.memory_space<hbm>>) target(%arg11 : memref<8x2048xf32, #tpu.memory_space<vmem>>) offsets(%dma_start3A_489 : memref<8xi32, #tpu.memory_space<vmem>>) semaphore(%arg17 : memref<!tpu.dma_semaphore, #tpu.memory_space<semaphore_mem>>)
    %dma_wait3A_493 = arith.constant 144 : i32
    %dma_wait3A_494 = tpu.memref_slice %arg5[%dma_wait3A_493] : memref<256xi32, #tpu.memory_space<vmem>> -> memref<8xi32, #tpu.memory_space<vmem>>
    %dma_wait3A_495 = arith.constant 0 : i32
    %dma_wait3A_496 = arith.constant 0 : i32
    %dma_wait3A_497 = tpu.memref_slice %arg3[%dma_wait3A_495, %dma_wait3A_496] : memref<51200x2048xf32, #tpu.memory_space<hbm>> -> memref<51200x2048xf32, #tpu.memory_space<hbm>>
    tpu.wait_indirect_dma semaphore(%arg12 : memref<!tpu.dma_semaphore, #tpu.memory_space<semaphore_mem>>) src(%dma_wait3A_497 : memref<51200x2048xf32, #tpu.memory_space<hbm>>) dst(%arg6 : memref<8x2048xf32, #tpu.memory_space<vmem>>)
    %add3A_498 = arith.constant 144 : i32
    %add3A_499 = arith.addi %mul3A_32, %add3A_498 : i32
    %dma_start3A_500 = arith.constant 0 : i32
    %dma_start3A_501 = tpu.memref_slice %arg4[%select_n3A, %add3A_499, %dma_start3A_500] : memref<4x2048x2048xf32, #tpu.memory_space<hbm>> -> memref<1x8x2048xf32, #tpu.memory_space<hbm>>
    %dma_start3A_502 = tpu.memref_squeeze %dma_start3A_501 : memref<1x8x2048xf32, #tpu.memory_space<hbm>> -> memref<8x2048xf32, #tpu.memory_space<hbm>>
    %dma_start3A_503 = arith.constant 0 : i32
    %dma_start3A_504 = tpu.memref_slice %arg4[%select_n3A, %add3A_499, %dma_start3A_503] : memref<4x2048x2048xf32, #tpu.memory_space<hbm>> -> memref<1x8x2048xf32, #tpu.memory_space<hbm>>
    %dma_start3A_505 = tpu.memref_squeeze %dma_start3A_504 : memref<1x8x2048xf32, #tpu.memory_space<hbm>> -> memref<8x2048xf32, #tpu.memory_space<hbm>>
    tpu.enqueue_dma source(%arg6 : memref<8x2048xf32, #tpu.memory_space<vmem>>) target(%dma_start3A_505 : memref<8x2048xf32, #tpu.memory_space<hbm>>) target_semaphore(%arg18 : memref<!tpu.dma_semaphore, #tpu.memory_space<semaphore_mem>>)
    %dma_wait3A_506 = arith.constant 0 : i32
    %dma_wait3A_507 = tpu.memref_slice %arg4[%select_n3A, %add3A_499, %dma_wait3A_506] : memref<4x2048x2048xf32, #tpu.memory_space<hbm>> -> memref<1x8x2048xf32, #tpu.memory_space<hbm>>
    %dma_wait3A_508 = tpu.memref_squeeze %dma_wait3A_507 : memref<1x8x2048xf32, #tpu.memory_space<hbm>> -> memref<8x2048xf32, #tpu.memory_space<hbm>>
    %dma_wait3A_509 = arith.constant 0 : i32
    %dma_wait3A_510 = tpu.memref_slice %arg4[%select_n3A, %add3A_499, %dma_wait3A_509] : memref<4x2048x2048xf32, #tpu.memory_space<hbm>> -> memref<1x8x2048xf32, #tpu.memory_space<hbm>>
    %dma_wait3A_511 = tpu.memref_squeeze %dma_wait3A_510 : memref<1x8x2048xf32, #tpu.memory_space<hbm>> -> memref<8x2048xf32, #tpu.memory_space<hbm>>
    tpu.wait_dma2 semaphore(%arg18 : memref<!tpu.dma_semaphore, #tpu.memory_space<semaphore_mem>>) src(%arg6 : memref<8x2048xf32, #tpu.memory_space<vmem>>) dst(%dma_wait3A_511 : memref<8x2048xf32, #tpu.memory_space<hbm>>)
    %dma_start3A_512 = arith.constant 192 : i32
    %dma_start3A_513 = tpu.memref_slice %arg5[%dma_start3A_512] : memref<256xi32, #tpu.memory_space<vmem>> -> memref<8xi32, #tpu.memory_space<vmem>>
    %dma_start3A_514 = arith.constant 0 : i32
    %dma_start3A_515 = arith.constant 0 : i32
    %dma_start3A_516 = tpu.memref_slice %arg3[%dma_start3A_514, %dma_start3A_515] : memref<51200x2048xf32, #tpu.memory_space<hbm>> -> memref<51200x2048xf32, #tpu.memory_space<hbm>>
    tpu.enqueue_indirect_dma source(%dma_start3A_516 : memref<51200x2048xf32, #tpu.memory_space<hbm>>) target(%arg6 : memref<8x2048xf32, #tpu.memory_space<vmem>>) offsets(%dma_start3A_513 : memref<8xi32, #tpu.memory_space<vmem>>) semaphore(%arg12 : memref<!tpu.dma_semaphore, #tpu.memory_space<semaphore_mem>>)
    %dma_wait3A_517 = arith.constant 152 : i32
    %dma_wait3A_518 = tpu.memref_slice %arg5[%dma_wait3A_517] : memref<256xi32, #tpu.memory_space<vmem>> -> memref<8xi32, #tpu.memory_space<vmem>>
    %dma_wait3A_519 = arith.constant 0 : i32
    %dma_wait3A_520 = arith.constant 0 : i32
    %dma_wait3A_521 = tpu.memref_slice %arg3[%dma_wait3A_519, %dma_wait3A_520] : memref<51200x2048xf32, #tpu.memory_space<hbm>> -> memref<51200x2048xf32, #tpu.memory_space<hbm>>
    tpu.wait_indirect_dma semaphore(%arg13 : memref<!tpu.dma_semaphore, #tpu.memory_space<semaphore_mem>>) src(%dma_wait3A_521 : memref<51200x2048xf32, #tpu.memory_space<hbm>>) dst(%arg7 : memref<8x2048xf32, #tpu.memory_space<vmem>>)
    %add3A_522 = arith.constant 152 : i32
    %add3A_523 = arith.addi %mul3A_32, %add3A_522 : i32
    %dma_start3A_524 = arith.constant 0 : i32
    %dma_start3A_525 = tpu.memref_slice %arg4[%select_n3A, %add3A_523, %dma_start3A_524] : memref<4x2048x2048xf32, #tpu.memory_space<hbm>> -> memref<1x8x2048xf32, #tpu.memory_space<hbm>>
    %dma_start3A_526 = tpu.memref_squeeze %dma_start3A_525 : memref<1x8x2048xf32, #tpu.memory_space<hbm>> -> memref<8x2048xf32, #tpu.memory_space<hbm>>
    %dma_start3A_527 = arith.constant 0 : i32
    %dma_start3A_528 = tpu.memref_slice %arg4[%select_n3A, %add3A_523, %dma_start3A_527] : memref<4x2048x2048xf32, #tpu.memory_space<hbm>> -> memref<1x8x2048xf32, #tpu.memory_space<hbm>>
    %dma_start3A_529 = tpu.memref_squeeze %dma_start3A_528 : memref<1x8x2048xf32, #tpu.memory_space<hbm>> -> memref<8x2048xf32, #tpu.memory_space<hbm>>
    tpu.enqueue_dma source(%arg7 : memref<8x2048xf32, #tpu.memory_space<vmem>>) target(%dma_start3A_529 : memref<8x2048xf32, #tpu.memory_space<hbm>>) target_semaphore(%arg19 : memref<!tpu.dma_semaphore, #tpu.memory_space<semaphore_mem>>)
    %dma_wait3A_530 = arith.constant 0 : i32
    %dma_wait3A_531 = tpu.memref_slice %arg4[%select_n3A, %add3A_523, %dma_wait3A_530] : memref<4x2048x2048xf32, #tpu.memory_space<hbm>> -> memref<1x8x2048xf32, #tpu.memory_space<hbm>>
    %dma_wait3A_532 = tpu.memref_squeeze %dma_wait3A_531 : memref<1x8x2048xf32, #tpu.memory_space<hbm>> -> memref<8x2048xf32, #tpu.memory_space<hbm>>
    %dma_wait3A_533 = arith.constant 0 : i32
    %dma_wait3A_534 = tpu.memref_slice %arg4[%select_n3A, %add3A_523, %dma_wait3A_533] : memref<4x2048x2048xf32, #tpu.memory_space<hbm>> -> memref<1x8x2048xf32, #tpu.memory_space<hbm>>
    %dma_wait3A_535 = tpu.memref_squeeze %dma_wait3A_534 : memref<1x8x2048xf32, #tpu.memory_space<hbm>> -> memref<8x2048xf32, #tpu.memory_space<hbm>>
    tpu.wait_dma2 semaphore(%arg19 : memref<!tpu.dma_semaphore, #tpu.memory_space<semaphore_mem>>) src(%arg7 : memref<8x2048xf32, #tpu.memory_space<vmem>>) dst(%dma_wait3A_535 : memref<8x2048xf32, #tpu.memory_space<hbm>>)
    %dma_start3A_536 = arith.constant 200 : i32
    %dma_start3A_537 = tpu.memref_slice %arg5[%dma_start3A_536] : memref<256xi32, #tpu.memory_space<vmem>> -> memref<8xi32, #tpu.memory_space<vmem>>
    %dma_start3A_538 = arith.constant 0 : i32
    %dma_start3A_539 = arith.constant 0 : i32
    %dma_start3A_540 = tpu.memref_slice %arg3[%dma_start3A_538, %dma_start3A_539] : memref<51200x2048xf32, #tpu.memory_space<hbm>> -> memref<51200x2048xf32, #tpu.memory_space<hbm>>
    tpu.enqueue_indirect_dma source(%dma_start3A_540 : memref<51200x2048xf32, #tpu.memory_space<hbm>>) target(%arg7 : memref<8x2048xf32, #tpu.memory_space<vmem>>) offsets(%dma_start3A_537 : memref<8xi32, #tpu.memory_space<vmem>>) semaphore(%arg13 : memref<!tpu.dma_semaphore, #tpu.memory_space<semaphore_mem>>)
    %dma_wait3A_541 = arith.constant 160 : i32
    %dma_wait3A_542 = tpu.memref_slice %arg5[%dma_wait3A_541] : memref<256xi32, #tpu.memory_space<vmem>> -> memref<8xi32, #tpu.memory_space<vmem>>
    %dma_wait3A_543 = arith.constant 0 : i32
    %dma_wait3A_544 = arith.constant 0 : i32
    %dma_wait3A_545 = tpu.memref_slice %arg3[%dma_wait3A_543, %dma_wait3A_544] : memref<51200x2048xf32, #tpu.memory_space<hbm>> -> memref<51200x2048xf32, #tpu.memory_space<hbm>>
    tpu.wait_indirect_dma semaphore(%arg14 : memref<!tpu.dma_semaphore, #tpu.memory_space<semaphore_mem>>) src(%dma_wait3A_545 : memref<51200x2048xf32, #tpu.memory_space<hbm>>) dst(%arg8 : memref<8x2048xf32, #tpu.memory_space<vmem>>)
    %add3A_546 = arith.constant 160 : i32
    %add3A_547 = arith.addi %mul3A_32, %add3A_546 : i32
    %dma_start3A_548 = arith.constant 0 : i32
    %dma_start3A_549 = tpu.memref_slice %arg4[%select_n3A, %add3A_547, %dma_start3A_548] : memref<4x2048x2048xf32, #tpu.memory_space<hbm>> -> memref<1x8x2048xf32, #tpu.memory_space<hbm>>
    %dma_start3A_550 = tpu.memref_squeeze %dma_start3A_549 : memref<1x8x2048xf32, #tpu.memory_space<hbm>> -> memref<8x2048xf32, #tpu.memory_space<hbm>>
    %dma_start3A_551 = arith.constant 0 : i32
    %dma_start3A_552 = tpu.memref_slice %arg4[%select_n3A, %add3A_547, %dma_start3A_551] : memref<4x2048x2048xf32, #tpu.memory_space<hbm>> -> memref<1x8x2048xf32, #tpu.memory_space<hbm>>
    %dma_start3A_553 = tpu.memref_squeeze %dma_start3A_552 : memref<1x8x2048xf32, #tpu.memory_space<hbm>> -> memref<8x2048xf32, #tpu.memory_space<hbm>>
    tpu.enqueue_dma source(%arg8 : memref<8x2048xf32, #tpu.memory_space<vmem>>) target(%dma_start3A_553 : memref<8x2048xf32, #tpu.memory_space<hbm>>) target_semaphore(%arg20 : memref<!tpu.dma_semaphore, #tpu.memory_space<semaphore_mem>>)
    %dma_wait3A_554 = arith.constant 0 : i32
    %dma_wait3A_555 = tpu.memref_slice %arg4[%select_n3A, %add3A_547, %dma_wait3A_554] : memref<4x2048x2048xf32, #tpu.memory_space<hbm>> -> memref<1x8x2048xf32, #tpu.memory_space<hbm>>
    %dma_wait3A_556 = tpu.memref_squeeze %dma_wait3A_555 : memref<1x8x2048xf32, #tpu.memory_space<hbm>> -> memref<8x2048xf32, #tpu.memory_space<hbm>>
    %dma_wait3A_557 = arith.constant 0 : i32
    %dma_wait3A_558 = tpu.memref_slice %arg4[%select_n3A, %add3A_547, %dma_wait3A_557] : memref<4x2048x2048xf32, #tpu.memory_space<hbm>> -> memref<1x8x2048xf32, #tpu.memory_space<hbm>>
    %dma_wait3A_559 = tpu.memref_squeeze %dma_wait3A_558 : memref<1x8x2048xf32, #tpu.memory_space<hbm>> -> memref<8x2048xf32, #tpu.memory_space<hbm>>
    tpu.wait_dma2 semaphore(%arg20 : memref<!tpu.dma_semaphore, #tpu.memory_space<semaphore_mem>>) src(%arg8 : memref<8x2048xf32, #tpu.memory_space<vmem>>) dst(%dma_wait3A_559 : memref<8x2048xf32, #tpu.memory_space<hbm>>)
    %dma_start3A_560 = arith.constant 208 : i32
    %dma_start3A_561 = tpu.memref_slice %arg5[%dma_start3A_560] : memref<256xi32, #tpu.memory_space<vmem>> -> memref<8xi32, #tpu.memory_space<vmem>>
    %dma_start3A_562 = arith.constant 0 : i32
    %dma_start3A_563 = arith.constant 0 : i32
    %dma_start3A_564 = tpu.memref_slice %arg3[%dma_start3A_562, %dma_start3A_563] : memref<51200x2048xf32, #tpu.memory_space<hbm>> -> memref<51200x2048xf32, #tpu.memory_space<hbm>>
    tpu.enqueue_indirect_dma source(%dma_start3A_564 : memref<51200x2048xf32, #tpu.memory_space<hbm>>) target(%arg8 : memref<8x2048xf32, #tpu.memory_space<vmem>>) offsets(%dma_start3A_561 : memref<8xi32, #tpu.memory_space<vmem>>) semaphore(%arg14 : memref<!tpu.dma_semaphore, #tpu.memory_space<semaphore_mem>>)
    %dma_wait3A_565 = arith.constant 168 : i32
    %dma_wait3A_566 = tpu.memref_slice %arg5[%dma_wait3A_565] : memref<256xi32, #tpu.memory_space<vmem>> -> memref<8xi32, #tpu.memory_space<vmem>>
    %dma_wait3A_567 = arith.constant 0 : i32
    %dma_wait3A_568 = arith.constant 0 : i32
    %dma_wait3A_569 = tpu.memref_slice %arg3[%dma_wait3A_567, %dma_wait3A_568] : memref<51200x2048xf32, #tpu.memory_space<hbm>> -> memref<51200x2048xf32, #tpu.memory_space<hbm>>
    tpu.wait_indirect_dma semaphore(%arg15 : memref<!tpu.dma_semaphore, #tpu.memory_space<semaphore_mem>>) src(%dma_wait3A_569 : memref<51200x2048xf32, #tpu.memory_space<hbm>>) dst(%arg9 : memref<8x2048xf32, #tpu.memory_space<vmem>>)
    %add3A_570 = arith.constant 168 : i32
    %add3A_571 = arith.addi %mul3A_32, %add3A_570 : i32
    %dma_start3A_572 = arith.constant 0 : i32
    %dma_start3A_573 = tpu.memref_slice %arg4[%select_n3A, %add3A_571, %dma_start3A_572] : memref<4x2048x2048xf32, #tpu.memory_space<hbm>> -> memref<1x8x2048xf32, #tpu.memory_space<hbm>>
    %dma_start3A_574 = tpu.memref_squeeze %dma_start3A_573 : memref<1x8x2048xf32, #tpu.memory_space<hbm>> -> memref<8x2048xf32, #tpu.memory_space<hbm>>
    %dma_start3A_575 = arith.constant 0 : i32
    %dma_start3A_576 = tpu.memref_slice %arg4[%select_n3A, %add3A_571, %dma_start3A_575] : memref<4x2048x2048xf32, #tpu.memory_space<hbm>> -> memref<1x8x2048xf32, #tpu.memory_space<hbm>>
    %dma_start3A_577 = tpu.memref_squeeze %dma_start3A_576 : memref<1x8x2048xf32, #tpu.memory_space<hbm>> -> memref<8x2048xf32, #tpu.memory_space<hbm>>
    tpu.enqueue_dma source(%arg9 : memref<8x2048xf32, #tpu.memory_space<vmem>>) target(%dma_start3A_577 : memref<8x2048xf32, #tpu.memory_space<hbm>>) target_semaphore(%arg21 : memref<!tpu.dma_semaphore, #tpu.memory_space<semaphore_mem>>)
    %dma_wait3A_578 = arith.constant 0 : i32
    %dma_wait3A_579 = tpu.memref_slice %arg4[%select_n3A, %add3A_571, %dma_wait3A_578] : memref<4x2048x2048xf32, #tpu.memory_space<hbm>> -> memref<1x8x2048xf32, #tpu.memory_space<hbm>>
    %dma_wait3A_580 = tpu.memref_squeeze %dma_wait3A_579 : memref<1x8x2048xf32, #tpu.memory_space<hbm>> -> memref<8x2048xf32, #tpu.memory_space<hbm>>
    %dma_wait3A_581 = arith.constant 0 : i32
    %dma_wait3A_582 = tpu.memref_slice %arg4[%select_n3A, %add3A_571, %dma_wait3A_581] : memref<4x2048x2048xf32, #tpu.memory_space<hbm>> -> memref<1x8x2048xf32, #tpu.memory_space<hbm>>
    %dma_wait3A_583 = tpu.memref_squeeze %dma_wait3A_582 : memref<1x8x2048xf32, #tpu.memory_space<hbm>> -> memref<8x2048xf32, #tpu.memory_space<hbm>>
    tpu.wait_dma2 semaphore(%arg21 : memref<!tpu.dma_semaphore, #tpu.memory_space<semaphore_mem>>) src(%arg9 : memref<8x2048xf32, #tpu.memory_space<vmem>>) dst(%dma_wait3A_583 : memref<8x2048xf32, #tpu.memory_space<hbm>>)
    %dma_start3A_584 = arith.constant 216 : i32
    %dma_start3A_585 = tpu.memref_slice %arg5[%dma_start3A_584] : memref<256xi32, #tpu.memory_space<vmem>> -> memref<8xi32, #tpu.memory_space<vmem>>
    %dma_start3A_586 = arith.constant 0 : i32
    %dma_start3A_587 = arith.constant 0 : i32
    %dma_start3A_588 = tpu.memref_slice %arg3[%dma_start3A_586, %dma_start3A_587] : memref<51200x2048xf32, #tpu.memory_space<hbm>> -> memref<51200x2048xf32, #tpu.memory_space<hbm>>
    tpu.enqueue_indirect_dma source(%dma_start3A_588 : memref<51200x2048xf32, #tpu.memory_space<hbm>>) target(%arg9 : memref<8x2048xf32, #tpu.memory_space<vmem>>) offsets(%dma_start3A_585 : memref<8xi32, #tpu.memory_space<vmem>>) semaphore(%arg15 : memref<!tpu.dma_semaphore, #tpu.memory_space<semaphore_mem>>)
    %dma_wait3A_589 = arith.constant 176 : i32
    %dma_wait3A_590 = tpu.memref_slice %arg5[%dma_wait3A_589] : memref<256xi32, #tpu.memory_space<vmem>> -> memref<8xi32, #tpu.memory_space<vmem>>
    %dma_wait3A_591 = arith.constant 0 : i32
    %dma_wait3A_592 = arith.constant 0 : i32
    %dma_wait3A_593 = tpu.memref_slice %arg3[%dma_wait3A_591, %dma_wait3A_592] : memref<51200x2048xf32, #tpu.memory_space<hbm>> -> memref<51200x2048xf32, #tpu.memory_space<hbm>>
    tpu.wait_indirect_dma semaphore(%arg16 : memref<!tpu.dma_semaphore, #tpu.memory_space<semaphore_mem>>) src(%dma_wait3A_593 : memref<51200x2048xf32, #tpu.memory_space<hbm>>) dst(%arg10 : memref<8x2048xf32, #tpu.memory_space<vmem>>)
    %add3A_594 = arith.constant 176 : i32
    %add3A_595 = arith.addi %mul3A_32, %add3A_594 : i32
    %dma_start3A_596 = arith.constant 0 : i32
    %dma_start3A_597 = tpu.memref_slice %arg4[%select_n3A, %add3A_595, %dma_start3A_596] : memref<4x2048x2048xf32, #tpu.memory_space<hbm>> -> memref<1x8x2048xf32, #tpu.memory_space<hbm>>
    %dma_start3A_598 = tpu.memref_squeeze %dma_start3A_597 : memref<1x8x2048xf32, #tpu.memory_space<hbm>> -> memref<8x2048xf32, #tpu.memory_space<hbm>>
    %dma_start3A_599 = arith.constant 0 : i32
    %dma_start3A_600 = tpu.memref_slice %arg4[%select_n3A, %add3A_595, %dma_start3A_599] : memref<4x2048x2048xf32, #tpu.memory_space<hbm>> -> memref<1x8x2048xf32, #tpu.memory_space<hbm>>
    %dma_start3A_601 = tpu.memref_squeeze %dma_start3A_600 : memref<1x8x2048xf32, #tpu.memory_space<hbm>> -> memref<8x2048xf32, #tpu.memory_space<hbm>>
    tpu.enqueue_dma source(%arg10 : memref<8x2048xf32, #tpu.memory_space<vmem>>) target(%dma_start3A_601 : memref<8x2048xf32, #tpu.memory_space<hbm>>) target_semaphore(%arg22 : memref<!tpu.dma_semaphore, #tpu.memory_space<semaphore_mem>>)
    %dma_wait3A_602 = arith.constant 0 : i32
    %dma_wait3A_603 = tpu.memref_slice %arg4[%select_n3A, %add3A_595, %dma_wait3A_602] : memref<4x2048x2048xf32, #tpu.memory_space<hbm>> -> memref<1x8x2048xf32, #tpu.memory_space<hbm>>
    %dma_wait3A_604 = tpu.memref_squeeze %dma_wait3A_603 : memref<1x8x2048xf32, #tpu.memory_space<hbm>> -> memref<8x2048xf32, #tpu.memory_space<hbm>>
    %dma_wait3A_605 = arith.constant 0 : i32
    %dma_wait3A_606 = tpu.memref_slice %arg4[%select_n3A, %add3A_595, %dma_wait3A_605] : memref<4x2048x2048xf32, #tpu.memory_space<hbm>> -> memref<1x8x2048xf32, #tpu.memory_space<hbm>>
    %dma_wait3A_607 = tpu.memref_squeeze %dma_wait3A_606 : memref<1x8x2048xf32, #tpu.memory_space<hbm>> -> memref<8x2048xf32, #tpu.memory_space<hbm>>
    tpu.wait_dma2 semaphore(%arg22 : memref<!tpu.dma_semaphore, #tpu.memory_space<semaphore_mem>>) src(%arg10 : memref<8x2048xf32, #tpu.memory_space<vmem>>) dst(%dma_wait3A_607 : memref<8x2048xf32, #tpu.memory_space<hbm>>)
    %dma_start3A_608 = arith.constant 224 : i32
    %dma_start3A_609 = tpu.memref_slice %arg5[%dma_start3A_608] : memref<256xi32, #tpu.memory_space<vmem>> -> memref<8xi32, #tpu.memory_space<vmem>>
    %dma_start3A_610 = arith.constant 0 : i32
    %dma_start3A_611 = arith.constant 0 : i32
    %dma_start3A_612 = tpu.memref_slice %arg3[%dma_start3A_610, %dma_start3A_611] : memref<51200x2048xf32, #tpu.memory_space<hbm>> -> memref<51200x2048xf32, #tpu.memory_space<hbm>>
    tpu.enqueue_indirect_dma source(%dma_start3A_612 : memref<51200x2048xf32, #tpu.memory_space<hbm>>) target(%arg10 : memref<8x2048xf32, #tpu.memory_space<vmem>>) offsets(%dma_start3A_609 : memref<8xi32, #tpu.memory_space<vmem>>) semaphore(%arg16 : memref<!tpu.dma_semaphore, #tpu.memory_space<semaphore_mem>>)
    %dma_wait3A_613 = arith.constant 184 : i32
    %dma_wait3A_614 = tpu.memref_slice %arg5[%dma_wait3A_613] : memref<256xi32, #tpu.memory_space<vmem>> -> memref<8xi32, #tpu.memory_space<vmem>>
    %dma_wait3A_615 = arith.constant 0 : i32
    %dma_wait3A_616 = arith.constant 0 : i32
    %dma_wait3A_617 = tpu.memref_slice %arg3[%dma_wait3A_615, %dma_wait3A_616] : memref<51200x2048xf32, #tpu.memory_space<hbm>> -> memref<51200x2048xf32, #tpu.memory_space<hbm>>
    tpu.wait_indirect_dma semaphore(%arg17 : memref<!tpu.dma_semaphore, #tpu.memory_space<semaphore_mem>>) src(%dma_wait3A_617 : memref<51200x2048xf32, #tpu.memory_space<hbm>>) dst(%arg11 : memref<8x2048xf32, #tpu.memory_space<vmem>>)
    %add3A_618 = arith.constant 184 : i32
    %add3A_619 = arith.addi %mul3A_32, %add3A_618 : i32
    %dma_start3A_620 = arith.constant 0 : i32
    %dma_start3A_621 = tpu.memref_slice %arg4[%select_n3A, %add3A_619, %dma_start3A_620] : memref<4x2048x2048xf32, #tpu.memory_space<hbm>> -> memref<1x8x2048xf32, #tpu.memory_space<hbm>>
    %dma_start3A_622 = tpu.memref_squeeze %dma_start3A_621 : memref<1x8x2048xf32, #tpu.memory_space<hbm>> -> memref<8x2048xf32, #tpu.memory_space<hbm>>
    %dma_start3A_623 = arith.constant 0 : i32
    %dma_start3A_624 = tpu.memref_slice %arg4[%select_n3A, %add3A_619, %dma_start3A_623] : memref<4x2048x2048xf32, #tpu.memory_space<hbm>> -> memref<1x8x2048xf32, #tpu.memory_space<hbm>>
    %dma_start3A_625 = tpu.memref_squeeze %dma_start3A_624 : memref<1x8x2048xf32, #tpu.memory_space<hbm>> -> memref<8x2048xf32, #tpu.memory_space<hbm>>
    tpu.enqueue_dma source(%arg11 : memref<8x2048xf32, #tpu.memory_space<vmem>>) target(%dma_start3A_625 : memref<8x2048xf32, #tpu.memory_space<hbm>>) target_semaphore(%arg23 : memref<!tpu.dma_semaphore, #tpu.memory_space<semaphore_mem>>)
    %dma_wait3A_626 = arith.constant 0 : i32
    %dma_wait3A_627 = tpu.memref_slice %arg4[%select_n3A, %add3A_619, %dma_wait3A_626] : memref<4x2048x2048xf32, #tpu.memory_space<hbm>> -> memref<1x8x2048xf32, #tpu.memory_space<hbm>>
    %dma_wait3A_628 = tpu.memref_squeeze %dma_wait3A_627 : memref<1x8x2048xf32, #tpu.memory_space<hbm>> -> memref<8x2048xf32, #tpu.memory_space<hbm>>
    %dma_wait3A_629 = arith.constant 0 : i32
    %dma_wait3A_630 = tpu.memref_slice %arg4[%select_n3A, %add3A_619, %dma_wait3A_629] : memref<4x2048x2048xf32, #tpu.memory_space<hbm>> -> memref<1x8x2048xf32, #tpu.memory_space<hbm>>
    %dma_wait3A_631 = tpu.memref_squeeze %dma_wait3A_630 : memref<1x8x2048xf32, #tpu.memory_space<hbm>> -> memref<8x2048xf32, #tpu.memory_space<hbm>>
    tpu.wait_dma2 semaphore(%arg23 : memref<!tpu.dma_semaphore, #tpu.memory_space<semaphore_mem>>) src(%arg11 : memref<8x2048xf32, #tpu.memory_space<vmem>>) dst(%dma_wait3A_631 : memref<8x2048xf32, #tpu.memory_space<hbm>>)
    %dma_start3A_632 = arith.constant 232 : i32
    %dma_start3A_633 = tpu.memref_slice %arg5[%dma_start3A_632] : memref<256xi32, #tpu.memory_space<vmem>> -> memref<8xi32, #tpu.memory_space<vmem>>
    %dma_start3A_634 = arith.constant 0 : i32
    %dma_start3A_635 = arith.constant 0 : i32
    %dma_start3A_636 = tpu.memref_slice %arg3[%dma_start3A_634, %dma_start3A_635] : memref<51200x2048xf32, #tpu.memory_space<hbm>> -> memref<51200x2048xf32, #tpu.memory_space<hbm>>
    tpu.enqueue_indirect_dma source(%dma_start3A_636 : memref<51200x2048xf32, #tpu.memory_space<hbm>>) target(%arg11 : memref<8x2048xf32, #tpu.memory_space<vmem>>) offsets(%dma_start3A_633 : memref<8xi32, #tpu.memory_space<vmem>>) semaphore(%arg17 : memref<!tpu.dma_semaphore, #tpu.memory_space<semaphore_mem>>)
    %dma_wait3A_637 = arith.constant 192 : i32
    %dma_wait3A_638 = tpu.memref_slice %arg5[%dma_wait3A_637] : memref<256xi32, #tpu.memory_space<vmem>> -> memref<8xi32, #tpu.memory_space<vmem>>
    %dma_wait3A_639 = arith.constant 0 : i32
    %dma_wait3A_640 = arith.constant 0 : i32
    %dma_wait3A_641 = tpu.memref_slice %arg3[%dma_wait3A_639, %dma_wait3A_640] : memref<51200x2048xf32, #tpu.memory_space<hbm>> -> memref<51200x2048xf32, #tpu.memory_space<hbm>>
    tpu.wait_indirect_dma semaphore(%arg12 : memref<!tpu.dma_semaphore, #tpu.memory_space<semaphore_mem>>) src(%dma_wait3A_641 : memref<51200x2048xf32, #tpu.memory_space<hbm>>) dst(%arg6 : memref<8x2048xf32, #tpu.memory_space<vmem>>)
    %add3A_642 = arith.constant 192 : i32
    %add3A_643 = arith.addi %mul3A_32, %add3A_642 : i32
    %dma_start3A_644 = arith.constant 0 : i32
    %dma_start3A_645 = tpu.memref_slice %arg4[%select_n3A, %add3A_643, %dma_start3A_644] : memref<4x2048x2048xf32, #tpu.memory_space<hbm>> -> memref<1x8x2048xf32, #tpu.memory_space<hbm>>
    %dma_start3A_646 = tpu.memref_squeeze %dma_start3A_645 : memref<1x8x2048xf32, #tpu.memory_space<hbm>> -> memref<8x2048xf32, #tpu.memory_space<hbm>>
    %dma_start3A_647 = arith.constant 0 : i32
    %dma_start3A_648 = tpu.memref_slice %arg4[%select_n3A, %add3A_643, %dma_start3A_647] : memref<4x2048x2048xf32, #tpu.memory_space<hbm>> -> memref<1x8x2048xf32, #tpu.memory_space<hbm>>
    %dma_start3A_649 = tpu.memref_squeeze %dma_start3A_648 : memref<1x8x2048xf32, #tpu.memory_space<hbm>> -> memref<8x2048xf32, #tpu.memory_space<hbm>>
    tpu.enqueue_dma source(%arg6 : memref<8x2048xf32, #tpu.memory_space<vmem>>) target(%dma_start3A_649 : memref<8x2048xf32, #tpu.memory_space<hbm>>) target_semaphore(%arg18 : memref<!tpu.dma_semaphore, #tpu.memory_space<semaphore_mem>>)
    %dma_wait3A_650 = arith.constant 0 : i32
    %dma_wait3A_651 = tpu.memref_slice %arg4[%select_n3A, %add3A_643, %dma_wait3A_650] : memref<4x2048x2048xf32, #tpu.memory_space<hbm>> -> memref<1x8x2048xf32, #tpu.memory_space<hbm>>
    %dma_wait3A_652 = tpu.memref_squeeze %dma_wait3A_651 : memref<1x8x2048xf32, #tpu.memory_space<hbm>> -> memref<8x2048xf32, #tpu.memory_space<hbm>>
    %dma_wait3A_653 = arith.constant 0 : i32
    %dma_wait3A_654 = tpu.memref_slice %arg4[%select_n3A, %add3A_643, %dma_wait3A_653] : memref<4x2048x2048xf32, #tpu.memory_space<hbm>> -> memref<1x8x2048xf32, #tpu.memory_space<hbm>>
    %dma_wait3A_655 = tpu.memref_squeeze %dma_wait3A_654 : memref<1x8x2048xf32, #tpu.memory_space<hbm>> -> memref<8x2048xf32, #tpu.memory_space<hbm>>
    tpu.wait_dma2 semaphore(%arg18 : memref<!tpu.dma_semaphore, #tpu.memory_space<semaphore_mem>>) src(%arg6 : memref<8x2048xf32, #tpu.memory_space<vmem>>) dst(%dma_wait3A_655 : memref<8x2048xf32, #tpu.memory_space<hbm>>)
    %dma_start3A_656 = arith.constant 240 : i32
    %dma_start3A_657 = tpu.memref_slice %arg5[%dma_start3A_656] : memref<256xi32, #tpu.memory_space<vmem>> -> memref<8xi32, #tpu.memory_space<vmem>>
    %dma_start3A_658 = arith.constant 0 : i32
    %dma_start3A_659 = arith.constant 0 : i32
    %dma_start3A_660 = tpu.memref_slice %arg3[%dma_start3A_658, %dma_start3A_659] : memref<51200x2048xf32, #tpu.memory_space<hbm>> -> memref<51200x2048xf32, #tpu.memory_space<hbm>>
    tpu.enqueue_indirect_dma source(%dma_start3A_660 : memref<51200x2048xf32, #tpu.memory_space<hbm>>) target(%arg6 : memref<8x2048xf32, #tpu.memory_space<vmem>>) offsets(%dma_start3A_657 : memref<8xi32, #tpu.memory_space<vmem>>) semaphore(%arg12 : memref<!tpu.dma_semaphore, #tpu.memory_space<semaphore_mem>>)
    %dma_wait3A_661 = arith.constant 200 : i32
    %dma_wait3A_662 = tpu.memref_slice %arg5[%dma_wait3A_661] : memref<256xi32, #tpu.memory_space<vmem>> -> memref<8xi32, #tpu.memory_space<vmem>>
    %dma_wait3A_663 = arith.constant 0 : i32
    %dma_wait3A_664 = arith.constant 0 : i32
    %dma_wait3A_665 = tpu.memref_slice %arg3[%dma_wait3A_663, %dma_wait3A_664] : memref<51200x2048xf32, #tpu.memory_space<hbm>> -> memref<51200x2048xf32, #tpu.memory_space<hbm>>
    tpu.wait_indirect_dma semaphore(%arg13 : memref<!tpu.dma_semaphore, #tpu.memory_space<semaphore_mem>>) src(%dma_wait3A_665 : memref<51200x2048xf32, #tpu.memory_space<hbm>>) dst(%arg7 : memref<8x2048xf32, #tpu.memory_space<vmem>>)
    %add3A_666 = arith.constant 200 : i32
    %add3A_667 = arith.addi %mul3A_32, %add3A_666 : i32
    %dma_start3A_668 = arith.constant 0 : i32
    %dma_start3A_669 = tpu.memref_slice %arg4[%select_n3A, %add3A_667, %dma_start3A_668] : memref<4x2048x2048xf32, #tpu.memory_space<hbm>> -> memref<1x8x2048xf32, #tpu.memory_space<hbm>>
    %dma_start3A_670 = tpu.memref_squeeze %dma_start3A_669 : memref<1x8x2048xf32, #tpu.memory_space<hbm>> -> memref<8x2048xf32, #tpu.memory_space<hbm>>
    %dma_start3A_671 = arith.constant 0 : i32
    %dma_start3A_672 = tpu.memref_slice %arg4[%select_n3A, %add3A_667, %dma_start3A_671] : memref<4x2048x2048xf32, #tpu.memory_space<hbm>> -> memref<1x8x2048xf32, #tpu.memory_space<hbm>>
    %dma_start3A_673 = tpu.memref_squeeze %dma_start3A_672 : memref<1x8x2048xf32, #tpu.memory_space<hbm>> -> memref<8x2048xf32, #tpu.memory_space<hbm>>
    tpu.enqueue_dma source(%arg7 : memref<8x2048xf32, #tpu.memory_space<vmem>>) target(%dma_start3A_673 : memref<8x2048xf32, #tpu.memory_space<hbm>>) target_semaphore(%arg19 : memref<!tpu.dma_semaphore, #tpu.memory_space<semaphore_mem>>)
    %dma_wait3A_674 = arith.constant 0 : i32
    %dma_wait3A_675 = tpu.memref_slice %arg4[%select_n3A, %add3A_667, %dma_wait3A_674] : memref<4x2048x2048xf32, #tpu.memory_space<hbm>> -> memref<1x8x2048xf32, #tpu.memory_space<hbm>>
    %dma_wait3A_676 = tpu.memref_squeeze %dma_wait3A_675 : memref<1x8x2048xf32, #tpu.memory_space<hbm>> -> memref<8x2048xf32, #tpu.memory_space<hbm>>
    %dma_wait3A_677 = arith.constant 0 : i32
    %dma_wait3A_678 = tpu.memref_slice %arg4[%select_n3A, %add3A_667, %dma_wait3A_677] : memref<4x2048x2048xf32, #tpu.memory_space<hbm>> -> memref<1x8x2048xf32, #tpu.memory_space<hbm>>
    %dma_wait3A_679 = tpu.memref_squeeze %dma_wait3A_678 : memref<1x8x2048xf32, #tpu.memory_space<hbm>> -> memref<8x2048xf32, #tpu.memory_space<hbm>>
    tpu.wait_dma2 semaphore(%arg19 : memref<!tpu.dma_semaphore, #tpu.memory_space<semaphore_mem>>) src(%arg7 : memref<8x2048xf32, #tpu.memory_space<vmem>>) dst(%dma_wait3A_679 : memref<8x2048xf32, #tpu.memory_space<hbm>>)
    %dma_start3A_680 = arith.constant 248 : i32
    %dma_start3A_681 = tpu.memref_slice %arg5[%dma_start3A_680] : memref<256xi32, #tpu.memory_space<vmem>> -> memref<8xi32, #tpu.memory_space<vmem>>
    %dma_start3A_682 = arith.constant 0 : i32
    %dma_start3A_683 = arith.constant 0 : i32
    %dma_start3A_684 = tpu.memref_slice %arg3[%dma_start3A_682, %dma_start3A_683] : memref<51200x2048xf32, #tpu.memory_space<hbm>> -> memref<51200x2048xf32, #tpu.memory_space<hbm>>
    tpu.enqueue_indirect_dma source(%dma_start3A_684 : memref<51200x2048xf32, #tpu.memory_space<hbm>>) target(%arg7 : memref<8x2048xf32, #tpu.memory_space<vmem>>) offsets(%dma_start3A_681 : memref<8xi32, #tpu.memory_space<vmem>>) semaphore(%arg13 : memref<!tpu.dma_semaphore, #tpu.memory_space<semaphore_mem>>)
    %dma_wait3A_685 = arith.constant 208 : i32
    %dma_wait3A_686 = tpu.memref_slice %arg5[%dma_wait3A_685] : memref<256xi32, #tpu.memory_space<vmem>> -> memref<8xi32, #tpu.memory_space<vmem>>
    %dma_wait3A_687 = arith.constant 0 : i32
    %dma_wait3A_688 = arith.constant 0 : i32
    %dma_wait3A_689 = tpu.memref_slice %arg3[%dma_wait3A_687, %dma_wait3A_688] : memref<51200x2048xf32, #tpu.memory_space<hbm>> -> memref<51200x2048xf32, #tpu.memory_space<hbm>>
    tpu.wait_indirect_dma semaphore(%arg14 : memref<!tpu.dma_semaphore, #tpu.memory_space<semaphore_mem>>) src(%dma_wait3A_689 : memref<51200x2048xf32, #tpu.memory_space<hbm>>) dst(%arg8 : memref<8x2048xf32, #tpu.memory_space<vmem>>)
    %add3A_690 = arith.constant 208 : i32
    %add3A_691 = arith.addi %mul3A_32, %add3A_690 : i32
    %dma_start3A_692 = arith.constant 0 : i32
    %dma_start3A_693 = tpu.memref_slice %arg4[%select_n3A, %add3A_691, %dma_start3A_692] : memref<4x2048x2048xf32, #tpu.memory_space<hbm>> -> memref<1x8x2048xf32, #tpu.memory_space<hbm>>
    %dma_start3A_694 = tpu.memref_squeeze %dma_start3A_693 : memref<1x8x2048xf32, #tpu.memory_space<hbm>> -> memref<8x2048xf32, #tpu.memory_space<hbm>>
    %dma_start3A_695 = arith.constant 0 : i32
    %dma_start3A_696 = tpu.memref_slice %arg4[%select_n3A, %add3A_691, %dma_start3A_695] : memref<4x2048x2048xf32, #tpu.memory_space<hbm>> -> memref<1x8x2048xf32, #tpu.memory_space<hbm>>
    %dma_start3A_697 = tpu.memref_squeeze %dma_start3A_696 : memref<1x8x2048xf32, #tpu.memory_space<hbm>> -> memref<8x2048xf32, #tpu.memory_space<hbm>>
    tpu.enqueue_dma source(%arg8 : memref<8x2048xf32, #tpu.memory_space<vmem>>) target(%dma_start3A_697 : memref<8x2048xf32, #tpu.memory_space<hbm>>) target_semaphore(%arg20 : memref<!tpu.dma_semaphore, #tpu.memory_space<semaphore_mem>>)
    %dma_wait3A_698 = arith.constant 216 : i32
    %dma_wait3A_699 = tpu.memref_slice %arg5[%dma_wait3A_698] : memref<256xi32, #tpu.memory_space<vmem>> -> memref<8xi32, #tpu.memory_space<vmem>>
    %dma_wait3A_700 = arith.constant 0 : i32
    %dma_wait3A_701 = arith.constant 0 : i32
    %dma_wait3A_702 = tpu.memref_slice %arg3[%dma_wait3A_700, %dma_wait3A_701] : memref<51200x2048xf32, #tpu.memory_space<hbm>> -> memref<51200x2048xf32, #tpu.memory_space<hbm>>
    tpu.wait_indirect_dma semaphore(%arg15 : memref<!tpu.dma_semaphore, #tpu.memory_space<semaphore_mem>>) src(%dma_wait3A_702 : memref<51200x2048xf32, #tpu.memory_space<hbm>>) dst(%arg9 : memref<8x2048xf32, #tpu.memory_space<vmem>>)
    %add3A_703 = arith.constant 216 : i32
    %add3A_704 = arith.addi %mul3A_32, %add3A_703 : i32
    %dma_start3A_705 = arith.constant 0 : i32
    %dma_start3A_706 = tpu.memref_slice %arg4[%select_n3A, %add3A_704, %dma_start3A_705] : memref<4x2048x2048xf32, #tpu.memory_space<hbm>> -> memref<1x8x2048xf32, #tpu.memory_space<hbm>>
    %dma_start3A_707 = tpu.memref_squeeze %dma_start3A_706 : memref<1x8x2048xf32, #tpu.memory_space<hbm>> -> memref<8x2048xf32, #tpu.memory_space<hbm>>
    %dma_start3A_708 = arith.constant 0 : i32
    %dma_start3A_709 = tpu.memref_slice %arg4[%select_n3A, %add3A_704, %dma_start3A_708] : memref<4x2048x2048xf32, #tpu.memory_space<hbm>> -> memref<1x8x2048xf32, #tpu.memory_space<hbm>>
    %dma_start3A_710 = tpu.memref_squeeze %dma_start3A_709 : memref<1x8x2048xf32, #tpu.memory_space<hbm>> -> memref<8x2048xf32, #tpu.memory_space<hbm>>
    tpu.enqueue_dma source(%arg9 : memref<8x2048xf32, #tpu.memory_space<vmem>>) target(%dma_start3A_710 : memref<8x2048xf32, #tpu.memory_space<hbm>>) target_semaphore(%arg21 : memref<!tpu.dma_semaphore, #tpu.memory_space<semaphore_mem>>)
    %dma_wait3A_711 = arith.constant 224 : i32
    %dma_wait3A_712 = tpu.memref_slice %arg5[%dma_wait3A_711] : memref<256xi32, #tpu.memory_space<vmem>> -> memref<8xi32, #tpu.memory_space<vmem>>
    %dma_wait3A_713 = arith.constant 0 : i32
    %dma_wait3A_714 = arith.constant 0 : i32
    %dma_wait3A_715 = tpu.memref_slice %arg3[%dma_wait3A_713, %dma_wait3A_714] : memref<51200x2048xf32, #tpu.memory_space<hbm>> -> memref<51200x2048xf32, #tpu.memory_space<hbm>>
    tpu.wait_indirect_dma semaphore(%arg16 : memref<!tpu.dma_semaphore, #tpu.memory_space<semaphore_mem>>) src(%dma_wait3A_715 : memref<51200x2048xf32, #tpu.memory_space<hbm>>) dst(%arg10 : memref<8x2048xf32, #tpu.memory_space<vmem>>)
    %add3A_716 = arith.constant 224 : i32
    %add3A_717 = arith.addi %mul3A_32, %add3A_716 : i32
    %dma_start3A_718 = arith.constant 0 : i32
    %dma_start3A_719 = tpu.memref_slice %arg4[%select_n3A, %add3A_717, %dma_start3A_718] : memref<4x2048x2048xf32, #tpu.memory_space<hbm>> -> memref<1x8x2048xf32, #tpu.memory_space<hbm>>
    %dma_start3A_720 = tpu.memref_squeeze %dma_start3A_719 : memref<1x8x2048xf32, #tpu.memory_space<hbm>> -> memref<8x2048xf32, #tpu.memory_space<hbm>>
    %dma_start3A_721 = arith.constant 0 : i32
    %dma_start3A_722 = tpu.memref_slice %arg4[%select_n3A, %add3A_717, %dma_start3A_721] : memref<4x2048x2048xf32, #tpu.memory_space<hbm>> -> memref<1x8x2048xf32, #tpu.memory_space<hbm>>
    %dma_start3A_723 = tpu.memref_squeeze %dma_start3A_722 : memref<1x8x2048xf32, #tpu.memory_space<hbm>> -> memref<8x2048xf32, #tpu.memory_space<hbm>>
    tpu.enqueue_dma source(%arg10 : memref<8x2048xf32, #tpu.memory_space<vmem>>) target(%dma_start3A_723 : memref<8x2048xf32, #tpu.memory_space<hbm>>) target_semaphore(%arg22 : memref<!tpu.dma_semaphore, #tpu.memory_space<semaphore_mem>>)
    %dma_wait3A_724 = arith.constant 232 : i32
    %dma_wait3A_725 = tpu.memref_slice %arg5[%dma_wait3A_724] : memref<256xi32, #tpu.memory_space<vmem>> -> memref<8xi32, #tpu.memory_space<vmem>>
    %dma_wait3A_726 = arith.constant 0 : i32
    %dma_wait3A_727 = arith.constant 0 : i32
    %dma_wait3A_728 = tpu.memref_slice %arg3[%dma_wait3A_726, %dma_wait3A_727] : memref<51200x2048xf32, #tpu.memory_space<hbm>> -> memref<51200x2048xf32, #tpu.memory_space<hbm>>
    tpu.wait_indirect_dma semaphore(%arg17 : memref<!tpu.dma_semaphore, #tpu.memory_space<semaphore_mem>>) src(%dma_wait3A_728 : memref<51200x2048xf32, #tpu.memory_space<hbm>>) dst(%arg11 : memref<8x2048xf32, #tpu.memory_space<vmem>>)
    %add3A_729 = arith.constant 232 : i32
    %add3A_730 = arith.addi %mul3A_32, %add3A_729 : i32
    %dma_start3A_731 = arith.constant 0 : i32
    %dma_start3A_732 = tpu.memref_slice %arg4[%select_n3A, %add3A_730, %dma_start3A_731] : memref<4x2048x2048xf32, #tpu.memory_space<hbm>> -> memref<1x8x2048xf32, #tpu.memory_space<hbm>>
    %dma_start3A_733 = tpu.memref_squeeze %dma_start3A_732 : memref<1x8x2048xf32, #tpu.memory_space<hbm>> -> memref<8x2048xf32, #tpu.memory_space<hbm>>
    %dma_start3A_734 = arith.constant 0 : i32
    %dma_start3A_735 = tpu.memref_slice %arg4[%select_n3A, %add3A_730, %dma_start3A_734] : memref<4x2048x2048xf32, #tpu.memory_space<hbm>> -> memref<1x8x2048xf32, #tpu.memory_space<hbm>>
    %dma_start3A_736 = tpu.memref_squeeze %dma_start3A_735 : memref<1x8x2048xf32, #tpu.memory_space<hbm>> -> memref<8x2048xf32, #tpu.memory_space<hbm>>
    tpu.enqueue_dma source(%arg11 : memref<8x2048xf32, #tpu.memory_space<vmem>>) target(%dma_start3A_736 : memref<8x2048xf32, #tpu.memory_space<hbm>>) target_semaphore(%arg23 : memref<!tpu.dma_semaphore, #tpu.memory_space<semaphore_mem>>)
    %dma_wait3A_737 = arith.constant 240 : i32
    %dma_wait3A_738 = tpu.memref_slice %arg5[%dma_wait3A_737] : memref<256xi32, #tpu.memory_space<vmem>> -> memref<8xi32, #tpu.memory_space<vmem>>
    %dma_wait3A_739 = arith.constant 0 : i32
    %dma_wait3A_740 = arith.constant 0 : i32
    %dma_wait3A_741 = tpu.memref_slice %arg3[%dma_wait3A_739, %dma_wait3A_740] : memref<51200x2048xf32, #tpu.memory_space<hbm>> -> memref<51200x2048xf32, #tpu.memory_space<hbm>>
    tpu.wait_indirect_dma semaphore(%arg12 : memref<!tpu.dma_semaphore, #tpu.memory_space<semaphore_mem>>) src(%dma_wait3A_741 : memref<51200x2048xf32, #tpu.memory_space<hbm>>) dst(%arg6 : memref<8x2048xf32, #tpu.memory_space<vmem>>)
    %add3A_742 = arith.constant 240 : i32
    %add3A_743 = arith.addi %mul3A_32, %add3A_742 : i32
    %dma_start3A_744 = arith.constant 0 : i32
    %dma_start3A_745 = tpu.memref_slice %arg4[%select_n3A, %add3A_743, %dma_start3A_744] : memref<4x2048x2048xf32, #tpu.memory_space<hbm>> -> memref<1x8x2048xf32, #tpu.memory_space<hbm>>
    %dma_start3A_746 = tpu.memref_squeeze %dma_start3A_745 : memref<1x8x2048xf32, #tpu.memory_space<hbm>> -> memref<8x2048xf32, #tpu.memory_space<hbm>>
    %dma_start3A_747 = arith.constant 0 : i32
    %dma_start3A_748 = tpu.memref_slice %arg4[%select_n3A, %add3A_743, %dma_start3A_747] : memref<4x2048x2048xf32, #tpu.memory_space<hbm>> -> memref<1x8x2048xf32, #tpu.memory_space<hbm>>
    %dma_start3A_749 = tpu.memref_squeeze %dma_start3A_748 : memref<1x8x2048xf32, #tpu.memory_space<hbm>> -> memref<8x2048xf32, #tpu.memory_space<hbm>>
    tpu.enqueue_dma source(%arg6 : memref<8x2048xf32, #tpu.memory_space<vmem>>) target(%dma_start3A_749 : memref<8x2048xf32, #tpu.memory_space<hbm>>) target_semaphore(%arg18 : memref<!tpu.dma_semaphore, #tpu.memory_space<semaphore_mem>>)
    %dma_wait3A_750 = arith.constant 248 : i32
    %dma_wait3A_751 = tpu.memref_slice %arg5[%dma_wait3A_750] : memref<256xi32, #tpu.memory_space<vmem>> -> memref<8xi32, #tpu.memory_space<vmem>>
    %dma_wait3A_752 = arith.constant 0 : i32
    %dma_wait3A_753 = arith.constant 0 : i32
    %dma_wait3A_754 = tpu.memref_slice %arg3[%dma_wait3A_752, %dma_wait3A_753] : memref<51200x2048xf32, #tpu.memory_space<hbm>> -> memref<51200x2048xf32, #tpu.memory_space<hbm>>
    tpu.wait_indirect_dma semaphore(%arg13 : memref<!tpu.dma_semaphore, #tpu.memory_space<semaphore_mem>>) src(%dma_wait3A_754 : memref<51200x2048xf32, #tpu.memory_space<hbm>>) dst(%arg7 : memref<8x2048xf32, #tpu.memory_space<vmem>>)
    %add3A_755 = arith.constant 248 : i32
    %add3A_756 = arith.addi %mul3A_32, %add3A_755 : i32
    %dma_start3A_757 = arith.constant 0 : i32
    %dma_start3A_758 = tpu.memref_slice %arg4[%select_n3A, %add3A_756, %dma_start3A_757] : memref<4x2048x2048xf32, #tpu.memory_space<hbm>> -> memref<1x8x2048xf32, #tpu.memory_space<hbm>>
    %dma_start3A_759 = tpu.memref_squeeze %dma_start3A_758 : memref<1x8x2048xf32, #tpu.memory_space<hbm>> -> memref<8x2048xf32, #tpu.memory_space<hbm>>
    %dma_start3A_760 = arith.constant 0 : i32
    %dma_start3A_761 = tpu.memref_slice %arg4[%select_n3A, %add3A_756, %dma_start3A_760] : memref<4x2048x2048xf32, #tpu.memory_space<hbm>> -> memref<1x8x2048xf32, #tpu.memory_space<hbm>>
    %dma_start3A_762 = tpu.memref_squeeze %dma_start3A_761 : memref<1x8x2048xf32, #tpu.memory_space<hbm>> -> memref<8x2048xf32, #tpu.memory_space<hbm>>
    tpu.enqueue_dma source(%arg7 : memref<8x2048xf32, #tpu.memory_space<vmem>>) target(%dma_start3A_762 : memref<8x2048xf32, #tpu.memory_space<hbm>>) target_semaphore(%arg19 : memref<!tpu.dma_semaphore, #tpu.memory_space<semaphore_mem>>)
    %dma_wait3A_763 = arith.constant 0 : i32
    %dma_wait3A_764 = tpu.memref_slice %arg4[%select_n3A, %add3A_743, %dma_wait3A_763] : memref<4x2048x2048xf32, #tpu.memory_space<hbm>> -> memref<1x8x2048xf32, #tpu.memory_space<hbm>>
    %dma_wait3A_765 = tpu.memref_squeeze %dma_wait3A_764 : memref<1x8x2048xf32, #tpu.memory_space<hbm>> -> memref<8x2048xf32, #tpu.memory_space<hbm>>
    %dma_wait3A_766 = arith.constant 0 : i32
    %dma_wait3A_767 = tpu.memref_slice %arg4[%select_n3A, %add3A_743, %dma_wait3A_766] : memref<4x2048x2048xf32, #tpu.memory_space<hbm>> -> memref<1x8x2048xf32, #tpu.memory_space<hbm>>
    %dma_wait3A_768 = tpu.memref_squeeze %dma_wait3A_767 : memref<1x8x2048xf32, #tpu.memory_space<hbm>> -> memref<8x2048xf32, #tpu.memory_space<hbm>>
    tpu.wait_dma2 semaphore(%arg18 : memref<!tpu.dma_semaphore, #tpu.memory_space<semaphore_mem>>) src(%arg6 : memref<8x2048xf32, #tpu.memory_space<vmem>>) dst(%dma_wait3A_768 : memref<8x2048xf32, #tpu.memory_space<hbm>>)
    %dma_wait3A_769 = arith.constant 0 : i32
    %dma_wait3A_770 = tpu.memref_slice %arg4[%select_n3A, %add3A_756, %dma_wait3A_769] : memref<4x2048x2048xf32, #tpu.memory_space<hbm>> -> memref<1x8x2048xf32, #tpu.memory_space<hbm>>
    %dma_wait3A_771 = tpu.memref_squeeze %dma_wait3A_770 : memref<1x8x2048xf32, #tpu.memory_space<hbm>> -> memref<8x2048xf32, #tpu.memory_space<hbm>>
    %dma_wait3A_772 = arith.constant 0 : i32
    %dma_wait3A_773 = tpu.memref_slice %arg4[%select_n3A, %add3A_756, %dma_wait3A_772] : memref<4x2048x2048xf32, #tpu.memory_space<hbm>> -> memref<1x8x2048xf32, #tpu.memory_space<hbm>>
    %dma_wait3A_774 = tpu.memref_squeeze %dma_wait3A_773 : memref<1x8x2048xf32, #tpu.memory_space<hbm>> -> memref<8x2048xf32, #tpu.memory_space<hbm>>
    tpu.wait_dma2 semaphore(%arg19 : memref<!tpu.dma_semaphore, #tpu.memory_space<semaphore_mem>>) src(%arg7 : memref<8x2048xf32, #tpu.memory_space<vmem>>) dst(%dma_wait3A_774 : memref<8x2048xf32, #tpu.memory_space<hbm>>)
    %dma_wait3A_775 = arith.constant 0 : i32
    %dma_wait3A_776 = tpu.memref_slice %arg4[%select_n3A, %add3A_691, %dma_wait3A_775] : memref<4x2048x2048xf32, #tpu.memory_space<hbm>> -> memref<1x8x2048xf32, #tpu.memory_space<hbm>>
    %dma_wait3A_777 = tpu.memref_squeeze %dma_wait3A_776 : memref<1x8x2048xf32, #tpu.memory_space<hbm>> -> memref<8x2048xf32, #tpu.memory_space<hbm>>
    %dma_wait3A_778 = arith.constant 0 : i32
    %dma_wait3A_779 = tpu.memref_slice %arg4[%select_n3A, %add3A_691, %dma_wait3A_778] : memref<4x2048x2048xf32, #tpu.memory_space<hbm>> -> memref<1x8x2048xf32, #tpu.memory_space<hbm>>
    %dma_wait3A_780 = tpu.memref_squeeze %dma_wait3A_779 : memref<1x8x2048xf32, #tpu.memory_space<hbm>> -> memref<8x2048xf32, #tpu.memory_space<hbm>>
    tpu.wait_dma2 semaphore(%arg20 : memref<!tpu.dma_semaphore, #tpu.memory_space<semaphore_mem>>) src(%arg8 : memref<8x2048xf32, #tpu.memory_space<vmem>>) dst(%dma_wait3A_780 : memref<8x2048xf32, #tpu.memory_space<hbm>>)
    %dma_wait3A_781 = arith.constant 0 : i32
    %dma_wait3A_782 = tpu.memref_slice %arg4[%select_n3A, %add3A_704, %dma_wait3A_781] : memref<4x2048x2048xf32, #tpu.memory_space<hbm>> -> memref<1x8x2048xf32, #tpu.memory_space<hbm>>
    %dma_wait3A_783 = tpu.memref_squeeze %dma_wait3A_782 : memref<1x8x2048xf32, #tpu.memory_space<hbm>> -> memref<8x2048xf32, #tpu.memory_space<hbm>>
    %dma_wait3A_784 = arith.constant 0 : i32
    %dma_wait3A_785 = tpu.memref_slice %arg4[%select_n3A, %add3A_704, %dma_wait3A_784] : memref<4x2048x2048xf32, #tpu.memory_space<hbm>> -> memref<1x8x2048xf32, #tpu.memory_space<hbm>>
    %dma_wait3A_786 = tpu.memref_squeeze %dma_wait3A_785 : memref<1x8x2048xf32, #tpu.memory_space<hbm>> -> memref<8x2048xf32, #tpu.memory_space<hbm>>
    tpu.wait_dma2 semaphore(%arg21 : memref<!tpu.dma_semaphore, #tpu.memory_space<semaphore_mem>>) src(%arg9 : memref<8x2048xf32, #tpu.memory_space<vmem>>) dst(%dma_wait3A_786 : memref<8x2048xf32, #tpu.memory_space<hbm>>)
    %dma_wait3A_787 = arith.constant 0 : i32
    %dma_wait3A_788 = tpu.memref_slice %arg4[%select_n3A, %add3A_717, %dma_wait3A_787] : memref<4x2048x2048xf32, #tpu.memory_space<hbm>> -> memref<1x8x2048xf32, #tpu.memory_space<hbm>>
    %dma_wait3A_789 = tpu.memref_squeeze %dma_wait3A_788 : memref<1x8x2048xf32, #tpu.memory_space<hbm>> -> memref<8x2048xf32, #tpu.memory_space<hbm>>
    %dma_wait3A_790 = arith.constant 0 : i32
    %dma_wait3A_791 = tpu.memref_slice %arg4[%select_n3A, %add3A_717, %dma_wait3A_790] : memref<4x2048x2048xf32, #tpu.memory_space<hbm>> -> memref<1x8x2048xf32, #tpu.memory_space<hbm>>
    %dma_wait3A_792 = tpu.memref_squeeze %dma_wait3A_791 : memref<1x8x2048xf32, #tpu.memory_space<hbm>> -> memref<8x2048xf32, #tpu.memory_space<hbm>>
    tpu.wait_dma2 semaphore(%arg22 : memref<!tpu.dma_semaphore, #tpu.memory_space<semaphore_mem>>) src(%arg10 : memref<8x2048xf32, #tpu.memory_space<vmem>>) dst(%dma_wait3A_792 : memref<8x2048xf32, #tpu.memory_space<hbm>>)
    %dma_wait3A_793 = arith.constant 0 : i32
    %dma_wait3A_794 = tpu.memref_slice %arg4[%select_n3A, %add3A_730, %dma_wait3A_793] : memref<4x2048x2048xf32, #tpu.memory_space<hbm>> -> memref<1x8x2048xf32, #tpu.memory_space<hbm>>
    %dma_wait3A_795 = tpu.memref_squeeze %dma_wait3A_794 : memref<1x8x2048xf32, #tpu.memory_space<hbm>> -> memref<8x2048xf32, #tpu.memory_space<hbm>>
    %dma_wait3A_796 = arith.constant 0 : i32
    %dma_wait3A_797 = tpu.memref_slice %arg4[%select_n3A, %add3A_730, %dma_wait3A_796] : memref<4x2048x2048xf32, #tpu.memory_space<hbm>> -> memref<1x8x2048xf32, #tpu.memory_space<hbm>>
    %dma_wait3A_798 = tpu.memref_squeeze %dma_wait3A_797 : memref<1x8x2048xf32, #tpu.memory_space<hbm>> -> memref<8x2048xf32, #tpu.memory_space<hbm>>
    tpu.wait_dma2 semaphore(%arg23 : memref<!tpu.dma_semaphore, #tpu.memory_space<semaphore_mem>>) src(%arg11 : memref<8x2048xf32, #tpu.memory_space<vmem>>) dst(%dma_wait3A_798 : memref<8x2048xf32, #tpu.memory_space<hbm>>)
    return
  }
}

</mosaic_0001>

<sc_bundles>
// kernel: kernel.3.cloned.1.call-start
scs
__scs_entry_jumppad:
0x0: {  	(pc) =	sbr.rel $0x88, $3  }
0x1: {  	(tag) =	ssettag $0x0;
	lr =	simm.s32 $0x1  }
0x2: {  	[smem:$0x3F9F] =	sst lr;
	_ =	strace $0xD0000000  }
0x3: {  	_ = 	snop  }
0x4: {  	_ = 	snop  }
0x5: {  	_ = 	snop  }
0x6: {  	_ = 	snop  }
0x7: {  	_ = 	snop  }
__scs_overlays_trampoline_lowered:
0x8: {  	[smem:$0x3FAE] =	sst s0  }
0x9: {  	[smem:$0x3FAF] =	sst s1  }
0xa: {  	[smem:$0x3FB0] =	sst s2  }
0xb: {  	[smem:$0x3FB1] =	sst s3  }
0xc: {  	[smem:$0x3FB2] =	sst s4  }
0xd: {  	[smem:$0x3FB3] =	sst s5  }
0xe: {  	[smem:$0x3FB4] =	sst s6  }
0xf: {  	[smem:$0x3FB5] =	sst s7  }
0x10: {  	[smem:$0x3FB6] =	sst s8  }
0x11: {  	[smem:$0x3FB7] =	sst s9;
	s0 =	simm.s32 @!p0 $0x0  }
0x12: {  	s1 =	sld [smem:$0x3F9D];
	s0 =	simm.s32 @p0 $0x1  }
0x13: {  	[smem:$0x3FB8] =	sst s0;
	s0 =	simm.s32 @!p1 $0x0  }
0x14: {  	s2 =	sld [smem:$0x3F9C];
	s0 =	simm.s32 @p1 $0x1  }
0x15: {  	[smem:$0x3FB9] =	sst s0;
	s0 =	simm.s32 @!p2 $0x0  }
0x16: {  	s3 =	sld [smem:$0x3FDB];
	s0 =	simm.s32 @p2 $0x1  }
0x17: {  	s4 =	simm.s32 $0x1BF5;
	[smem:$0x3FBB] =	sst s0  }
0x18: {  	s0 =	sld [smem:$0x3F9E];
	_ =	swait.ge [sflag:s4], $0x0  }
0x19: {  	s7 =	sld [smem:$0x3F9F]  }
0x1a: {  	s8 =	sadd.s32 $0xFFFFE003, lr  }
0x1b: {  	s9 =	sadd.s32 $0xFFFFFEF7, lr;
	s5 =	simm.s32 $0xFFFFFFFF;
	p2 =	slt.u32 s8, $0xFFFFF086  }
0x1c: {  	p1 =	slt.u32 s9, $0xF7A;
	s5 =	simm.s32 @!p2 $0x0  }
0x1d: {  	s5 =	simm.s32 @p1 $0x1;
	p0 =	seq.s32 s7, s2  }
0x1e: {  	s7 =	smul.u32 @!p0 $0xF7A, s2;
	p2 =	seq.s32 @!p0 s5, $0x0  }
0x1f: {  	s9 =	smul.u32 $0xF7A, s1;
	s8 =	simm.s32 @!p0 $0x1BF5;
	p2 =	por !p2, p0  }
0x20: {  	[sflag:s8] =	ssyncset.s32 @!p0 $0xFFFFF086;
	s6 =	sadd.s32 @!p0 s3, s7;
	s7 =	simm.s32 @!p0 $0x108  }
0x21: {  	s3 =	sadd.s32 s3, s9;
	s6 =	sadd.s32 @!p0 $0x88, s6;
	s7 =	simm.s32 @p2 $0x1082  }
0x22: {  	[simem:s7], [sflag:s8] =	dma.local @!p0 [hbm:s6], $0xF7A  }
0x23: {  	s9 =	sor.u32 $0xD0000000, s2;
	s6 =	simm.s32 $0x108;
	_ =	swait.ge @!p0 [sflag:s8], $0x0  }
0x24: {  	s3 =	sadd.s32 $0x88, s3;
	s6 =	simm.s32 @!p1 $0x1082;
	[sflag:s4] =	ssyncset.s32 $0xFFFFF086  }
0x25: {  	[simem:s6], [sflag:s4] =	dma.local [hbm:s3], $0xF7A  }
0x26: {  	[smem:$0x3F9F] =	sst s1;
	(tag) =	ssettag s2;
	_ =	strace s9  }
0x27: {  	s1 =	sld [smem:$0x3FAF]  }
0x28: {  	s2 =	sld [smem:$0x3FB0]  }
0x29: {  	s4 =	sld [smem:$0x3FB2]  }
0x2a: {  	p0 =	seq.s32 s5, $0x0;
	s5 =	sld [smem:$0x3FB3]  }
0x2b: {  	s6 =	sld [smem:$0x3FB4]  }
0x2c: {  	s7 =	sld [smem:$0x3FB5]  }
0x2d: {  	s3 =	simm.s32 $0x108;
	s8 =	sld [smem:$0x3FB6]  }
0x2e: {  	s3 =	simm.s32 @!p0 $0x1082;
	s9 =	sld [smem:$0x3FB7]  }
0x2f: {  	lr =	sadd.s32 s0, s3;
	s0 =	sld [smem:$0x3FAE]  }
0x30: {  	s3 =	sld [smem:$0x3FB1]  }
0x31: {  	[smem:$0x3FBA] =	sst s10  }
0x32: {  	s10 =	sld [smem:$0x3FB8];
	_ =	sdelay $0x3  }
0x33: {  	p0 =	seq.s32 s10, $0x1;
	s10 =	sld [smem:$0x3FBA];
	_ =	sdelay $0x3  }
0x34: {  	[smem:$0x3FBA] =	sst s10  }
0x35: {  	s10 =	sld [smem:$0x3FB9];
	_ =	sdelay $0x3  }
0x36: {  	p1 =	seq.s32 s10, $0x1;
	s10 =	sld [smem:$0x3FBA];
	_ =	sdelay $0x3  }
0x37: {  	[smem:$0x3FBA] =	sst s10  }
0x38: {  	s10 =	sld [smem:$0x3FBB]  }
0x39: {  	_ = 	snop;
	(pc) =	sbr.ind lr, $3  }
0x3a: {  	_ = 	snop  }
0x3b: {  	_ = 	snop  }
0x3c: {  	p2 =	seq.s32 s10, $0x1;
	s10 =	sld [smem:$0x3FBA]  }
0x3d: {  	_ =	shalt  }
0x3e: {  	_ =	shalt  }
0x3f: {  	_ =	shalt  }
0x40: {  	_ =	shalt  }
0x41: {  	_ =	shalt  }
0x42: {  	_ =	shalt  }
0x43: {  	_ =	shalt  }
0x44: {  	_ =	shalt  }
0x45: {  	_ =	shalt  }
0x46: {  	_ =	shalt  }
0x47: {  	_ =	shalt  }
0x48: {  	_ =	shalt  }
0x49: {  	_ =	shalt  }
0x4a: {  	_ =	shalt  }
0x4b: {  	_ =	shalt  }
0x4c: {  	_ =	shalt  }
0x4d: {  	_ =	shalt  }
0x4e: {  	_ =	shalt  }
0x4f: {  	_ =	shalt  }
0x50: {  	_ =	shalt  }
0x51: {  	_ =	shalt  }
0x52: {  	_ =	shalt  }
0x53: {  	_ =	shalt  }
0x54: {  	_ =	shalt  }
0x55: {  	_ =	shalt  }
0x56: {  	_ =	shalt  }
0x57: {  	_ =	shalt  }
0x58: {  	_ =	shalt  }
0x59: {  	_ =	shalt  }
0x5a: {  	_ =	shalt  }
0x5b: {  	_ =	shalt  }
0x5c: {  	_ =	shalt  }
0x5d: {  	_ =	shalt  }
0x5e: {  	_ =	shalt  }
0x5f: {  	_ =	shalt  }
0x60: {  	_ =	shalt  }
0x61: {  	_ =	shalt  }
0x62: {  	_ =	shalt  }
0x63: {  	_ =	shalt  }
0x64: {  	_ =	shalt  }
0x65: {  	_ =	shalt  }
0x66: {  	_ =	shalt  }
0x67: {  	_ =	shalt  }
0x68: {  	_ =	shalt  }
0x69: {  	_ =	shalt  }
0x6a: {  	_ =	shalt  }
0x6b: {  	_ =	shalt  }
0x6c: {  	_ =	shalt  }
0x6d: {  	_ =	shalt  }
0x6e: {  	_ =	shalt  }
0x6f: {  	_ =	shalt  }
0x70: {  	_ =	shalt  }
0x71: {  	_ =	shalt  }
0x72: {  	_ =	shalt  }
0x73: {  	_ =	shalt  }
0x74: {  	_ =	shalt  }
0x75: {  	_ =	shalt  }
0x76: {  	_ =	shalt  }
0x77: {  	_ =	shalt  }
0x78: {  	_ =	shalt  }
0x79: {  	_ =	shalt  }
0x7a: {  	_ =	shalt  }
0x7b: {  	_ =	shalt  }
0x7c: {  	_ =	shalt  }
0x7d: {  	_ =	shalt  }
0x7e: {  	_ =	shalt  }
0x7f: {  	_ =	shalt  }
0x80: {  	_ =	shalt  }
0x81: {  	_ =	shalt  }
0x82: {  	_ =	shalt  }
0x83: {  	_ =	shalt  }
0x84: {  	_ =	shalt  }
0x85: {  	_ =	shalt  }
0x86: {  	_ =	shalt  }
0x87: {  	_ =	shalt  }
.Lfunc_end0:
.L_simem_size_0:
called_computation_lowered:
.L_overlay_start_0:
0x88: {  	s2 =	sld [smem:$0x3FD9]  }
0x89: {  	s3 =	sld [smem:$0x3FFE];
	_ =	sdelay $0x1  }
0x8a: {  	s1 =	srdreg.scid  }
0x8b: {  	s0 =	sand.u32 $0x1, s1  }
0x8c: {  	s18 =	sshll.u32 s0, $0xA;
	s2 =	sadd.s32 s3, s2  }
0x8d: {  	s2 =	sadd.s32 s2, s18  }
0x8e: {  	[smem:$0x3FC6] =	sst s2  }
0x8f: {  	_ = 	snop  }
0x90: {  	s2 =	sld [smem:$0x3FC9]  }
0x91: {  	s19 =	sld [smem:$0x3FC8]  }
0x92: {  	s4 =	sld [smem:$0x3FD0];
	(tm) =	ssettm $0x1  }
0x93: {  	s5 =	sld [smem:$0x3FFB];
	_ =	sdelay $0x3  }
0x94: {  	_ =	strace s5  }
0x95: {  	s5 =	sld [smem:$0x3FFC];
	_ =	sdelay $0x3  }
0x96: {  	_ =	strace s5  }
0x97: {  	s5 =	sld [smem:$0x3FFD];
	_ =	sdelay $0x3  }
0x98: {  	_ =	strace s5  }
0x99: {  	_ =	strace $0x8FFFFFFF  }
0x9a: {  	s20 =	sld [smem:$0x3FDB];
	_ =	sdelay $0x1  }
0x9b: {  	s6 =	simm.s32 $_scs_section_size  }
0x9c: {  	s7 =	simm.s32 $_size__tile_overlayer_lowered;
	s8 =	simm.s32 $_tile_overlayer_lowered  }
0x9d: {  	s23 =	simm.s32 $0x1BFF;
	s22 =	sshll.u32 s8, $0x1;
	s5 =	sadd.s32 s6, s20  }
0x9e: {  	s9 =	simm.s32 $0x0;
	s21 =	sshll.u32 s7, $0x1;
	s7 =	sadd.s32 s22, s5  }
0x9f: {  	[timem:s9], [sflag:s23] =	dma.local [hbm:s7], s21  }
0xa0: {  	_ =	swait.ge [sflag:s23], s21  }
0xa1: {  	s6 =	ssub.s32 $0x0, s21;
	[sflag:s23] =	ssyncset.done $0x0  }
0xa2: {  	[sflag:s23] =	ssyncadd.s32 s6;
	_ =	sdelay $0x1  }
0xa3: {  	s24 =	simm.s32 $0x1B8B  }
0xa4: {  	_ =	swait.ge [sflag:s24], $0x1  }
0xa5: {  	[sflag:s24] =	ssyncset.done $0x0  }
0xa6: {  	s25 =	simm.s32 $0x1B8E;
	[sflag:s24] =	ssyncadd.s32 $0xFFFFFFFF  }
0xa7: {  	s26 =	simm.s32 $execute0_lowered;
	[smem:$0x3FD2] =	sst s25  }
0xa8: {  	s6 =	sshll.u32 s26, $0x1;
	_ =	strace $0x80000046;
	[dreg:$0x1] =	wrdreg $0xFFFFFFFF  }
0xa9: {  	s28 =	simm.s32 $_size_execute0_lowered;
	s5 =	sadd.s32 s5, s6;
	[dreg:$0x0] =	wrdreg $0x0  }
0xaa: {  	s6 =	sshll.u32 s28, $0x1;
	[dreg:$0x2] =	wrdreg s5  }
0xab: {  	[dreg:$0x3] =	wrdreg s6  }
0xac: {  	[dreg:$0x4] =	wrdreg $0xC0  }
0xad: {  	_ =	task [dreg:s9], $0x5FFFF  }
0xae: {  	[dreg:$0x1] =	wrdreg $0xFFFFFFFF  }
0xaf: {  	[dreg:$0x0] =	wrdreg $0x60  }
0xb0: {  	[dreg:$0x2] =	wrdreg s2  }
0xb1: {  	[dreg:$0x3] =	wrdreg s19  }
0xb2: {  	[dreg:$0x4] =	wrdreg s4  }
0xb3: {  	[dreg:$0x5] =	wrdreg $0x9  }
0xb4: {  	_ =	task.clear_ibuf [dreg:s9], $0x6FFFF;
	_ =	strace $0x90000046  }
0xb5: {  	s29 =	simm.s32 $0x9;
	_ =	strace $0x80000048  }
0xb6: {  	_ =	swait.ge [sflag:s29], $0x1  }
0xb7: {  	[sflag:s29] =	ssyncadd.s32 $0xFFFFFFFF  }
0xb8: {  	_ =	strace $0x90000048  }
0xb9: {  	_ =	sfence  }
0xba: {  	s30 =	sld [smem:$0x0];
	_ =	sdelay $0x2  }
0xbb: {  	s31 =	sshll.u32 s1, $0xD;
	s1 =	sshrl.u32 s1, $0x2  }
0xbc: {  	s3 =	sand.u32 $0x4000, s31;
	s1 =	sadd.s32 s1, s30  }
0xbd: {  	s0 =	sor.u32 s3, s0;
	s1 =	sshll.u32 s1, $0x11  }
0xbe: {  	s0 =	sor.u32 s1, s0  }
0xbf: {  	s0 =	sadd.s32 $0x8F2B, s0  }
0xc0: {  	[sflag:s0] =	ssyncadd.remote.s32 $0x1  }
0xc1: {  	_ =	sfence.sel $0xFFFF  }
0xc2: {  	[dreg:$0x0] =	wrdreg $0xFFFFFFFF;
	(pc) =	sbr.abs _section_cstart, $3  }
0xc3: {  	[dreg:$0x1] =	wrdreg $0xFFFFFFFF  }
0xc4: {  	_ =	task.clear_ibuf [dreg:s9], $0x2FFFF;
	_ =	strace $0x9FFFFFFF  }
0xc5: {  	(tm) =	ssettm $0x7FFFFFFF  }
tec
execute0_lowered:
.L_overlay_start_1:
0x0: {  	(tag) =	ssettag $0x1  }
0x1: {  	s0 =	rddreg [dreg:$0x0]  }
0x2: {  	s2 =	rddreg [dreg:$0x1]  }
0x3: {  	s1 =	rddreg [dreg:$0x2];
	s6 =	stileid.u32  }
0x4: {  	s4 =	srdreg.scid;
	s3 =	simm.s32 $0x0;
	s5 =	sshll.u32 s6, $0x1  }
0x5: {  	s4 =	sand.u32 $0x1, s4;
	s6 =	sshrl.u32 s6, $0x2;
	s5 =	sand.u32 $0x6, s5  }
0x6: {  	s8 =	sshll.u32 s6, $0x4;
	s6 =	sshll.u32 s6, $0x13;
	s5 =	sor.u32 s4, s5  }
0x7: {  	s0 =	sadd.s32 s0, s8;
	s7 =	sshll.u32 s5, $0x10;
	s5 =	sshll.u32 s5, $0x7  }
0x8: {  	[smem:$0x7FF] =	sst s3;
	s6 =	sor.u32 s6, s7;
	s0 =	sadd.s32 s5, s0  }
0x9: {  	_ =	strace $0x80000047;
	s10 =	sadd.s32 s1, s6;
	[dreg:$0x4] =	wrdreg s0  }
0xa: {  	s23 =	sadd.s32 $0x800, s10;
	[smem:$0x7FA] =	sst s10  }
0xb: {  	s24 =	sadd.s32 $0x1000, s10;
	[dreg:$0x5] =	wrdreg s23  }
0xc: {  	s25 =	sadd.s32 $0x1800, s10;
	[dreg:$0x6] =	wrdreg s24  }
0xd: {  	s26 =	sadd.s32 $0x2000, s10;
	[dreg:$0x7] =	wrdreg s25  }
0xe: {  	s28 =	sadd.s32 $0x2800, s10;
	[dreg:$0x8] =	wrdreg s26  }
0xf: {  	s29 =	sadd.s32 $0x3000, s10;
	[dreg:$0x9] =	wrdreg s28  }
0x10: {  	s30 =	sadd.s32 $0x3800, s10;
	[dreg:$0xa] =	wrdreg s29  }
0x11: {  	s31 =	sadd.s32 $0x4000, s10;
	[dreg:$0xb] =	wrdreg s30  }
0x12: {  	s1 =	sadd.s32 $0x4800, s10;
	[dreg:$0xc] =	wrdreg s31  }
0x13: {  	s5 =	sadd.s32 $0x5000, s10;
	[dreg:$0xd] =	wrdreg s1  }
0x14: {  	s6 =	sadd.s32 $0x5800, s10;
	[dreg:$0xe] =	wrdreg s5  }
0x15: {  	s7 =	sadd.s32 $0x6000, s10;
	[dreg:$0xf] =	wrdreg s6  }
0x16: {  	s8 =	sadd.s32 $0x6800, s10;
	[dreg:$0x10] =	wrdreg s7  }
0x17: {  	s9 =	sadd.s32 $0x7000, s10;
	[dreg:$0x11] =	wrdreg s8  }
0x18: {  	s11 =	sadd.s32 $0x7800, s10;
	[dreg:$0x12] =	wrdreg s9  }
0x19: {  	s12 =	sadd.s32 $0x8000, s10;
	[dreg:$0x13] =	wrdreg s11  }
0x1a: {  	s13 =	sadd.s32 $0x8800, s10;
	[dreg:$0x14] =	wrdreg s12  }
0x1b: {  	s14 =	sadd.s32 $0x9000, s10;
	[dreg:$0x15] =	wrdreg s13  }
0x1c: {  	s15 =	sadd.s32 $0x9800, s10;
	[dreg:$0x16] =	wrdreg s14  }
0x1d: {  	s16 =	sadd.s32 $0xA000, s10;
	[dreg:$0x17] =	wrdreg s15  }
0x1e: {  	s17 =	sadd.s32 $0xA800, s10;
	[dreg:$0x18] =	wrdreg s16  }
0x1f: {  	s18 =	sadd.s32 $0xB000, s10;
	[dreg:$0x19] =	wrdreg s17  }
0x20: {  	s19 =	sadd.s32 $0xB800, s10;
	[dreg:$0x1a] =	wrdreg s18  }
0x21: {  	s20 =	ssub.s32 $0x2, s4;
	s21 =	sadd.s32 $0xC000, s10;
	[dreg:$0x1b] =	wrdreg s19  }
0x22: {  	s4 =	sshrl.u32 s20, $0x1;
	s22 =	sadd.s32 $0xC800, s10;
	[dreg:$0x1c] =	wrdreg s21  }
0x23: {  	s1 =	ssub.s32 s20, s4;
	[dreg:$0x1d] =	wrdreg s22  }
0x24: {  	s23 =	sadd.s32 $0xD000, s10;
	s5 =	sadd.s32 $0x100, s2;
	s24 =	sadd.s32 $0xD800, s10  }
0x25: {  	s6 =	sadd.s32 $0x200, s2;
	s25 =	sadd.s32 $0xE000, s10;
	s7 =	sadd.s32 $0x300, s2  }
0x26: {  	s26 =	sadd.s32 $0xE800, s10;
	s8 =	sadd.s32 $0x400, s2;
	s28 =	sadd.s32 $0xF000, s10  }
0x27: {  	s9 =	sadd.s32 $0x500, s2;
	s29 =	sadd.s32 $0xF800, s10;
	[dreg:$0x1e] =	wrdreg s23  }
0x28: {  	s10 =	sadd.s32 $0x600, s2;
	s30 =	simm.s32 $0x80;
	[dreg:$0x1f] =	wrdreg s24  }
0x29: {  	s11 =	sadd.s32 $0x700, s2;
	s31 =	simm.s32 $0x200;
	[smem:$0x7F7] =	sst s25  }
0x2a: {  	s13 =	simm.s32 $0x1;
	s15 =	simm.s32 $0x7;
	[smem:$0x7F8] =	sst s26  }
0x2b: {  	s16 =	simm.s32 $0x2;
	s17 =	simm.s32 $0x8;
	[smem:$0x7F9] =	sst s28  }
0x2c: {  	s18 =	simm.s32 $0x3;
	s19 =	simm.s32 $0x9;
	[smem:$0x7FB] =	sst s29  }
0x2d: {  	v0 =	vlaneseq.u32;
	s20 =	simm.s32 $0x4;
	s21 =	simm.s32 $0xA;
	[smem:$0x7FC] =	sst s30  }
0x2e: {  	v1 =	vshrl.u32 v0, $0x3;
	s1 =	smax.u32 s1, $0x1;
	[smem:$0x7FD] =	sst s31;
	s23 =	simm.s32 $0x5  }
0x2f: {  	vm0 =	vmmov $0xffff;
	v0 =	vand.u32 $0x7, v0;
	v1 =	vmul.u32 $0x8, v1;
	s24 =	simm.s32 $0xB;
	s25 =	simm.s32 $0x6;
	s26 =	simm.s32 $0xC  }
.LBB2_1:
0x30: {  	s29 =	sld [smem:$0x7FC]  }
0x31: {  	s30 =	sld [smem:$0x7FD]  }
0x32: {  	[smem:$0x7F6] =	sst s1  }
0x33: {  	s28 =	rddreg [dreg:$0x4];
	s4 =	simm.s32 $0xD  }
0x34: {  	[tilespmem:s3], [sflag:$0xD] =	stream.strided.gather [hbm4b:s28+s29], $0x100, s30, s29, $0x38;
	[tilespmem:$0x18100] =	vst v63  }
0x35: {  	_ =	swait.ge [sflag:s4], $0x100  }
0x36: {  	[sflag:s4] =	ssyncset.done $0x0  }
0x37: {  	[sflag:s4] =	ssyncadd.s32 $0xFFFFFF00  }
0x38: {  	v2 =	vld.msk [tilespmem:$0x0], $0xff;
	_ =	sdelay $0x4  }
0x39: {  	v3 =	vshll.u32 v2, $0x4  }
0x3a: {  	v2 =	vand.u32 $0x7, v2;
	v3 =	vand.u32 $0xFFFFFF80, v3  }
0x3b: {  	v2 =	vor.u32 v2, v3  }
0x3c: {  	v2 =	vperm.xlane v2, v0;
	_ =	sdelay $0x1  }
0x3d: {  	v2 =	vadd.s32 v1, v2;
	_ =	sdelay $0x3  }
0x3e: {  	s0 =	simm.s32 $0x100  }
0x3f: {  	[tilespmem:s0], [sflag:$0x1] =	stream.indirect_vreg.gather [hbm4b:s2+s3], $0x80, v2, vm0, $0xb8;
	[tilespmem:$0x18100] =	vst v63  }
0x40: {  	s12 =	simm.s32 $0x900  }
0x41: {  	[tilespmem:s12], [sflag:$0x1] =	stream.indirect_vreg.gather [hbm4b:s5+s3], $0x80, v2, vm0, $0xb8;
	[tilespmem:$0x18100] =	vst v63  }
0x42: {  	s14 =	simm.s32 $0x1100  }
0x43: {  	[tilespmem:s14], [sflag:$0x1] =	stream.indirect_vreg.gather [hbm4b:s6+s3], $0x80, v2, vm0, $0xb8;
	[tilespmem:$0x18100] =	vst v63  }
0x44: {  	s22 =	simm.s32 $0x1900  }
0x45: {  	[tilespmem:s22], [sflag:$0x1] =	stream.indirect_vreg.gather [hbm4b:s7+s3], $0x80, v2, vm0, $0xb8;
	[tilespmem:$0x18100] =	vst v63  }
0x46: {  	s28 =	simm.s32 $0x2100  }
0x47: {  	[tilespmem:s28], [sflag:$0x1] =	stream.indirect_vreg.gather [hbm4b:s8+s3], $0x80, v2, vm0, $0xb8;
	[tilespmem:$0x18100] =	vst v63  }
0x48: {  	s29 =	simm.s32 $0x2900  }
0x49: {  	[tilespmem:s29], [sflag:$0x1] =	stream.indirect_vreg.gather [hbm4b:s9+s3], $0x80, v2, vm0, $0xb8;
	[tilespmem:$0x18100] =	vst v63  }
0x4a: {  	s30 =	simm.s32 $0x3100  }
0x4b: {  	[tilespmem:s30], [sflag:$0x1] =	stream.indirect_vreg.gather [hbm4b:s10+s3], $0x80, v2, vm0, $0xb8;
	[tilespmem:$0x18100] =	vst v63  }
0x4c: {  	s31 =	simm.s32 $0x3900  }
0x4d: {  	[tilespmem:s31], [sflag:$0x1] =	stream.indirect_vreg.gather [hbm4b:s11+s3], $0x80, v2, vm0, $0xb8;
	[tilespmem:$0x18100] =	vst v63  }
0x4e: {  	v2 =	vld.msk [tilespmem:$0x8], $0xff;
	_ =	sdelay $0x4  }
0x4f: {  	v3 =	vshll.u32 v2, $0x4  }
0x50: {  	v2 =	vand.u32 $0x7, v2;
	v3 =	vand.u32 $0xFFFFFF80, v3  }
0x51: {  	v2 =	vor.u32 v2, v3  }
0x52: {  	v2 =	vperm.xlane v2, v0;
	_ =	sdelay $0x1  }
0x53: {  	v2 =	vadd.s32 v1, v2;
	_ =	sdelay $0x3  }
0x54: {  	s1 =	simm.s32 $0x4100  }
0x55: {  	[tilespmem:s1], [sflag:$0x2] =	stream.indirect_vreg.gather [hbm4b:s2+s3], $0x80, v2, vm0, $0xb8;
	[tilespmem:$0x18100] =	vst v63  }
0x56: {  	s4 =	simm.s32 $0x4900  }
0x57: {  	[tilespmem:s4], [sflag:$0x2] =	stream.indirect_vreg.gather [hbm4b:s5+s3], $0x80, v2, vm0, $0xb8;
	[tilespmem:$0x18100] =	vst v63  }
0x58: {  	s14 =	simm.s32 $0x5100  }
0x59: {  	[tilespmem:s14], [sflag:$0x2] =	stream.indirect_vreg.gather [hbm4b:s6+s3], $0x80, v2, vm0, $0xb8;
	[tilespmem:$0x18100] =	vst v63  }
0x5a: {  	s22 =	simm.s32 $0x5900  }
0x5b: {  	[tilespmem:s22], [sflag:$0x2] =	stream.indirect_vreg.gather [hbm4b:s7+s3], $0x80, v2, vm0, $0xb8;
	[tilespmem:$0x18100] =	vst v63  }
0x5c: {  	s29 =	simm.s32 $0x6100  }
0x5d: {  	[tilespmem:s29], [sflag:$0x2] =	stream.indirect_vreg.gather [hbm4b:s8+s3], $0x80, v2, vm0, $0xb8;
	[tilespmem:$0x18100] =	vst v63  }
0x5e: {  	s30 =	simm.s32 $0x6900  }
0x5f: {  	[tilespmem:s30], [sflag:$0x2] =	stream.indirect_vreg.gather [hbm4b:s9+s3], $0x80, v2, vm0, $0xb8;
	[tilespmem:$0x18100] =	vst v63  }
0x60: {  	s0 =	simm.s32 $0x7100  }
0x61: {  	[tilespmem:s0], [sflag:$0x2] =	stream.indirect_vreg.gather [hbm4b:s10+s3], $0x80, v2, vm0, $0xb8;
	[tilespmem:$0x18100] =	vst v63  }
0x62: {  	s1 =	simm.s32 $0x7900  }
0x63: {  	[tilespmem:s1], [sflag:$0x2] =	stream.indirect_vreg.gather [hbm4b:s11+s3], $0x80, v2, vm0, $0xb8;
	[tilespmem:$0x18100] =	vst v63  }
0x64: {  	v2 =	vld.msk [tilespmem:$0x10], $0xff;
	_ =	sdelay $0x4  }
0x65: {  	v3 =	vshll.u32 v2, $0x4  }
0x66: {  	v2 =	vand.u32 $0x7, v2;
	v3 =	vand.u32 $0xFFFFFF80, v3  }
0x67: {  	v2 =	vor.u32 v2, v3  }
0x68: {  	v2 =	vperm.xlane v2, v0;
	_ =	sdelay $0x1  }
0x69: {  	v2 =	vadd.s32 v1, v2;
	_ =	sdelay $0x3  }
0x6a: {  	s4 =	simm.s32 $0x8100  }
0x6b: {  	[tilespmem:s4], [sflag:$0x3] =	stream.indirect_vreg.gather [hbm4b:s2+s3], $0x80, v2, vm0, $0xb8;
	[tilespmem:$0x18100] =	vst v63  }
0x6c: {  	s14 =	simm.s32 $0x8900  }
0x6d: {  	[tilespmem:s14], [sflag:$0x3] =	stream.indirect_vreg.gather [hbm4b:s5+s3], $0x80, v2, vm0, $0xb8;
	[tilespmem:$0x18100] =	vst v63  }
0x6e: {  	s22 =	simm.s32 $0x9100  }
0x6f: {  	[tilespmem:s22], [sflag:$0x3] =	stream.indirect_vreg.gather [hbm4b:s6+s3], $0x80, v2, vm0, $0xb8;
	[tilespmem:$0x18100] =	vst v63  }
0x70: {  	s28 =	simm.s32 $0x9900  }
0x71: {  	[tilespmem:s28], [sflag:$0x3] =	stream.indirect_vreg.gather [hbm4b:s7+s3], $0x80, v2, vm0, $0xb8;
	[tilespmem:$0x18100] =	vst v63  }
0x72: {  	s29 =	simm.s32 $0xA100  }
0x73: {  	[tilespmem:s29], [sflag:$0x3] =	stream.indirect_vreg.gather [hbm4b:s8+s3], $0x80, v2, vm0, $0xb8;
	[tilespmem:$0x18100] =	vst v63  }
0x74: {  	s30 =	simm.s32 $0xA900  }
0x75: {  	[tilespmem:s30], [sflag:$0x3] =	stream.indirect_vreg.gather [hbm4b:s9+s3], $0x80, v2, vm0, $0xb8;
	[tilespmem:$0x18100] =	vst v63  }
0x76: {  	s1 =	simm.s32 $0xB100  }
0x77: {  	[tilespmem:s1], [sflag:$0x3] =	stream.indirect_vreg.gather [hbm4b:s10+s3], $0x80, v2, vm0, $0xb8;
	[tilespmem:$0x18100] =	vst v63  }
0x78: {  	s4 =	simm.s32 $0xB900  }
0x79: {  	[tilespmem:s4], [sflag:$0x3] =	stream.indirect_vreg.gather [hbm4b:s11+s3], $0x80, v2, vm0, $0xb8;
	[tilespmem:$0x18100] =	vst v63  }
0x7a: {  	v2 =	vld.msk [tilespmem:$0x18], $0xff;
	_ =	sdelay $0x4  }
0x7b: {  	v3 =	vshll.u32 v2, $0x4  }
0x7c: {  	v2 =	vand.u32 $0x7, v2;
	v3 =	vand.u32 $0xFFFFFF80, v3  }
0x7d: {  	v2 =	vor.u32 v2, v3  }
0x7e: {  	v2 =	vperm.xlane v2, v0;
	_ =	sdelay $0x1  }
0x7f: {  	v2 =	vadd.s32 v1, v2;
	_ =	sdelay $0x3  }
0x80: {  	s14 =	simm.s32 $0xC100  }
0x81: {  	[tilespmem:s14], [sflag:$0x4] =	stream.indirect_vreg.gather [hbm4b:s2+s3], $0x80, v2, vm0, $0xb8;
	[tilespmem:$0x18100] =	vst v63  }
0x82: {  	s22 =	simm.s32 $0xC900  }
0x83: {  	[tilespmem:s22], [sflag:$0x4] =	stream.indirect_vreg.gather [hbm4b:s5+s3], $0x80, v2, vm0, $0xb8;
	[tilespmem:$0x18100] =	vst v63  }
0x84: {  	s28 =	simm.s32 $0xD100  }
0x85: {  	[tilespmem:s28], [sflag:$0x4] =	stream.indirect_vreg.gather [hbm4b:s6+s3], $0x80, v2, vm0, $0xb8;
	[tilespmem:$0x18100] =	vst v63  }
0x86: {  	s29 =	simm.s32 $0xD900  }
0x87: {  	[tilespmem:s29], [sflag:$0x4] =	stream.indirect_vreg.gather [hbm4b:s7+s3], $0x80, v2, vm0, $0xb8;
	[tilespmem:$0x18100] =	vst v63  }
0x88: {  	s30 =	simm.s32 $0xE100  }
0x89: {  	[tilespmem:s30], [sflag:$0x4] =	stream.indirect_vreg.gather [hbm4b:s8+s3], $0x80, v2, vm0, $0xb8;
	[tilespmem:$0x18100] =	vst v63  }
0x8a: {  	s14 =	simm.s32 $0xE900  }
0x8b: {  	[tilespmem:s14], [sflag:$0x4] =	stream.indirect_vreg.gather [hbm4b:s9+s3], $0x80, v2, vm0, $0xb8;
	[tilespmem:$0x18100] =	vst v63  }
0x8c: {  	s28 =	simm.s32 $0xF100  }
0x8d: {  	[tilespmem:s28], [sflag:$0x4] =	stream.indirect_vreg.gather [hbm4b:s10+s3], $0x80, v2, vm0, $0xb8;
	[tilespmem:$0x18100] =	vst v63  }
0x8e: {  	s30 =	simm.s32 $0xF900  }
0x8f: {  	[tilespmem:s30], [sflag:$0x4] =	stream.indirect_vreg.gather [hbm4b:s11+s3], $0x80, v2, vm0, $0xb8;
	[tilespmem:$0x18100] =	vst v63  }
0x90: {  	v2 =	vld.msk [tilespmem:$0x20], $0xff;
	_ =	sdelay $0x4  }
0x91: {  	v3 =	vshll.u32 v2, $0x4  }
0x92: {  	v2 =	vand.u32 $0x7, v2;
	v3 =	vand.u32 $0xFFFFFF80, v3  }
0x93: {  	v2 =	vor.u32 v2, v3  }
0x94: {  	v2 =	vperm.xlane v2, v0;
	_ =	sdelay $0x1  }
0x95: {  	v2 =	vadd.s32 v1, v2;
	_ =	sdelay $0x3  }
0x96: {  	s14 =	simm.s32 $0x10100  }
0x97: {  	[tilespmem:s14], [sflag:$0x5] =	stream.indirect_vreg.gather [hbm4b:s2+s3], $0x80, v2, vm0, $0xb8;
	[tilespmem:$0x18100] =	vst v63  }
0x98: {  	s14 =	simm.s32 $0x10900  }
0x99: {  	[tilespmem:s14], [sflag:$0x5] =	stream.indirect_vreg.gather [hbm4b:s5+s3], $0x80, v2, vm0, $0xb8;
	[tilespmem:$0x18100] =	vst v63  }
0x9a: {  	s28 =	simm.s32 $0x11100  }
0x9b: {  	[tilespmem:s28], [sflag:$0x5] =	stream.indirect_vreg.gather [hbm4b:s6+s3], $0x80, v2, vm0, $0xb8;
	[tilespmem:$0x18100] =	vst v63  }
0x9c: {  	s0 =	simm.s32 $0x11900  }
0x9d: {  	[tilespmem:s0], [sflag:$0x5] =	stream.indirect_vreg.gather [hbm4b:s7+s3], $0x80, v2, vm0, $0xb8;
	[tilespmem:$0x18100] =	vst v63  }
0x9e: {  	s28 =	simm.s32 $0x12100  }
0x9f: {  	[tilespmem:s28], [sflag:$0x5] =	stream.indirect_vreg.gather [hbm4b:s8+s3], $0x80, v2, vm0, $0xb8;
	[tilespmem:$0x18100] =	vst v63  }
0xa0: {  	s0 =	simm.s32 $0x12900  }
0xa1: {  	[tilespmem:s0], [sflag:$0x5] =	stream.indirect_vreg.gather [hbm4b:s9+s3], $0x80, v2, vm0, $0xb8;
	[tilespmem:$0x18100] =	vst v63  }
0xa2: {  	s28 =	simm.s32 $0x13100  }
0xa3: {  	[tilespmem:s28], [sflag:$0x5] =	stream.indirect_vreg.gather [hbm4b:s10+s3], $0x80, v2, vm0, $0xb8;
	[tilespmem:$0x18100] =	vst v63  }
0xa4: {  	s0 =	simm.s32 $0x13900  }
0xa5: {  	[tilespmem:s0], [sflag:$0x5] =	stream.indirect_vreg.gather [hbm4b:s11+s3], $0x80, v2, vm0, $0xb8;
	[tilespmem:$0x18100] =	vst v63  }
0xa6: {  	v2 =	vld.msk [tilespmem:$0x28], $0xff;
	_ =	sdelay $0x4  }
0xa7: {  	v3 =	vshll.u32 v2, $0x4  }
0xa8: {  	v2 =	vand.u32 $0x7, v2;
	v3 =	vand.u32 $0xFFFFFF80, v3  }
0xa9: {  	v2 =	vor.u32 v2, v3  }
0xaa: {  	v2 =	vperm.xlane v2, v0;
	_ =	sdelay $0x1  }
0xab: {  	v2 =	vadd.s32 v1, v2;
	_ =	sdelay $0x3  }
0xac: {  	s28 =	simm.s32 $0x14100  }
0xad: {  	[tilespmem:s28], [sflag:$0x6] =	stream.indirect_vreg.gather [hbm4b:s2+s3], $0x80, v2, vm0, $0xb8;
	[tilespmem:$0x18100] =	vst v63  }
0xae: {  	s14 =	simm.s32 $0x14900  }
0xaf: {  	[tilespmem:s14], [sflag:$0x6] =	stream.indirect_vreg.gather [hbm4b:s5+s3], $0x80, v2, vm0, $0xb8;
	[tilespmem:$0x18100] =	vst v63  }
0xb0: {  	s0 =	simm.s32 $0x15100  }
0xb1: {  	[tilespmem:s0], [sflag:$0x6] =	stream.indirect_vreg.gather [hbm4b:s6+s3], $0x80, v2, vm0, $0xb8;
	[tilespmem:$0x18100] =	vst v63  }
0xb2: {  	s14 =	simm.s32 $0x15900  }
0xb3: {  	[tilespmem:s14], [sflag:$0x6] =	stream.indirect_vreg.gather [hbm4b:s7+s3], $0x80, v2, vm0, $0xb8;
	[tilespmem:$0x18100] =	vst v63  }
0xb4: {  	s0 =	simm.s32 $0x16100  }
0xb5: {  	[tilespmem:s0], [sflag:$0x6] =	stream.indirect_vreg.gather [hbm4b:s8+s3], $0x80, v2, vm0, $0xb8;
	[tilespmem:$0x18100] =	vst v63  }
0xb6: {  	s14 =	simm.s32 $0x16900  }
0xb7: {  	[tilespmem:s14], [sflag:$0x6] =	stream.indirect_vreg.gather [hbm4b:s9+s3], $0x80, v2, vm0, $0xb8;
	[tilespmem:$0x18100] =	vst v63  }
0xb8: {  	s0 =	simm.s32 $0x17100  }
0xb9: {  	[tilespmem:s0], [sflag:$0x6] =	stream.indirect_vreg.gather [hbm4b:s10+s3], $0x80, v2, vm0, $0xb8;
	[tilespmem:$0x18100] =	vst v63  }
0xba: {  	s14 =	simm.s32 $0x17900  }
0xbb: {  	[tilespmem:s14], [sflag:$0x6] =	stream.indirect_vreg.gather [hbm4b:s11+s3], $0x80, v2, vm0, $0xb8;
	[tilespmem:$0x18100] =	vst v63  }
0xbc: {  	_ =	swait.ge [sflag:s13], $0x4000  }
0xbd: {  	s0 =	sld [smem:$0x7FA]  }
0xbe: {  	[sflag:s13] =	ssyncset.done $0x0  }
0xbf: {  	s14 =	simm.s32 $0x100;
	[sflag:s13] =	ssyncadd.s32 $0xFFFFC000  }
0xc0: {  	[hbm4b:s0+s3] =	stream.linear.scatter [tilespmem:s14], [sflag:$0x7], $0x4000, $0x38;
	[tilespmem:$0x18100] =	vst v63  }
0xc1: {  	_ =	swait.ge [sflag:s15], $0x4000  }
0xc2: {  	[sflag:s15] =	ssyncset.done $0x0  }
0xc3: {  	[sflag:s15] =	ssyncadd.s32 $0xFFFFC000  }
0xc4: {  	v2 =	vld.msk [tilespmem:$0x30], $0xff;
	_ =	sdelay $0x4  }
0xc5: {  	v3 =	vshll.u32 v2, $0x4  }
0xc6: {  	v2 =	vand.u32 $0x7, v2;
	v3 =	vand.u32 $0xFFFFFF80, v3  }
0xc7: {  	v2 =	vor.u32 v2, v3  }
0xc8: {  	v2 =	vperm.xlane v2, v0;
	_ =	sdelay $0x1  }
0xc9: {  	v2 =	vadd.s32 v1, v2;
	_ =	sdelay $0x4  }
0xca: {  	[tilespmem:s14], [sflag:$0x1] =	stream.indirect_vreg.gather [hbm4b:s2+s3], $0x80, v2, vm0, $0xb8;
	[tilespmem:$0x18100] =	vst v63  }
0xcb: {  	s14 =	simm.s32 $0x900  }
0xcc: {  	[tilespmem:s14], [sflag:$0x1] =	stream.indirect_vreg.gather [hbm4b:s5+s3], $0x80, v2, vm0, $0xb8;
	[tilespmem:$0x18100] =	vst v63  }
0xcd: {  	s28 =	simm.s32 $0x1100  }
0xce: {  	[tilespmem:s28], [sflag:$0x1] =	stream.indirect_vreg.gather [hbm4b:s6+s3], $0x80, v2, vm0, $0xb8;
	[tilespmem:$0x18100] =	vst v63  }
0xcf: {  	s12 =	simm.s32 $0x1900  }
0xd0: {  	[tilespmem:s12], [sflag:$0x1] =	stream.indirect_vreg.gather [hbm4b:s7+s3], $0x80, v2, vm0, $0xb8;
	[tilespmem:$0x18100] =	vst v63  }
0xd1: {  	s12 =	simm.s32 $0x2100  }
0xd2: {  	[tilespmem:s12], [sflag:$0x1] =	stream.indirect_vreg.gather [hbm4b:s8+s3], $0x80, v2, vm0, $0xb8;
	[tilespmem:$0x18100] =	vst v63  }
0xd3: {  	s14 =	simm.s32 $0x2900  }
0xd4: {  	[tilespmem:s14], [sflag:$0x1] =	stream.indirect_vreg.gather [hbm4b:s9+s3], $0x80, v2, vm0, $0xb8;
	[tilespmem:$0x18100] =	vst v63  }
0xd5: {  	s28 =	simm.s32 $0x3100  }
0xd6: {  	[tilespmem:s28], [sflag:$0x1] =	stream.indirect_vreg.gather [hbm4b:s10+s3], $0x80, v2, vm0, $0xb8;
	[tilespmem:$0x18100] =	vst v63  }
0xd7: {  	s31 =	simm.s32 $0x3900  }
0xd8: {  	[tilespmem:s31], [sflag:$0x1] =	stream.indirect_vreg.gather [hbm4b:s11+s3], $0x80, v2, vm0, $0xb8;
	[tilespmem:$0x18100] =	vst v63  }
0xd9: {  	_ =	swait.ge [sflag:s16], $0x4000  }
0xda: {  	[sflag:s16] =	ssyncset.done $0x0  }
0xdb: {  	s12 =	simm.s32 $0x4100;
	s0 =	rddreg [dreg:$0x5];
	[sflag:s16] =	ssyncadd.s32 $0xFFFFC000  }
0xdc: {  	[hbm4b:s0+s3] =	stream.linear.scatter [tilespmem:s12], [sflag:$0x8], $0x4000, $0x38;
	[tilespmem:$0x18100] =	vst v63  }
0xdd: {  	_ =	swait.ge [sflag:s17], $0x4000  }
0xde: {  	[sflag:s17] =	ssyncset.done $0x0  }
0xdf: {  	[sflag:s17] =	ssyncadd.s32 $0xFFFFC000  }
0xe0: {  	v2 =	vld.msk [tilespmem:$0x38], $0xff;
	_ =	sdelay $0x4  }
0xe1: {  	v3 =	vshll.u32 v2, $0x4  }
0xe2: {  	v2 =	vand.u32 $0x7, v2;
	v3 =	vand.u32 $0xFFFFFF80, v3  }
0xe3: {  	v2 =	vor.u32 v2, v3  }
0xe4: {  	v2 =	vperm.xlane v2, v0;
	_ =	sdelay $0x1  }
0xe5: {  	v2 =	vadd.s32 v1, v2;
	_ =	sdelay $0x4  }
0xe6: {  	[tilespmem:s12], [sflag:$0x2] =	stream.indirect_vreg.gather [hbm4b:s2+s3], $0x80, v2, vm0, $0xb8;
	[tilespmem:$0x18100] =	vst v63  }
0xe7: {  	s14 =	simm.s32 $0x4900  }
0xe8: {  	[tilespmem:s14], [sflag:$0x2] =	stream.indirect_vreg.gather [hbm4b:s5+s3], $0x80, v2, vm0, $0xb8;
	[tilespmem:$0x18100] =	vst v63  }
0xe9: {  	s28 =	simm.s32 $0x5100  }
0xea: {  	[tilespmem:s28], [sflag:$0x2] =	stream.indirect_vreg.gather [hbm4b:s6+s3], $0x80, v2, vm0, $0xb8;
	[tilespmem:$0x18100] =	vst v63  }
0xeb: {  	s31 =	simm.s32 $0x5900  }
0xec: {  	[tilespmem:s31], [sflag:$0x2] =	stream.indirect_vreg.gather [hbm4b:s7+s3], $0x80, v2, vm0, $0xb8;
	[tilespmem:$0x18100] =	vst v63  }
0xed: {  	s12 =	simm.s32 $0x6100  }
0xee: {  	[tilespmem:s12], [sflag:$0x2] =	stream.indirect_vreg.gather [hbm4b:s8+s3], $0x80, v2, vm0, $0xb8;
	[tilespmem:$0x18100] =	vst v63  }
0xef: {  	s14 =	simm.s32 $0x6900  }
0xf0: {  	[tilespmem:s14], [sflag:$0x2] =	stream.indirect_vreg.gather [hbm4b:s9+s3], $0x80, v2, vm0, $0xb8;
	[tilespmem:$0x18100] =	vst v63  }
0xf1: {  	s28 =	simm.s32 $0x7100  }
0xf2: {  	[tilespmem:s28], [sflag:$0x2] =	stream.indirect_vreg.gather [hbm4b:s10+s3], $0x80, v2, vm0, $0xb8;
	[tilespmem:$0x18100] =	vst v63  }
0xf3: {  	s31 =	simm.s32 $0x7900  }
0xf4: {  	[tilespmem:s31], [sflag:$0x2] =	stream.indirect_vreg.gather [hbm4b:s11+s3], $0x80, v2, vm0, $0xb8;
	[tilespmem:$0x18100] =	vst v63  }
0xf5: {  	_ =	swait.ge [sflag:s18], $0x4000  }
0xf6: {  	[sflag:s18] =	ssyncset.done $0x0  }
0xf7: {  	s14 =	simm.s32 $0x8100;
	s12 =	rddreg [dreg:$0x6];
	[sflag:s18] =	ssyncadd.s32 $0xFFFFC000  }
0xf8: {  	[hbm4b:s12+s3] =	stream.linear.scatter [tilespmem:s14], [sflag:$0x9], $0x4000, $0x38;
	[tilespmem:$0x18100] =	vst v63  }
0xf9: {  	_ =	swait.ge [sflag:s19], $0x4000  }
0xfa: {  	[sflag:s19] =	ssyncset.done $0x0  }
0xfb: {  	[sflag:s19] =	ssyncadd.s32 $0xFFFFC000  }
0xfc: {  	v2 =	vld.msk [tilespmem:$0x40], $0xff;
	_ =	sdelay $0x4  }
0xfd: {  	v3 =	vshll.u32 v2, $0x4  }
0xfe: {  	v2 =	vand.u32 $0x7, v2;
	v3 =	vand.u32 $0xFFFFFF80, v3  }
0xff: {  	v2 =	vor.u32 v2, v3  }
0x100: {  	v2 =	vperm.xlane v2, v0;
	_ =	sdelay $0x1  }
0x101: {  	v2 =	vadd.s32 v1, v2;
	_ =	sdelay $0x4  }
0x102: {  	[tilespmem:s14], [sflag:$0x3] =	stream.indirect_vreg.gather [hbm4b:s2+s3], $0x80, v2, vm0, $0xb8;
	[tilespmem:$0x18100] =	vst v63  }
0x103: {  	s12 =	simm.s32 $0x8900  }
0x104: {  	[tilespmem:s12], [sflag:$0x3] =	stream.indirect_vreg.gather [hbm4b:s5+s3], $0x80, v2, vm0, $0xb8;
	[tilespmem:$0x18100] =	vst v63  }
0x105: {  	s28 =	simm.s32 $0x9100  }
0x106: {  	[tilespmem:s28], [sflag:$0x3] =	stream.indirect_vreg.gather [hbm4b:s6+s3], $0x80, v2, vm0, $0xb8;
	[tilespmem:$0x18100] =	vst v63  }
0x107: {  	s31 =	simm.s32 $0x9900  }
0x108: {  	[tilespmem:s31], [sflag:$0x3] =	stream.indirect_vreg.gather [hbm4b:s7+s3], $0x80, v2, vm0, $0xb8;
	[tilespmem:$0x18100] =	vst v63  }
0x109: {  	s14 =	simm.s32 $0xA100  }
0x10a: {  	[tilespmem:s14], [sflag:$0x3] =	stream.indirect_vreg.gather [hbm4b:s8+s3], $0x80, v2, vm0, $0xb8;
	[tilespmem:$0x18100] =	vst v63  }
0x10b: {  	s28 =	simm.s32 $0xA900  }
0x10c: {  	[tilespmem:s28], [sflag:$0x3] =	stream.indirect_vreg.gather [hbm4b:s9+s3], $0x80, v2, vm0, $0xb8;
	[tilespmem:$0x18100] =	vst v63  }
0x10d: {  	s31 =	simm.s32 $0xB100  }
0x10e: {  	[tilespmem:s31], [sflag:$0x3] =	stream.indirect_vreg.gather [hbm4b:s10+s3], $0x80, v2, vm0, $0xb8;
	[tilespmem:$0x18100] =	vst v63  }
0x10f: {  	s1 =	simm.s32 $0xB900  }
0x110: {  	[tilespmem:s1], [sflag:$0x3] =	stream.indirect_vreg.gather [hbm4b:s11+s3], $0x80, v2, vm0, $0xb8;
	[tilespmem:$0x18100] =	vst v63  }
0x111: {  	_ =	swait.ge [sflag:s20], $0x4000  }
0x112: {  	[sflag:s20] =	ssyncset.done $0x0  }
0x113: {  	s31 =	simm.s32 $0xC100;
	s14 =	rddreg [dreg:$0x7];
	[sflag:s20] =	ssyncadd.s32 $0xFFFFC000  }
0x114: {  	[hbm4b:s14+s3] =	stream.linear.scatter [tilespmem:s31], [sflag:$0xA], $0x4000, $0x38;
	[tilespmem:$0x18100] =	vst v63  }
0x115: {  	_ =	swait.ge [sflag:s21], $0x4000  }
0x116: {  	[sflag:s21] =	ssyncset.done $0x0  }
0x117: {  	[sflag:s21] =	ssyncadd.s32 $0xFFFFC000  }
0x118: {  	v2 =	vld.msk [tilespmem:$0x48], $0xff;
	_ =	sdelay $0x4  }
0x119: {  	v3 =	vshll.u32 v2, $0x4  }
0x11a: {  	v2 =	vand.u32 $0x7, v2;
	v3 =	vand.u32 $0xFFFFFF80, v3  }
0x11b: {  	v2 =	vor.u32 v2, v3  }
0x11c: {  	v2 =	vperm.xlane v2, v0;
	_ =	sdelay $0x1  }
0x11d: {  	v2 =	vadd.s32 v1, v2;
	_ =	sdelay $0x4  }
0x11e: {  	[tilespmem:s31], [sflag:$0x4] =	stream.indirect_vreg.gather [hbm4b:s2+s3], $0x80, v2, vm0, $0xb8;
	[tilespmem:$0x18100] =	vst v63  }
0x11f: {  	s1 =	simm.s32 $0xC900  }
0x120: {  	[tilespmem:s1], [sflag:$0x4] =	stream.indirect_vreg.gather [hbm4b:s5+s3], $0x80, v2, vm0, $0xb8;
	[tilespmem:$0x18100] =	vst v63  }
0x121: {  	s4 =	simm.s32 $0xD100  }
0x122: {  	[tilespmem:s4], [sflag:$0x4] =	stream.indirect_vreg.gather [hbm4b:s6+s3], $0x80, v2, vm0, $0xb8;
	[tilespmem:$0x18100] =	vst v63  }
0x123: {  	s22 =	simm.s32 $0xD900  }
0x124: {  	[tilespmem:s22], [sflag:$0x4] =	stream.indirect_vreg.gather [hbm4b:s7+s3], $0x80, v2, vm0, $0xb8;
	[tilespmem:$0x18100] =	vst v63  }
0x125: {  	s1 =	simm.s32 $0xE100  }
0x126: {  	[tilespmem:s1], [sflag:$0x4] =	stream.indirect_vreg.gather [hbm4b:s8+s3], $0x80, v2, vm0, $0xb8;
	[tilespmem:$0x18100] =	vst v63  }
0x127: {  	s29 =	simm.s32 $0xE900  }
0x128: {  	[tilespmem:s29], [sflag:$0x4] =	stream.indirect_vreg.gather [hbm4b:s9+s3], $0x80, v2, vm0, $0xb8;
	[tilespmem:$0x18100] =	vst v63  }
0x129: {  	s4 =	simm.s32 $0xF100  }
0x12a: {  	[tilespmem:s4], [sflag:$0x4] =	stream.indirect_vreg.gather [hbm4b:s10+s3], $0x80, v2, vm0, $0xb8;
	[tilespmem:$0x18100] =	vst v63  }
0x12b: {  	s30 =	simm.s32 $0xF900  }
0x12c: {  	[tilespmem:s30], [sflag:$0x4] =	stream.indirect_vreg.gather [hbm4b:s11+s3], $0x80, v2, vm0, $0xb8;
	[tilespmem:$0x18100] =	vst v63  }
0x12d: {  	_ =	swait.ge [sflag:s23], $0x4000  }
0x12e: {  	[sflag:s23] =	ssyncset.done $0x0  }
0x12f: {  	s22 =	simm.s32 $0x10100;
	s14 =	rddreg [dreg:$0x8];
	[sflag:s23] =	ssyncadd.s32 $0xFFFFC000  }
0x130: {  	[hbm4b:s14+s3] =	stream.linear.scatter [tilespmem:s22], [sflag:$0xB], $0x4000, $0x38;
	[tilespmem:$0x18100] =	vst v63  }
0x131: {  	_ =	swait.ge [sflag:s24], $0x4000  }
0x132: {  	[sflag:s24] =	ssyncset.done $0x0  }
0x133: {  	[sflag:s24] =	ssyncadd.s32 $0xFFFFC000  }
0x134: {  	v2 =	vld.msk [tilespmem:$0x50], $0xff;
	_ =	sdelay $0x4  }
0x135: {  	v3 =	vshll.u32 v2, $0x4  }
0x136: {  	v2 =	vand.u32 $0x7, v2;
	v3 =	vand.u32 $0xFFFFFF80, v3  }
0x137: {  	v2 =	vor.u32 v2, v3  }
0x138: {  	v2 =	vperm.xlane v2, v0;
	_ =	sdelay $0x1  }
0x139: {  	v2 =	vadd.s32 v1, v2;
	_ =	sdelay $0x4  }
0x13a: {  	[tilespmem:s22], [sflag:$0x5] =	stream.indirect_vreg.gather [hbm4b:s2+s3], $0x80, v2, vm0, $0xb8;
	[tilespmem:$0x18100] =	vst v63  }
0x13b: {  	s28 =	simm.s32 $0x10900  }
0x13c: {  	[tilespmem:s28], [sflag:$0x5] =	stream.indirect_vreg.gather [hbm4b:s5+s3], $0x80, v2, vm0, $0xb8;
	[tilespmem:$0x18100] =	vst v63  }
0x13d: {  	s31 =	simm.s32 $0x11100  }
0x13e: {  	[tilespmem:s31], [sflag:$0x5] =	stream.indirect_vreg.gather [hbm4b:s6+s3], $0x80, v2, vm0, $0xb8;
	[tilespmem:$0x18100] =	vst v63  }
0x13f: {  	s22 =	simm.s32 $0x11900  }
0x140: {  	[tilespmem:s22], [sflag:$0x5] =	stream.indirect_vreg.gather [hbm4b:s7+s3], $0x80, v2, vm0, $0xb8;
	[tilespmem:$0x18100] =	vst v63  }
0x141: {  	s29 =	simm.s32 $0x12100  }
0x142: {  	[tilespmem:s29], [sflag:$0x5] =	stream.indirect_vreg.gather [hbm4b:s8+s3], $0x80, v2, vm0, $0xb8;
	[tilespmem:$0x18100] =	vst v63  }
0x143: {  	s14 =	simm.s32 $0x12900  }
0x144: {  	[tilespmem:s14], [sflag:$0x5] =	stream.indirect_vreg.gather [hbm4b:s9+s3], $0x80, v2, vm0, $0xb8;
	[tilespmem:$0x18100] =	vst v63  }
0x145: {  	s30 =	simm.s32 $0x13100  }
0x146: {  	[tilespmem:s30], [sflag:$0x5] =	stream.indirect_vreg.gather [hbm4b:s10+s3], $0x80, v2, vm0, $0xb8;
	[tilespmem:$0x18100] =	vst v63  }
0x147: {  	s28 =	simm.s32 $0x13900  }
0x148: {  	[tilespmem:s28], [sflag:$0x5] =	stream.indirect_vreg.gather [hbm4b:s11+s3], $0x80, v2, vm0, $0xb8;
	[tilespmem:$0x18100] =	vst v63  }
0x149: {  	_ =	swait.ge [sflag:s25], $0x4000  }
0x14a: {  	[sflag:s25] =	ssyncset.done $0x0  }
0x14b: {  	s30 =	simm.s32 $0x14100;
	s29 =	rddreg [dreg:$0x9];
	[sflag:s25] =	ssyncadd.s32 $0xFFFFC000  }
0x14c: {  	[hbm4b:s29+s3] =	stream.linear.scatter [tilespmem:s30], [sflag:$0xC], $0x4000, $0x38;
	[tilespmem:$0x18100] =	vst v63  }
0x14d: {  	_ =	swait.ge [sflag:s26], $0x4000  }
0x14e: {  	[sflag:s26] =	ssyncset.done $0x0  }
0x14f: {  	[sflag:s26] =	ssyncadd.s32 $0xFFFFC000  }
0x150: {  	v2 =	vld.msk [tilespmem:$0x58], $0xff;
	_ =	sdelay $0x4  }
0x151: {  	v3 =	vshll.u32 v2, $0x4  }
0x152: {  	v2 =	vand.u32 $0x7, v2;
	v3 =	vand.u32 $0xFFFFFF80, v3  }
0x153: {  	v2 =	vor.u32 v2, v3  }
0x154: {  	v2 =	vperm.xlane v2, v0;
	_ =	sdelay $0x1  }
0x155: {  	v2 =	vadd.s32 v1, v2;
	_ =	sdelay $0x4  }
0x156: {  	[tilespmem:s30], [sflag:$0x6] =	stream.indirect_vreg.gather [hbm4b:s2+s3], $0x80, v2, vm0, $0xb8;
	[tilespmem:$0x18100] =	vst v63  }
0x157: {  	s28 =	simm.s32 $0x14900  }
0x158: {  	[tilespmem:s28], [sflag:$0x6] =	stream.indirect_vreg.gather [hbm4b:s5+s3], $0x80, v2, vm0, $0xb8;
	[tilespmem:$0x18100] =	vst v63  }
0x159: {  	s29 =	simm.s32 $0x15100  }
0x15a: {  	[tilespmem:s29], [sflag:$0x6] =	stream.indirect_vreg.gather [hbm4b:s6+s3], $0x80, v2, vm0, $0xb8;
	[tilespmem:$0x18100] =	vst v63  }
0x15b: {  	s30 =	simm.s32 $0x15900  }
0x15c: {  	[tilespmem:s30], [sflag:$0x6] =	stream.indirect_vreg.gather [hbm4b:s7+s3], $0x80, v2, vm0, $0xb8;
	[tilespmem:$0x18100] =	vst v63  }
0x15d: {  	s28 =	simm.s32 $0x16100  }
0x15e: {  	[tilespmem:s28], [sflag:$0x6] =	stream.indirect_vreg.gather [hbm4b:s8+s3], $0x80, v2, vm0, $0xb8;
	[tilespmem:$0x18100] =	vst v63  }
0x15f: {  	s29 =	simm.s32 $0x16900  }
0x160: {  	[tilespmem:s29], [sflag:$0x6] =	stream.indirect_vreg.gather [hbm4b:s9+s3], $0x80, v2, vm0, $0xb8;
	[tilespmem:$0x18100] =	vst v63  }
0x161: {  	s30 =	simm.s32 $0x17100  }
0x162: {  	[tilespmem:s30], [sflag:$0x6] =	stream.indirect_vreg.gather [hbm4b:s10+s3], $0x80, v2, vm0, $0xb8;
	[tilespmem:$0x18100] =	vst v63  }
0x163: {  	s28 =	simm.s32 $0x17900  }
0x164: {  	[tilespmem:s28], [sflag:$0x6] =	stream.indirect_vreg.gather [hbm4b:s11+s3], $0x80, v2, vm0, $0xb8;
	[tilespmem:$0x18100] =	vst v63  }
0x165: {  	_ =	swait.ge [sflag:s13], $0x4000  }
0x166: {  	[sflag:s13] =	ssyncset.done $0x0  }
0x167: {  	s30 =	simm.s32 $0x100;
	s29 =	rddreg [dreg:$0xa];
	[sflag:s13] =	ssyncadd.s32 $0xFFFFC000  }
0x168: {  	[hbm4b:s29+s3] =	stream.linear.scatter [tilespmem:s30], [sflag:$0x7], $0x4000, $0x38;
	[tilespmem:$0x18100] =	vst v63  }
0x169: {  	_ =	swait.ge [sflag:s15], $0x4000  }
0x16a: {  	[sflag:s15] =	ssyncset.done $0x0  }
0x16b: {  	[sflag:s15] =	ssyncadd.s32 $0xFFFFC000  }
0x16c: {  	v2 =	vld.msk [tilespmem:$0x60], $0xff;
	_ =	sdelay $0x4  }
0x16d: {  	v3 =	vshll.u32 v2, $0x4  }
0x16e: {  	v2 =	vand.u32 $0x7, v2;
	v3 =	vand.u32 $0xFFFFFF80, v3  }
0x16f: {  	v2 =	vor.u32 v2, v3  }
0x170: {  	v2 =	vperm.xlane v2, v0;
	_ =	sdelay $0x1  }
0x171: {  	v2 =	vadd.s32 v1, v2;
	_ =	sdelay $0x4  }
0x172: {  	[tilespmem:s30], [sflag:$0x1] =	stream.indirect_vreg.gather [hbm4b:s2+s3], $0x80, v2, vm0, $0xb8;
	[tilespmem:$0x18100] =	vst v63  }
0x173: {  	s28 =	simm.s32 $0x900  }
0x174: {  	[tilespmem:s28], [sflag:$0x1] =	stream.indirect_vreg.gather [hbm4b:s5+s3], $0x80, v2, vm0, $0xb8;
	[tilespmem:$0x18100] =	vst v63  }
0x175: {  	s29 =	simm.s32 $0x1100  }
0x176: {  	[tilespmem:s29], [sflag:$0x1] =	stream.indirect_vreg.gather [hbm4b:s6+s3], $0x80, v2, vm0, $0xb8;
	[tilespmem:$0x18100] =	vst v63  }
0x177: {  	s30 =	simm.s32 $0x1900  }
0x178: {  	[tilespmem:s30], [sflag:$0x1] =	stream.indirect_vreg.gather [hbm4b:s7+s3], $0x80, v2, vm0, $0xb8;
	[tilespmem:$0x18100] =	vst v63  }
0x179: {  	s28 =	simm.s32 $0x2100  }
0x17a: {  	[tilespmem:s28], [sflag:$0x1] =	stream.indirect_vreg.gather [hbm4b:s8+s3], $0x80, v2, vm0, $0xb8;
	[tilespmem:$0x18100] =	vst v63  }
0x17b: {  	s29 =	simm.s32 $0x2900  }
0x17c: {  	[tilespmem:s29], [sflag:$0x1] =	stream.indirect_vreg.gather [hbm4b:s9+s3], $0x80, v2, vm0, $0xb8;
	[tilespmem:$0x18100] =	vst v63  }
0x17d: {  	s30 =	simm.s32 $0x3100  }
0x17e: {  	[tilespmem:s30], [sflag:$0x1] =	stream.indirect_vreg.gather [hbm4b:s10+s3], $0x80, v2, vm0, $0xb8;
	[tilespmem:$0x18100] =	vst v63  }
0x17f: {  	s28 =	simm.s32 $0x3900  }
0x180: {  	[tilespmem:s28], [sflag:$0x1] =	stream.indirect_vreg.gather [hbm4b:s11+s3], $0x80, v2, vm0, $0xb8;
	[tilespmem:$0x18100] =	vst v63  }
0x181: {  	_ =	swait.ge [sflag:s16], $0x4000  }
0x182: {  	[sflag:s16] =	ssyncset.done $0x0  }
0x183: {  	s30 =	simm.s32 $0x4100;
	s29 =	rddreg [dreg:$0xb];
	[sflag:s16] =	ssyncadd.s32 $0xFFFFC000  }
0x184: {  	[hbm4b:s29+s3] =	stream.linear.scatter [tilespmem:s30], [sflag:$0x8], $0x4000, $0x38;
	[tilespmem:$0x18100] =	vst v63  }
0x185: {  	_ =	swait.ge [sflag:s17], $0x4000  }
0x186: {  	[sflag:s17] =	ssyncset.done $0x0  }
0x187: {  	[sflag:s17] =	ssyncadd.s32 $0xFFFFC000  }
0x188: {  	v2 =	vld.msk [tilespmem:$0x68], $0xff;
	_ =	sdelay $0x4  }
0x189: {  	v3 =	vshll.u32 v2, $0x4  }
0x18a: {  	v2 =	vand.u32 $0x7, v2;
	v3 =	vand.u32 $0xFFFFFF80, v3  }
0x18b: {  	v2 =	vor.u32 v2, v3  }
0x18c: {  	v2 =	vperm.xlane v2, v0;
	_ =	sdelay $0x1  }
0x18d: {  	v2 =	vadd.s32 v1, v2;
	_ =	sdelay $0x4  }
0x18e: {  	[tilespmem:s30], [sflag:$0x2] =	stream.indirect_vreg.gather [hbm4b:s2+s3], $0x80, v2, vm0, $0xb8;
	[tilespmem:$0x18100] =	vst v63  }
0x18f: {  	s28 =	simm.s32 $0x4900  }
0x190: {  	[tilespmem:s28], [sflag:$0x2] =	stream.indirect_vreg.gather [hbm4b:s5+s3], $0x80, v2, vm0, $0xb8;
	[tilespmem:$0x18100] =	vst v63  }
0x191: {  	s29 =	simm.s32 $0x5100  }
0x192: {  	[tilespmem:s29], [sflag:$0x2] =	stream.indirect_vreg.gather [hbm4b:s6+s3], $0x80, v2, vm0, $0xb8;
	[tilespmem:$0x18100] =	vst v63  }
0x193: {  	s30 =	simm.s32 $0x5900  }
0x194: {  	[tilespmem:s30], [sflag:$0x2] =	stream.indirect_vreg.gather [hbm4b:s7+s3], $0x80, v2, vm0, $0xb8;
	[tilespmem:$0x18100] =	vst v63  }
0x195: {  	s28 =	simm.s32 $0x6100  }
0x196: {  	[tilespmem:s28], [sflag:$0x2] =	stream.indirect_vreg.gather [hbm4b:s8+s3], $0x80, v2, vm0, $0xb8;
	[tilespmem:$0x18100] =	vst v63  }
0x197: {  	s29 =	simm.s32 $0x6900  }
0x198: {  	[tilespmem:s29], [sflag:$0x2] =	stream.indirect_vreg.gather [hbm4b:s9+s3], $0x80, v2, vm0, $0xb8;
	[tilespmem:$0x18100] =	vst v63  }
0x199: {  	s30 =	simm.s32 $0x7100  }
0x19a: {  	[tilespmem:s30], [sflag:$0x2] =	stream.indirect_vreg.gather [hbm4b:s10+s3], $0x80, v2, vm0, $0xb8;
	[tilespmem:$0x18100] =	vst v63  }
0x19b: {  	s28 =	simm.s32 $0x7900  }
0x19c: {  	[tilespmem:s28], [sflag:$0x2] =	stream.indirect_vreg.gather [hbm4b:s11+s3], $0x80, v2, vm0, $0xb8;
	[tilespmem:$0x18100] =	vst v63  }
0x19d: {  	_ =	swait.ge [sflag:s18], $0x4000  }
0x19e: {  	[sflag:s18] =	ssyncset.done $0x0  }
0x19f: {  	s30 =	simm.s32 $0x8100;
	s29 =	rddreg [dreg:$0xc];
	[sflag:s18] =	ssyncadd.s32 $0xFFFFC000  }
0x1a0: {  	[hbm4b:s29+s3] =	stream.linear.scatter [tilespmem:s30], [sflag:$0x9], $0x4000, $0x38;
	[tilespmem:$0x18100] =	vst v63  }
0x1a1: {  	_ =	swait.ge [sflag:s19], $0x4000  }
0x1a2: {  	[sflag:s19] =	ssyncset.done $0x0  }
0x1a3: {  	[sflag:s19] =	ssyncadd.s32 $0xFFFFC000  }
0x1a4: {  	v2 =	vld.msk [tilespmem:$0x70], $0xff;
	_ =	sdelay $0x4  }
0x1a5: {  	v3 =	vshll.u32 v2, $0x4  }
0x1a6: {  	v2 =	vand.u32 $0x7, v2;
	v3 =	vand.u32 $0xFFFFFF80, v3  }
0x1a7: {  	v2 =	vor.u32 v2, v3  }
0x1a8: {  	v2 =	vperm.xlane v2, v0;
	_ =	sdelay $0x1  }
0x1a9: {  	v2 =	vadd.s32 v1, v2;
	_ =	sdelay $0x4  }
0x1aa: {  	[tilespmem:s30], [sflag:$0x3] =	stream.indirect_vreg.gather [hbm4b:s2+s3], $0x80, v2, vm0, $0xb8;
	[tilespmem:$0x18100] =	vst v63  }
0x1ab: {  	_ = 	snop  }
0x1ac: {  	[tilespmem:s12], [sflag:$0x3] =	stream.indirect_vreg.gather [hbm4b:s5+s3], $0x80, v2, vm0, $0xb8;
	[tilespmem:$0x18100] =	vst v63  }
0x1ad: {  	s29 =	simm.s32 $0x9100  }
0x1ae: {  	[tilespmem:s29], [sflag:$0x3] =	stream.indirect_vreg.gather [hbm4b:s6+s3], $0x80, v2, vm0, $0xb8;
	[tilespmem:$0x18100] =	vst v63  }
0x1af: {  	s30 =	simm.s32 $0x9900  }
0x1b0: {  	[tilespmem:s30], [sflag:$0x3] =	stream.indirect_vreg.gather [hbm4b:s7+s3], $0x80, v2, vm0, $0xb8;
	[tilespmem:$0x18100] =	vst v63  }
0x1b1: {  	s28 =	simm.s32 $0xA100  }
0x1b2: {  	[tilespmem:s28], [sflag:$0x3] =	stream.indirect_vreg.gather [hbm4b:s8+s3], $0x80, v2, vm0, $0xb8;
	[tilespmem:$0x18100] =	vst v63  }
0x1b3: {  	s29 =	simm.s32 $0xA900  }
0x1b4: {  	[tilespmem:s29], [sflag:$0x3] =	stream.indirect_vreg.gather [hbm4b:s9+s3], $0x80, v2, vm0, $0xb8;
	[tilespmem:$0x18100] =	vst v63  }
0x1b5: {  	s30 =	simm.s32 $0xB100  }
0x1b6: {  	[tilespmem:s30], [sflag:$0x3] =	stream.indirect_vreg.gather [hbm4b:s10+s3], $0x80, v2, vm0, $0xb8;
	[tilespmem:$0x18100] =	vst v63  }
0x1b7: {  	s30 =	simm.s32 $0xB900  }
0x1b8: {  	[tilespmem:s30], [sflag:$0x3] =	stream.indirect_vreg.gather [hbm4b:s11+s3], $0x80, v2, vm0, $0xb8;
	[tilespmem:$0x18100] =	vst v63  }
0x1b9: {  	_ =	swait.ge [sflag:s20], $0x4000  }
0x1ba: {  	[sflag:s20] =	ssyncset.done $0x0  }
0x1bb: {  	s29 =	simm.s32 $0xC100;
	s12 =	rddreg [dreg:$0xd];
	[sflag:s20] =	ssyncadd.s32 $0xFFFFC000  }
0x1bc: {  	[hbm4b:s12+s3] =	stream.linear.scatter [tilespmem:s29], [sflag:$0xA], $0x4000, $0x38;
	[tilespmem:$0x18100] =	vst v63  }
0x1bd: {  	_ =	swait.ge [sflag:s21], $0x4000  }
0x1be: {  	[sflag:s21] =	ssyncset.done $0x0  }
0x1bf: {  	[sflag:s21] =	ssyncadd.s32 $0xFFFFC000  }
0x1c0: {  	v2 =	vld.msk [tilespmem:$0x78], $0xff;
	_ =	sdelay $0x4  }
0x1c1: {  	v3 =	vshll.u32 v2, $0x4  }
0x1c2: {  	v2 =	vand.u32 $0x7, v2;
	v3 =	vand.u32 $0xFFFFFF80, v3  }
0x1c3: {  	v2 =	vor.u32 v2, v3  }
0x1c4: {  	v2 =	vperm.xlane v2, v0;
	_ =	sdelay $0x1  }
0x1c5: {  	v2 =	vadd.s32 v1, v2;
	_ =	sdelay $0x4  }
0x1c6: {  	[tilespmem:s29], [sflag:$0x4] =	stream.indirect_vreg.gather [hbm4b:s2+s3], $0x80, v2, vm0, $0xb8;
	[tilespmem:$0x18100] =	vst v63  }
0x1c7: {  	s12 =	simm.s32 $0xC900  }
0x1c8: {  	[tilespmem:s12], [sflag:$0x4] =	stream.indirect_vreg.gather [hbm4b:s5+s3], $0x80, v2, vm0, $0xb8;
	[tilespmem:$0x18100] =	vst v63  }
0x1c9: {  	s12 =	simm.s32 $0xD100  }
0x1ca: {  	[tilespmem:s12], [sflag:$0x4] =	stream.indirect_vreg.gather [hbm4b:s6+s3], $0x80, v2, vm0, $0xb8;
	[tilespmem:$0x18100] =	vst v63  }
0x1cb: {  	s28 =	simm.s32 $0xD900  }
0x1cc: {  	[tilespmem:s28], [sflag:$0x4] =	stream.indirect_vreg.gather [hbm4b:s7+s3], $0x80, v2, vm0, $0xb8;
	[tilespmem:$0x18100] =	vst v63  }
0x1cd: {  	_ = 	snop  }
0x1ce: {  	[tilespmem:s1], [sflag:$0x4] =	stream.indirect_vreg.gather [hbm4b:s8+s3], $0x80, v2, vm0, $0xb8;
	[tilespmem:$0x18100] =	vst v63  }
0x1cf: {  	s12 =	simm.s32 $0xE900  }
0x1d0: {  	[tilespmem:s12], [sflag:$0x4] =	stream.indirect_vreg.gather [hbm4b:s9+s3], $0x80, v2, vm0, $0xb8;
	[tilespmem:$0x18100] =	vst v63  }
0x1d1: {  	_ = 	snop  }
0x1d2: {  	[tilespmem:s4], [sflag:$0x4] =	stream.indirect_vreg.gather [hbm4b:s10+s3], $0x80, v2, vm0, $0xb8;
	[tilespmem:$0x18100] =	vst v63  }
0x1d3: {  	s28 =	simm.s32 $0xF900  }
0x1d4: {  	[tilespmem:s28], [sflag:$0x4] =	stream.indirect_vreg.gather [hbm4b:s11+s3], $0x80, v2, vm0, $0xb8;
	[tilespmem:$0x18100] =	vst v63  }
0x1d5: {  	_ =	swait.ge [sflag:s23], $0x4000  }
0x1d6: {  	[sflag:s23] =	ssyncset.done $0x0  }
0x1d7: {  	s4 =	simm.s32 $0x10100;
	s1 =	rddreg [dreg:$0xe];
	[sflag:s23] =	ssyncadd.s32 $0xFFFFC000  }
0x1d8: {  	[hbm4b:s1+s3] =	stream.linear.scatter [tilespmem:s4], [sflag:$0xB], $0x4000, $0x38;
	[tilespmem:$0x18100] =	vst v63  }
0x1d9: {  	_ =	swait.ge [sflag:s24], $0x4000  }
0x1da: {  	[sflag:s24] =	ssyncset.done $0x0  }
0x1db: {  	[sflag:s24] =	ssyncadd.s32 $0xFFFFC000  }
0x1dc: {  	v2 =	vld.msk [tilespmem:$0x80], $0xff;
	_ =	sdelay $0x4  }
0x1dd: {  	v3 =	vshll.u32 v2, $0x4  }
0x1de: {  	v2 =	vand.u32 $0x7, v2;
	v3 =	vand.u32 $0xFFFFFF80, v3  }
0x1df: {  	v2 =	vor.u32 v2, v3  }
0x1e0: {  	v2 =	vperm.xlane v2, v0;
	_ =	sdelay $0x1  }
0x1e1: {  	v2 =	vadd.s32 v1, v2;
	_ =	sdelay $0x4  }
0x1e2: {  	[tilespmem:s4], [sflag:$0x5] =	stream.indirect_vreg.gather [hbm4b:s2+s3], $0x80, v2, vm0, $0xb8;
	[tilespmem:$0x18100] =	vst v63  }
0x1e3: {  	s12 =	simm.s32 $0x10900  }
0x1e4: {  	[tilespmem:s12], [sflag:$0x5] =	stream.indirect_vreg.gather [hbm4b:s5+s3], $0x80, v2, vm0, $0xb8;
	[tilespmem:$0x18100] =	vst v63  }
0x1e5: {  	_ = 	snop  }
0x1e6: {  	[tilespmem:s31], [sflag:$0x5] =	stream.indirect_vreg.gather [hbm4b:s6+s3], $0x80, v2, vm0, $0xb8;
	[tilespmem:$0x18100] =	vst v63  }
0x1e7: {  	_ = 	snop  }
0x1e8: {  	[tilespmem:s22], [sflag:$0x5] =	stream.indirect_vreg.gather [hbm4b:s7+s3], $0x80, v2, vm0, $0xb8;
	[tilespmem:$0x18100] =	vst v63  }
0x1e9: {  	s22 =	simm.s32 $0x12100  }
0x1ea: {  	[tilespmem:s22], [sflag:$0x5] =	stream.indirect_vreg.gather [hbm4b:s8+s3], $0x80, v2, vm0, $0xb8;
	[tilespmem:$0x18100] =	vst v63  }
0x1eb: {  	_ = 	snop  }
0x1ec: {  	[tilespmem:s14], [sflag:$0x5] =	stream.indirect_vreg.gather [hbm4b:s9+s3], $0x80, v2, vm0, $0xb8;
	[tilespmem:$0x18100] =	vst v63  }
0x1ed: {  	s28 =	simm.s32 $0x13100  }
0x1ee: {  	[tilespmem:s28], [sflag:$0x5] =	stream.indirect_vreg.gather [hbm4b:s10+s3], $0x80, v2, vm0, $0xb8;
	[tilespmem:$0x18100] =	vst v63  }
0x1ef: {  	s12 =	simm.s32 $0x13900  }
0x1f0: {  	[tilespmem:s12], [sflag:$0x5] =	stream.indirect_vreg.gather [hbm4b:s11+s3], $0x80, v2, vm0, $0xb8;
	[tilespmem:$0x18100] =	vst v63  }
0x1f1: {  	_ =	swait.ge [sflag:s25], $0x4000  }
0x1f2: {  	[sflag:s25] =	ssyncset.done $0x0  }
0x1f3: {  	s22 =	simm.s32 $0x14100;
	s14 =	rddreg [dreg:$0xf];
	[sflag:s25] =	ssyncadd.s32 $0xFFFFC000  }
0x1f4: {  	[hbm4b:s14+s3] =	stream.linear.scatter [tilespmem:s22], [sflag:$0xC], $0x4000, $0x38;
	[tilespmem:$0x18100] =	vst v63  }
0x1f5: {  	_ =	swait.ge [sflag:s26], $0x4000  }
0x1f6: {  	[sflag:s26] =	ssyncset.done $0x0  }
0x1f7: {  	[sflag:s26] =	ssyncadd.s32 $0xFFFFC000  }
0x1f8: {  	v2 =	vld.msk [tilespmem:$0x88], $0xff;
	_ =	sdelay $0x4  }
0x1f9: {  	v3 =	vshll.u32 v2, $0x4  }
0x1fa: {  	v2 =	vand.u32 $0x7, v2;
	v3 =	vand.u32 $0xFFFFFF80, v3  }
0x1fb: {  	v2 =	vor.u32 v2, v3  }
0x1fc: {  	v2 =	vperm.xlane v2, v0;
	_ =	sdelay $0x1  }
0x1fd: {  	v2 =	vadd.s32 v1, v2;
	_ =	sdelay $0x4  }
0x1fe: {  	[tilespmem:s22], [sflag:$0x6] =	stream.indirect_vreg.gather [hbm4b:s2+s3], $0x80, v2, vm0, $0xb8;
	[tilespmem:$0x18100] =	vst v63  }
0x1ff: {  	s28 =	simm.s32 $0x14900  }
0x200: {  	[tilespmem:s28], [sflag:$0x6] =	stream.indirect_vreg.gather [hbm4b:s5+s3], $0x80, v2, vm0, $0xb8;
	[tilespmem:$0x18100] =	vst v63  }
0x201: {  	s12 =	simm.s32 $0x15100  }
0x202: {  	[tilespmem:s12], [sflag:$0x6] =	stream.indirect_vreg.gather [hbm4b:s6+s3], $0x80, v2, vm0, $0xb8;
	[tilespmem:$0x18100] =	vst v63  }
0x203: {  	s14 =	simm.s32 $0x15900  }
0x204: {  	[tilespmem:s14], [sflag:$0x6] =	stream.indirect_vreg.gather [hbm4b:s7+s3], $0x80, v2, vm0, $0xb8;
	[tilespmem:$0x18100] =	vst v63  }
0x205: {  	s28 =	simm.s32 $0x16100  }
0x206: {  	[tilespmem:s28], [sflag:$0x6] =	stream.indirect_vreg.gather [hbm4b:s8+s3], $0x80, v2, vm0, $0xb8;
	[tilespmem:$0x18100] =	vst v63  }
0x207: {  	s12 =	simm.s32 $0x16900  }
0x208: {  	[tilespmem:s12], [sflag:$0x6] =	stream.indirect_vreg.gather [hbm4b:s9+s3], $0x80, v2, vm0, $0xb8;
	[tilespmem:$0x18100] =	vst v63  }
0x209: {  	s14 =	simm.s32 $0x17100  }
0x20a: {  	[tilespmem:s14], [sflag:$0x6] =	stream.indirect_vreg.gather [hbm4b:s10+s3], $0x80, v2, vm0, $0xb8;
	[tilespmem:$0x18100] =	vst v63  }
0x20b: {  	s28 =	simm.s32 $0x17900  }
0x20c: {  	[tilespmem:s28], [sflag:$0x6] =	stream.indirect_vreg.gather [hbm4b:s11+s3], $0x80, v2, vm0, $0xb8;
	[tilespmem:$0x18100] =	vst v63  }
0x20d: {  	_ =	swait.ge [sflag:s13], $0x4000  }
0x20e: {  	[sflag:s13] =	ssyncset.done $0x0  }
0x20f: {  	s14 =	simm.s32 $0x100;
	s12 =	rddreg [dreg:$0x10];
	[sflag:s13] =	ssyncadd.s32 $0xFFFFC000  }
0x210: {  	[hbm4b:s12+s3] =	stream.linear.scatter [tilespmem:s14], [sflag:$0x7], $0x4000, $0x38;
	[tilespmem:$0x18100] =	vst v63  }
0x211: {  	_ =	swait.ge [sflag:s15], $0x4000  }
0x212: {  	[sflag:s15] =	ssyncset.done $0x0  }
0x213: {  	[sflag:s15] =	ssyncadd.s32 $0xFFFFC000  }
0x214: {  	v2 =	vld.msk [tilespmem:$0x90], $0xff;
	_ =	sdelay $0x4  }
0x215: {  	v3 =	vshll.u32 v2, $0x4  }
0x216: {  	v2 =	vand.u32 $0x7, v2;
	v3 =	vand.u32 $0xFFFFFF80, v3  }
0x217: {  	v2 =	vor.u32 v2, v3  }
0x218: {  	v2 =	vperm.xlane v2, v0;
	_ =	sdelay $0x1  }
0x219: {  	v2 =	vadd.s32 v1, v2;
	_ =	sdelay $0x4  }
0x21a: {  	[tilespmem:s14], [sflag:$0x1] =	stream.indirect_vreg.gather [hbm4b:s2+s3], $0x80, v2, vm0, $0xb8;
	[tilespmem:$0x18100] =	vst v63  }
0x21b: {  	s28 =	simm.s32 $0x900  }
0x21c: {  	[tilespmem:s28], [sflag:$0x1] =	stream.indirect_vreg.gather [hbm4b:s5+s3], $0x80, v2, vm0, $0xb8;
	[tilespmem:$0x18100] =	vst v63  }
0x21d: {  	s14 =	simm.s32 $0x1100  }
0x21e: {  	[tilespmem:s14], [sflag:$0x1] =	stream.indirect_vreg.gather [hbm4b:s6+s3], $0x80, v2, vm0, $0xb8;
	[tilespmem:$0x18100] =	vst v63  }
0x21f: {  	s28 =	simm.s32 $0x1900  }
0x220: {  	[tilespmem:s28], [sflag:$0x1] =	stream.indirect_vreg.gather [hbm4b:s7+s3], $0x80, v2, vm0, $0xb8;
	[tilespmem:$0x18100] =	vst v63  }
0x221: {  	s14 =	simm.s32 $0x2100  }
0x222: {  	[tilespmem:s14], [sflag:$0x1] =	stream.indirect_vreg.gather [hbm4b:s8+s3], $0x80, v2, vm0, $0xb8;
	[tilespmem:$0x18100] =	vst v63  }
0x223: {  	s28 =	simm.s32 $0x2900  }
0x224: {  	[tilespmem:s28], [sflag:$0x1] =	stream.indirect_vreg.gather [hbm4b:s9+s3], $0x80, v2, vm0, $0xb8;
	[tilespmem:$0x18100] =	vst v63  }
0x225: {  	s14 =	simm.s32 $0x3100  }
0x226: {  	[tilespmem:s14], [sflag:$0x1] =	stream.indirect_vreg.gather [hbm4b:s10+s3], $0x80, v2, vm0, $0xb8;
	[tilespmem:$0x18100] =	vst v63  }
0x227: {  	s28 =	simm.s32 $0x3900  }
0x228: {  	[tilespmem:s28], [sflag:$0x1] =	stream.indirect_vreg.gather [hbm4b:s11+s3], $0x80, v2, vm0, $0xb8;
	[tilespmem:$0x18100] =	vst v63  }
0x229: {  	_ =	swait.ge [sflag:s16], $0x4000  }
0x22a: {  	[sflag:s16] =	ssyncset.done $0x0  }
0x22b: {  	s14 =	simm.s32 $0x4100;
	s1 =	rddreg [dreg:$0x11];
	[sflag:s16] =	ssyncadd.s32 $0xFFFFC000  }
0x22c: {  	[hbm4b:s1+s3] =	stream.linear.scatter [tilespmem:s14], [sflag:$0x8], $0x4000, $0x38;
	[tilespmem:$0x18100] =	vst v63  }
0x22d: {  	_ =	swait.ge [sflag:s17], $0x4000  }
0x22e: {  	[sflag:s17] =	ssyncset.done $0x0  }
0x22f: {  	[sflag:s17] =	ssyncadd.s32 $0xFFFFC000  }
0x230: {  	v2 =	vld.msk [tilespmem:$0x98], $0xff;
	_ =	sdelay $0x4  }
0x231: {  	v3 =	vshll.u32 v2, $0x4  }
0x232: {  	v2 =	vand.u32 $0x7, v2;
	v3 =	vand.u32 $0xFFFFFF80, v3  }
0x233: {  	v2 =	vor.u32 v2, v3  }
0x234: {  	v2 =	vperm.xlane v2, v0;
	_ =	sdelay $0x1  }
0x235: {  	v2 =	vadd.s32 v1, v2;
	_ =	sdelay $0x4  }
0x236: {  	[tilespmem:s14], [sflag:$0x2] =	stream.indirect_vreg.gather [hbm4b:s2+s3], $0x80, v2, vm0, $0xb8;
	[tilespmem:$0x18100] =	vst v63  }
0x237: {  	s28 =	simm.s32 $0x4900  }
0x238: {  	[tilespmem:s28], [sflag:$0x2] =	stream.indirect_vreg.gather [hbm4b:s5+s3], $0x80, v2, vm0, $0xb8;
	[tilespmem:$0x18100] =	vst v63  }
0x239: {  	s28 =	simm.s32 $0x5100  }
0x23a: {  	[tilespmem:s28], [sflag:$0x2] =	stream.indirect_vreg.gather [hbm4b:s6+s3], $0x80, v2, vm0, $0xb8;
	[tilespmem:$0x18100] =	vst v63  }
0x23b: {  	s28 =	simm.s32 $0x5900  }
0x23c: {  	[tilespmem:s28], [sflag:$0x2] =	stream.indirect_vreg.gather [hbm4b:s7+s3], $0x80, v2, vm0, $0xb8;
	[tilespmem:$0x18100] =	vst v63  }
0x23d: {  	s28 =	simm.s32 $0x6100  }
0x23e: {  	[tilespmem:s28], [sflag:$0x2] =	stream.indirect_vreg.gather [hbm4b:s8+s3], $0x80, v2, vm0, $0xb8;
	[tilespmem:$0x18100] =	vst v63  }
0x23f: {  	s28 =	simm.s32 $0x6900  }
0x240: {  	[tilespmem:s28], [sflag:$0x2] =	stream.indirect_vreg.gather [hbm4b:s9+s3], $0x80, v2, vm0, $0xb8;
	[tilespmem:$0x18100] =	vst v63  }
0x241: {  	s28 =	simm.s32 $0x7100  }
0x242: {  	[tilespmem:s28], [sflag:$0x2] =	stream.indirect_vreg.gather [hbm4b:s10+s3], $0x80, v2, vm0, $0xb8;
	[tilespmem:$0x18100] =	vst v63  }
0x243: {  	s28 =	simm.s32 $0x7900  }
0x244: {  	[tilespmem:s28], [sflag:$0x2] =	stream.indirect_vreg.gather [hbm4b:s11+s3], $0x80, v2, vm0, $0xb8;
	[tilespmem:$0x18100] =	vst v63  }
0x245: {  	_ =	swait.ge [sflag:s18], $0x4000  }
0x246: {  	[sflag:s18] =	ssyncset.done $0x0  }
0x247: {  	s0 =	simm.s32 $0x8100;
	s1 =	rddreg [dreg:$0x12];
	[sflag:s18] =	ssyncadd.s32 $0xFFFFC000  }
0x248: {  	[hbm4b:s1+s3] =	stream.linear.scatter [tilespmem:s0], [sflag:$0x9], $0x4000, $0x38;
	[tilespmem:$0x18100] =	vst v63  }
0x249: {  	_ =	swait.ge [sflag:s19], $0x4000  }
0x24a: {  	[sflag:s19] =	ssyncset.done $0x0  }
0x24b: {  	[sflag:s19] =	ssyncadd.s32 $0xFFFFC000  }
0x24c: {  	v2 =	vld.msk [tilespmem:$0xA0], $0xff;
	_ =	sdelay $0x4  }
0x24d: {  	v3 =	vshll.u32 v2, $0x4  }
0x24e: {  	v2 =	vand.u32 $0x7, v2;
	v3 =	vand.u32 $0xFFFFFF80, v3  }
0x24f: {  	v2 =	vor.u32 v2, v3  }
0x250: {  	v2 =	vperm.xlane v2, v0;
	_ =	sdelay $0x1  }
0x251: {  	v2 =	vadd.s32 v1, v2;
	_ =	sdelay $0x4  }
0x252: {  	[tilespmem:s0], [sflag:$0x3] =	stream.indirect_vreg.gather [hbm4b:s2+s3], $0x80, v2, vm0, $0xb8;
	[tilespmem:$0x18100] =	vst v63  }
0x253: {  	s1 =	simm.s32 $0x8900  }
0x254: {  	[tilespmem:s1], [sflag:$0x3] =	stream.indirect_vreg.gather [hbm4b:s5+s3], $0x80, v2, vm0, $0xb8;
	[tilespmem:$0x18100] =	vst v63  }
0x255: {  	s28 =	simm.s32 $0x9100  }
0x256: {  	[tilespmem:s28], [sflag:$0x3] =	stream.indirect_vreg.gather [hbm4b:s6+s3], $0x80, v2, vm0, $0xb8;
	[tilespmem:$0x18100] =	vst v63  }
0x257: {  	s1 =	simm.s32 $0x9900  }
0x258: {  	[tilespmem:s1], [sflag:$0x3] =	stream.indirect_vreg.gather [hbm4b:s7+s3], $0x80, v2, vm0, $0xb8;
	[tilespmem:$0x18100] =	vst v63  }
0x259: {  	s28 =	simm.s32 $0xA100  }
0x25a: {  	[tilespmem:s28], [sflag:$0x3] =	stream.indirect_vreg.gather [hbm4b:s8+s3], $0x80, v2, vm0, $0xb8;
	[tilespmem:$0x18100] =	vst v63  }
0x25b: {  	s1 =	simm.s32 $0xA900  }
0x25c: {  	[tilespmem:s1], [sflag:$0x3] =	stream.indirect_vreg.gather [hbm4b:s9+s3], $0x80, v2, vm0, $0xb8;
	[tilespmem:$0x18100] =	vst v63  }
0x25d: {  	s28 =	simm.s32 $0xB100  }
0x25e: {  	[tilespmem:s28], [sflag:$0x3] =	stream.indirect_vreg.gather [hbm4b:s10+s3], $0x80, v2, vm0, $0xb8;
	[tilespmem:$0x18100] =	vst v63  }
0x25f: {  	_ = 	snop  }
0x260: {  	[tilespmem:s30], [sflag:$0x3] =	stream.indirect_vreg.gather [hbm4b:s11+s3], $0x80, v2, vm0, $0xb8;
	[tilespmem:$0x18100] =	vst v63  }
0x261: {  	_ =	swait.ge [sflag:s20], $0x4000  }
0x262: {  	[sflag:s20] =	ssyncset.done $0x0  }
0x263: {  	s29 =	simm.s32 $0xC100;
	s30 =	rddreg [dreg:$0x13];
	[sflag:s20] =	ssyncadd.s32 $0xFFFFC000  }
0x264: {  	[hbm4b:s30+s3] =	stream.linear.scatter [tilespmem:s29], [sflag:$0xA], $0x4000, $0x38;
	[tilespmem:$0x18100] =	vst v63  }
0x265: {  	_ =	swait.ge [sflag:s21], $0x4000  }
0x266: {  	[sflag:s21] =	ssyncset.done $0x0  }
0x267: {  	[sflag:s21] =	ssyncadd.s32 $0xFFFFC000  }
0x268: {  	v2 =	vld.msk [tilespmem:$0xA8], $0xff;
	_ =	sdelay $0x4  }
0x269: {  	v3 =	vshll.u32 v2, $0x4  }
0x26a: {  	v2 =	vand.u32 $0x7, v2;
	v3 =	vand.u32 $0xFFFFFF80, v3  }
0x26b: {  	v2 =	vor.u32 v2, v3  }
0x26c: {  	v2 =	vperm.xlane v2, v0;
	_ =	sdelay $0x1  }
0x26d: {  	v2 =	vadd.s32 v1, v2;
	_ =	sdelay $0x4  }
0x26e: {  	[tilespmem:s29], [sflag:$0x4] =	stream.indirect_vreg.gather [hbm4b:s2+s3], $0x80, v2, vm0, $0xb8;
	[tilespmem:$0x18100] =	vst v63  }
0x26f: {  	s0 =	simm.s32 $0xC900  }
0x270: {  	[tilespmem:s0], [sflag:$0x4] =	stream.indirect_vreg.gather [hbm4b:s5+s3], $0x80, v2, vm0, $0xb8;
	[tilespmem:$0x18100] =	vst v63  }
0x271: {  	s1 =	simm.s32 $0xD100  }
0x272: {  	[tilespmem:s1], [sflag:$0x4] =	stream.indirect_vreg.gather [hbm4b:s6+s3], $0x80, v2, vm0, $0xb8;
	[tilespmem:$0x18100] =	vst v63  }
0x273: {  	s0 =	simm.s32 $0xD900  }
0x274: {  	[tilespmem:s0], [sflag:$0x4] =	stream.indirect_vreg.gather [hbm4b:s7+s3], $0x80, v2, vm0, $0xb8;
	[tilespmem:$0x18100] =	vst v63  }
0x275: {  	s28 =	simm.s32 $0xE100  }
0x276: {  	[tilespmem:s28], [sflag:$0x4] =	stream.indirect_vreg.gather [hbm4b:s8+s3], $0x80, v2, vm0, $0xb8;
	[tilespmem:$0x18100] =	vst v63  }
0x277: {  	s30 =	simm.s32 $0xE900  }
0x278: {  	[tilespmem:s30], [sflag:$0x4] =	stream.indirect_vreg.gather [hbm4b:s9+s3], $0x80, v2, vm0, $0xb8;
	[tilespmem:$0x18100] =	vst v63  }
0x279: {  	s28 =	simm.s32 $0xF100  }
0x27a: {  	[tilespmem:s28], [sflag:$0x4] =	stream.indirect_vreg.gather [hbm4b:s10+s3], $0x80, v2, vm0, $0xb8;
	[tilespmem:$0x18100] =	vst v63  }
0x27b: {  	s30 =	simm.s32 $0xF900  }
0x27c: {  	[tilespmem:s30], [sflag:$0x4] =	stream.indirect_vreg.gather [hbm4b:s11+s3], $0x80, v2, vm0, $0xb8;
	[tilespmem:$0x18100] =	vst v63  }
0x27d: {  	_ =	swait.ge [sflag:s23], $0x4000  }
0x27e: {  	[sflag:s23] =	ssyncset.done $0x0  }
0x27f: {  	s4 =	simm.s32 $0x10100;
	s1 =	rddreg [dreg:$0x14];
	[sflag:s23] =	ssyncadd.s32 $0xFFFFC000  }
0x280: {  	[hbm4b:s1+s3] =	stream.linear.scatter [tilespmem:s4], [sflag:$0xB], $0x4000, $0x38;
	[tilespmem:$0x18100] =	vst v63  }
0x281: {  	_ =	swait.ge [sflag:s24], $0x4000  }
0x282: {  	[sflag:s24] =	ssyncset.done $0x0  }
0x283: {  	[sflag:s24] =	ssyncadd.s32 $0xFFFFC000  }
0x284: {  	v2 =	vld.msk [tilespmem:$0xB0], $0xff;
	_ =	sdelay $0x4  }
0x285: {  	v3 =	vshll.u32 v2, $0x4  }
0x286: {  	v2 =	vand.u32 $0x7, v2;
	v3 =	vand.u32 $0xFFFFFF80, v3  }
0x287: {  	v2 =	vor.u32 v2, v3  }
0x288: {  	v2 =	vperm.xlane v2, v0;
	_ =	sdelay $0x1  }
0x289: {  	v2 =	vadd.s32 v1, v2;
	_ =	sdelay $0x4  }
0x28a: {  	[tilespmem:s4], [sflag:$0x5] =	stream.indirect_vreg.gather [hbm4b:s2+s3], $0x80, v2, vm0, $0xb8;
	[tilespmem:$0x18100] =	vst v63  }
0x28b: {  	s4 =	simm.s32 $0x10900  }
0x28c: {  	[tilespmem:s4], [sflag:$0x5] =	stream.indirect_vreg.gather [hbm4b:s5+s3], $0x80, v2, vm0, $0xb8;
	[tilespmem:$0x18100] =	vst v63  }
0x28d: {  	s31 =	simm.s32 $0x11100  }
0x28e: {  	[tilespmem:s31], [sflag:$0x5] =	stream.indirect_vreg.gather [hbm4b:s6+s3], $0x80, v2, vm0, $0xb8;
	[tilespmem:$0x18100] =	vst v63  }
0x28f: {  	s28 =	simm.s32 $0x11900  }
0x290: {  	[tilespmem:s28], [sflag:$0x5] =	stream.indirect_vreg.gather [hbm4b:s7+s3], $0x80, v2, vm0, $0xb8;
	[tilespmem:$0x18100] =	vst v63  }
0x291: {  	s30 =	simm.s32 $0x12100  }
0x292: {  	[tilespmem:s30], [sflag:$0x5] =	stream.indirect_vreg.gather [hbm4b:s8+s3], $0x80, v2, vm0, $0xb8;
	[tilespmem:$0x18100] =	vst v63  }
0x293: {  	s28 =	simm.s32 $0x12900  }
0x294: {  	[tilespmem:s28], [sflag:$0x5] =	stream.indirect_vreg.gather [hbm4b:s9+s3], $0x80, v2, vm0, $0xb8;
	[tilespmem:$0x18100] =	vst v63  }
0x295: {  	s28 =	simm.s32 $0x13100  }
0x296: {  	[tilespmem:s28], [sflag:$0x5] =	stream.indirect_vreg.gather [hbm4b:s10+s3], $0x80, v2, vm0, $0xb8;
	[tilespmem:$0x18100] =	vst v63  }
0x297: {  	s28 =	simm.s32 $0x13900  }
0x298: {  	[tilespmem:s28], [sflag:$0x5] =	stream.indirect_vreg.gather [hbm4b:s11+s3], $0x80, v2, vm0, $0xb8;
	[tilespmem:$0x18100] =	vst v63  }
0x299: {  	_ =	swait.ge [sflag:s25], $0x4000  }
0x29a: {  	[sflag:s25] =	ssyncset.done $0x0  }
0x29b: {  	s22 =	simm.s32 $0x14100;
	s1 =	rddreg [dreg:$0x15];
	[sflag:s25] =	ssyncadd.s32 $0xFFFFC000  }
0x29c: {  	[hbm4b:s1+s3] =	stream.linear.scatter [tilespmem:s22], [sflag:$0xC], $0x4000, $0x38;
	[tilespmem:$0x18100] =	vst v63  }
0x29d: {  	_ =	swait.ge [sflag:s26], $0x4000  }
0x29e: {  	[sflag:s26] =	ssyncset.done $0x0  }
0x29f: {  	[sflag:s26] =	ssyncadd.s32 $0xFFFFC000  }
0x2a0: {  	v2 =	vld.msk [tilespmem:$0xB8], $0xff;
	_ =	sdelay $0x4  }
0x2a1: {  	v3 =	vshll.u32 v2, $0x4  }
0x2a2: {  	v2 =	vand.u32 $0x7, v2;
	v3 =	vand.u32 $0xFFFFFF80, v3  }
0x2a3: {  	v2 =	vor.u32 v2, v3  }
0x2a4: {  	v2 =	vperm.xlane v2, v0;
	_ =	sdelay $0x1  }
0x2a5: {  	v2 =	vadd.s32 v1, v2;
	_ =	sdelay $0x4  }
0x2a6: {  	[tilespmem:s22], [sflag:$0x6] =	stream.indirect_vreg.gather [hbm4b:s2+s3], $0x80, v2, vm0, $0xb8;
	[tilespmem:$0x18100] =	vst v63  }
0x2a7: {  	s28 =	simm.s32 $0x14900  }
0x2a8: {  	[tilespmem:s28], [sflag:$0x6] =	stream.indirect_vreg.gather [hbm4b:s5+s3], $0x80, v2, vm0, $0xb8;
	[tilespmem:$0x18100] =	vst v63  }
0x2a9: {  	s22 =	simm.s32 $0x15100  }
0x2aa: {  	[tilespmem:s22], [sflag:$0x6] =	stream.indirect_vreg.gather [hbm4b:s6+s3], $0x80, v2, vm0, $0xb8;
	[tilespmem:$0x18100] =	vst v63  }
0x2ab: {  	s28 =	simm.s32 $0x15900  }
0x2ac: {  	[tilespmem:s28], [sflag:$0x6] =	stream.indirect_vreg.gather [hbm4b:s7+s3], $0x80, v2, vm0, $0xb8;
	[tilespmem:$0x18100] =	vst v63  }
0x2ad: {  	s22 =	simm.s32 $0x16100  }
0x2ae: {  	[tilespmem:s22], [sflag:$0x6] =	stream.indirect_vreg.gather [hbm4b:s8+s3], $0x80, v2, vm0, $0xb8;
	[tilespmem:$0x18100] =	vst v63  }
0x2af: {  	s28 =	simm.s32 $0x16900  }
0x2b0: {  	[tilespmem:s28], [sflag:$0x6] =	stream.indirect_vreg.gather [hbm4b:s9+s3], $0x80, v2, vm0, $0xb8;
	[tilespmem:$0x18100] =	vst v63  }
0x2b1: {  	s22 =	simm.s32 $0x17100  }
0x2b2: {  	[tilespmem:s22], [sflag:$0x6] =	stream.indirect_vreg.gather [hbm4b:s10+s3], $0x80, v2, vm0, $0xb8;
	[tilespmem:$0x18100] =	vst v63  }
0x2b3: {  	s28 =	simm.s32 $0x17900  }
0x2b4: {  	[tilespmem:s28], [sflag:$0x6] =	stream.indirect_vreg.gather [hbm4b:s11+s3], $0x80, v2, vm0, $0xb8;
	[tilespmem:$0x18100] =	vst v63  }
0x2b5: {  	_ =	swait.ge [sflag:s13], $0x4000  }
0x2b6: {  	[sflag:s13] =	ssyncset.done $0x0  }
0x2b7: {  	s12 =	simm.s32 $0x100;
	s22 =	rddreg [dreg:$0x16];
	[sflag:s13] =	ssyncadd.s32 $0xFFFFC000  }
0x2b8: {  	[hbm4b:s22+s3] =	stream.linear.scatter [tilespmem:s12], [sflag:$0x7], $0x4000, $0x38;
	[tilespmem:$0x18100] =	vst v63  }
0x2b9: {  	_ =	swait.ge [sflag:s15], $0x4000  }
0x2ba: {  	[sflag:s15] =	ssyncset.done $0x0  }
0x2bb: {  	[sflag:s15] =	ssyncadd.s32 $0xFFFFC000  }
0x2bc: {  	v2 =	vld.msk [tilespmem:$0xC0], $0xff;
	_ =	sdelay $0x4  }
0x2bd: {  	v3 =	vshll.u32 v2, $0x4  }
0x2be: {  	v2 =	vand.u32 $0x7, v2;
	v3 =	vand.u32 $0xFFFFFF80, v3  }
0x2bf: {  	v2 =	vor.u32 v2, v3  }
0x2c0: {  	v2 =	vperm.xlane v2, v0;
	_ =	sdelay $0x1  }
0x2c1: {  	v2 =	vadd.s32 v1, v2;
	_ =	sdelay $0x4  }
0x2c2: {  	[tilespmem:s12], [sflag:$0x1] =	stream.indirect_vreg.gather [hbm4b:s2+s3], $0x80, v2, vm0, $0xb8;
	[tilespmem:$0x18100] =	vst v63  }
0x2c3: {  	s28 =	simm.s32 $0x900  }
0x2c4: {  	[tilespmem:s28], [sflag:$0x1] =	stream.indirect_vreg.gather [hbm4b:s5+s3], $0x80, v2, vm0, $0xb8;
	[tilespmem:$0x18100] =	vst v63  }
0x2c5: {  	s12 =	simm.s32 $0x1100  }
0x2c6: {  	[tilespmem:s12], [sflag:$0x1] =	stream.indirect_vreg.gather [hbm4b:s6+s3], $0x80, v2, vm0, $0xb8;
	[tilespmem:$0x18100] =	vst v63  }
0x2c7: {  	s22 =	simm.s32 $0x1900  }
0x2c8: {  	[tilespmem:s22], [sflag:$0x1] =	stream.indirect_vreg.gather [hbm4b:s7+s3], $0x80, v2, vm0, $0xb8;
	[tilespmem:$0x18100] =	vst v63  }
0x2c9: {  	s28 =	simm.s32 $0x2100  }
0x2ca: {  	[tilespmem:s28], [sflag:$0x1] =	stream.indirect_vreg.gather [hbm4b:s8+s3], $0x80, v2, vm0, $0xb8;
	[tilespmem:$0x18100] =	vst v63  }
0x2cb: {  	s12 =	simm.s32 $0x2900  }
0x2cc: {  	[tilespmem:s12], [sflag:$0x1] =	stream.indirect_vreg.gather [hbm4b:s9+s3], $0x80, v2, vm0, $0xb8;
	[tilespmem:$0x18100] =	vst v63  }
0x2cd: {  	s22 =	simm.s32 $0x3100  }
0x2ce: {  	[tilespmem:s22], [sflag:$0x1] =	stream.indirect_vreg.gather [hbm4b:s10+s3], $0x80, v2, vm0, $0xb8;
	[tilespmem:$0x18100] =	vst v63  }
0x2cf: {  	s28 =	simm.s32 $0x3900  }
0x2d0: {  	[tilespmem:s28], [sflag:$0x1] =	stream.indirect_vreg.gather [hbm4b:s11+s3], $0x80, v2, vm0, $0xb8;
	[tilespmem:$0x18100] =	vst v63  }
0x2d1: {  	_ =	swait.ge [sflag:s16], $0x4000  }
0x2d2: {  	[sflag:s16] =	ssyncset.done $0x0  }
0x2d3: {  	s14 =	simm.s32 $0x4100;
	s1 =	rddreg [dreg:$0x17];
	[sflag:s16] =	ssyncadd.s32 $0xFFFFC000  }
0x2d4: {  	[hbm4b:s1+s3] =	stream.linear.scatter [tilespmem:s14], [sflag:$0x8], $0x4000, $0x38;
	[tilespmem:$0x18100] =	vst v63  }
0x2d5: {  	_ =	swait.ge [sflag:s17], $0x4000  }
0x2d6: {  	[sflag:s17] =	ssyncset.done $0x0  }
0x2d7: {  	[sflag:s17] =	ssyncadd.s32 $0xFFFFC000  }
0x2d8: {  	v2 =	vld.msk [tilespmem:$0xC8], $0xff;
	_ =	sdelay $0x4  }
0x2d9: {  	v3 =	vshll.u32 v2, $0x4  }
0x2da: {  	v2 =	vand.u32 $0x7, v2;
	v3 =	vand.u32 $0xFFFFFF80, v3  }
0x2db: {  	v2 =	vor.u32 v2, v3  }
0x2dc: {  	v2 =	vperm.xlane v2, v0;
	_ =	sdelay $0x1  }
0x2dd: {  	v2 =	vadd.s32 v1, v2;
	_ =	sdelay $0x4  }
0x2de: {  	[tilespmem:s14], [sflag:$0x2] =	stream.indirect_vreg.gather [hbm4b:s2+s3], $0x80, v2, vm0, $0xb8;
	[tilespmem:$0x18100] =	vst v63  }
0x2df: {  	s12 =	simm.s32 $0x4900  }
0x2e0: {  	[tilespmem:s12], [sflag:$0x2] =	stream.indirect_vreg.gather [hbm4b:s5+s3], $0x80, v2, vm0, $0xb8;
	[tilespmem:$0x18100] =	vst v63  }
0x2e1: {  	s14 =	simm.s32 $0x5100  }
0x2e2: {  	[tilespmem:s14], [sflag:$0x2] =	stream.indirect_vreg.gather [hbm4b:s6+s3], $0x80, v2, vm0, $0xb8;
	[tilespmem:$0x18100] =	vst v63  }
0x2e3: {  	s22 =	simm.s32 $0x5900  }
0x2e4: {  	[tilespmem:s22], [sflag:$0x2] =	stream.indirect_vreg.gather [hbm4b:s7+s3], $0x80, v2, vm0, $0xb8;
	[tilespmem:$0x18100] =	vst v63  }
0x2e5: {  	s28 =	simm.s32 $0x6100  }
0x2e6: {  	[tilespmem:s28], [sflag:$0x2] =	stream.indirect_vreg.gather [hbm4b:s8+s3], $0x80, v2, vm0, $0xb8;
	[tilespmem:$0x18100] =	vst v63  }
0x2e7: {  	s12 =	simm.s32 $0x6900  }
0x2e8: {  	[tilespmem:s12], [sflag:$0x2] =	stream.indirect_vreg.gather [hbm4b:s9+s3], $0x80, v2, vm0, $0xb8;
	[tilespmem:$0x18100] =	vst v63  }
0x2e9: {  	s22 =	simm.s32 $0x7100  }
0x2ea: {  	[tilespmem:s22], [sflag:$0x2] =	stream.indirect_vreg.gather [hbm4b:s10+s3], $0x80, v2, vm0, $0xb8;
	[tilespmem:$0x18100] =	vst v63  }
0x2eb: {  	s28 =	simm.s32 $0x7900  }
0x2ec: {  	[tilespmem:s28], [sflag:$0x2] =	stream.indirect_vreg.gather [hbm4b:s11+s3], $0x80, v2, vm0, $0xb8;
	[tilespmem:$0x18100] =	vst v63  }
0x2ed: {  	_ =	swait.ge [sflag:s18], $0x4000  }
0x2ee: {  	[sflag:s18] =	ssyncset.done $0x0  }
0x2ef: {  	s22 =	simm.s32 $0x8100;
	s12 =	rddreg [dreg:$0x18];
	[sflag:s18] =	ssyncadd.s32 $0xFFFFC000  }
0x2f0: {  	[hbm4b:s12+s3] =	stream.linear.scatter [tilespmem:s22], [sflag:$0x9], $0x4000, $0x38;
	[tilespmem:$0x18100] =	vst v63  }
0x2f1: {  	_ =	swait.ge [sflag:s19], $0x4000  }
0x2f2: {  	[sflag:s19] =	ssyncset.done $0x0  }
0x2f3: {  	[sflag:s19] =	ssyncadd.s32 $0xFFFFC000  }
0x2f4: {  	v2 =	vld.msk [tilespmem:$0xD0], $0xff;
	_ =	sdelay $0x4  }
0x2f5: {  	v3 =	vshll.u32 v2, $0x4  }
0x2f6: {  	v2 =	vand.u32 $0x7, v2;
	v3 =	vand.u32 $0xFFFFFF80, v3  }
0x2f7: {  	v2 =	vor.u32 v2, v3  }
0x2f8: {  	v2 =	vperm.xlane v2, v0;
	_ =	sdelay $0x1  }
0x2f9: {  	v2 =	vadd.s32 v1, v2;
	_ =	sdelay $0x4  }
0x2fa: {  	[tilespmem:s22], [sflag:$0x3] =	stream.indirect_vreg.gather [hbm4b:s2+s3], $0x80, v2, vm0, $0xb8;
	[tilespmem:$0x18100] =	vst v63  }
0x2fb: {  	s28 =	simm.s32 $0x8900  }
0x2fc: {  	[tilespmem:s28], [sflag:$0x3] =	stream.indirect_vreg.gather [hbm4b:s5+s3], $0x80, v2, vm0, $0xb8;
	[tilespmem:$0x18100] =	vst v63  }
0x2fd: {  	s22 =	simm.s32 $0x9100  }
0x2fe: {  	[tilespmem:s22], [sflag:$0x3] =	stream.indirect_vreg.gather [hbm4b:s6+s3], $0x80, v2, vm0, $0xb8;
	[tilespmem:$0x18100] =	vst v63  }
0x2ff: {  	s28 =	simm.s32 $0x9900  }
0x300: {  	[tilespmem:s28], [sflag:$0x3] =	stream.indirect_vreg.gather [hbm4b:s7+s3], $0x80, v2, vm0, $0xb8;
	[tilespmem:$0x18100] =	vst v63  }
0x301: {  	s22 =	simm.s32 $0xA100  }
0x302: {  	[tilespmem:s22], [sflag:$0x3] =	stream.indirect_vreg.gather [hbm4b:s8+s3], $0x80, v2, vm0, $0xb8;
	[tilespmem:$0x18100] =	vst v63  }
0x303: {  	s28 =	simm.s32 $0xA900  }
0x304: {  	[tilespmem:s28], [sflag:$0x3] =	stream.indirect_vreg.gather [hbm4b:s9+s3], $0x80, v2, vm0, $0xb8;
	[tilespmem:$0x18100] =	vst v63  }
0x305: {  	s22 =	simm.s32 $0xB100  }
0x306: {  	[tilespmem:s22], [sflag:$0x3] =	stream.indirect_vreg.gather [hbm4b:s10+s3], $0x80, v2, vm0, $0xb8;
	[tilespmem:$0x18100] =	vst v63  }
0x307: {  	s28 =	simm.s32 $0xB900  }
0x308: {  	[tilespmem:s28], [sflag:$0x3] =	stream.indirect_vreg.gather [hbm4b:s11+s3], $0x80, v2, vm0, $0xb8;
	[tilespmem:$0x18100] =	vst v63  }
0x309: {  	_ =	swait.ge [sflag:s20], $0x4000  }
0x30a: {  	[sflag:s20] =	ssyncset.done $0x0  }
0x30b: {  	s12 =	simm.s32 $0xC100;
	s22 =	rddreg [dreg:$0x19];
	[sflag:s20] =	ssyncadd.s32 $0xFFFFC000  }
0x30c: {  	[hbm4b:s22+s3] =	stream.linear.scatter [tilespmem:s12], [sflag:$0xA], $0x4000, $0x38;
	[tilespmem:$0x18100] =	vst v63  }
0x30d: {  	_ =	swait.ge [sflag:s21], $0x4000  }
0x30e: {  	[sflag:s21] =	ssyncset.done $0x0  }
0x30f: {  	[sflag:s21] =	ssyncadd.s32 $0xFFFFC000  }
0x310: {  	v2 =	vld.msk [tilespmem:$0xD8], $0xff;
	_ =	sdelay $0x4  }
0x311: {  	v3 =	vshll.u32 v2, $0x4  }
0x312: {  	v2 =	vand.u32 $0x7, v2;
	v3 =	vand.u32 $0xFFFFFF80, v3  }
0x313: {  	v2 =	vor.u32 v2, v3  }
0x314: {  	v2 =	vperm.xlane v2, v0;
	_ =	sdelay $0x1  }
0x315: {  	v2 =	vadd.s32 v1, v2;
	_ =	sdelay $0x4  }
0x316: {  	[tilespmem:s12], [sflag:$0x4] =	stream.indirect_vreg.gather [hbm4b:s2+s3], $0x80, v2, vm0, $0xb8;
	[tilespmem:$0x18100] =	vst v63  }
0x317: {  	s29 =	simm.s32 $0xC900  }
0x318: {  	[tilespmem:s29], [sflag:$0x4] =	stream.indirect_vreg.gather [hbm4b:s5+s3], $0x80, v2, vm0, $0xb8;
	[tilespmem:$0x18100] =	vst v63  }
0x319: {  	s28 =	simm.s32 $0xD100  }
0x31a: {  	[tilespmem:s28], [sflag:$0x4] =	stream.indirect_vreg.gather [hbm4b:s6+s3], $0x80, v2, vm0, $0xb8;
	[tilespmem:$0x18100] =	vst v63  }
0x31b: {  	_ = 	snop  }
0x31c: {  	[tilespmem:s0], [sflag:$0x4] =	stream.indirect_vreg.gather [hbm4b:s7+s3], $0x80, v2, vm0, $0xb8;
	[tilespmem:$0x18100] =	vst v63  }
0x31d: {  	s29 =	simm.s32 $0xE100  }
0x31e: {  	[tilespmem:s29], [sflag:$0x4] =	stream.indirect_vreg.gather [hbm4b:s8+s3], $0x80, v2, vm0, $0xb8;
	[tilespmem:$0x18100] =	vst v63  }
0x31f: {  	s12 =	simm.s32 $0xE900  }
0x320: {  	[tilespmem:s12], [sflag:$0x4] =	stream.indirect_vreg.gather [hbm4b:s9+s3], $0x80, v2, vm0, $0xb8;
	[tilespmem:$0x18100] =	vst v63  }
0x321: {  	s28 =	simm.s32 $0xF100  }
0x322: {  	[tilespmem:s28], [sflag:$0x4] =	stream.indirect_vreg.gather [hbm4b:s10+s3], $0x80, v2, vm0, $0xb8;
	[tilespmem:$0x18100] =	vst v63  }
0x323: {  	s29 =	simm.s32 $0xF900  }
0x324: {  	[tilespmem:s29], [sflag:$0x4] =	stream.indirect_vreg.gather [hbm4b:s11+s3], $0x80, v2, vm0, $0xb8;
	[tilespmem:$0x18100] =	vst v63  }
0x325: {  	_ =	swait.ge [sflag:s23], $0x4000  }
0x326: {  	[sflag:s23] =	ssyncset.done $0x0  }
0x327: {  	s0 =	simm.s32 $0x10100;
	s12 =	rddreg [dreg:$0x1a];
	[sflag:s23] =	ssyncadd.s32 $0xFFFFC000  }
0x328: {  	[hbm4b:s12+s3] =	stream.linear.scatter [tilespmem:s0], [sflag:$0xB], $0x4000, $0x38;
	[tilespmem:$0x18100] =	vst v63  }
0x329: {  	_ =	swait.ge [sflag:s24], $0x4000  }
0x32a: {  	[sflag:s24] =	ssyncset.done $0x0  }
0x32b: {  	[sflag:s24] =	ssyncadd.s32 $0xFFFFC000  }
0x32c: {  	v2 =	vld.msk [tilespmem:$0xE0], $0xff;
	_ =	sdelay $0x4  }
0x32d: {  	v3 =	vshll.u32 v2, $0x4  }
0x32e: {  	v2 =	vand.u32 $0x7, v2;
	v3 =	vand.u32 $0xFFFFFF80, v3  }
0x32f: {  	v2 =	vor.u32 v2, v3  }
0x330: {  	v2 =	vperm.xlane v2, v0;
	_ =	sdelay $0x1  }
0x331: {  	v2 =	vadd.s32 v1, v2;
	_ =	sdelay $0x4  }
0x332: {  	[tilespmem:s0], [sflag:$0x5] =	stream.indirect_vreg.gather [hbm4b:s2+s3], $0x80, v2, vm0, $0xb8;
	[tilespmem:$0x18100] =	vst v63  }
0x333: {  	s4 =	simm.s32 $0x10900  }
0x334: {  	[tilespmem:s4], [sflag:$0x5] =	stream.indirect_vreg.gather [hbm4b:s5+s3], $0x80, v2, vm0, $0xb8;
	[tilespmem:$0x18100] =	vst v63  }
0x335: {  	s12 =	simm.s32 $0x11100  }
0x336: {  	[tilespmem:s12], [sflag:$0x5] =	stream.indirect_vreg.gather [hbm4b:s6+s3], $0x80, v2, vm0, $0xb8;
	[tilespmem:$0x18100] =	vst v63  }
0x337: {  	s31 =	simm.s32 $0x11900  }
0x338: {  	[tilespmem:s31], [sflag:$0x5] =	stream.indirect_vreg.gather [hbm4b:s7+s3], $0x80, v2, vm0, $0xb8;
	[tilespmem:$0x18100] =	vst v63  }
0x339: {  	s30 =	simm.s32 $0x12100  }
0x33a: {  	[tilespmem:s30], [sflag:$0x5] =	stream.indirect_vreg.gather [hbm4b:s8+s3], $0x80, v2, vm0, $0xb8;
	[tilespmem:$0x18100] =	vst v63  }
0x33b: {  	s28 =	simm.s32 $0x12900  }
0x33c: {  	[tilespmem:s28], [sflag:$0x5] =	stream.indirect_vreg.gather [hbm4b:s9+s3], $0x80, v2, vm0, $0xb8;
	[tilespmem:$0x18100] =	vst v63  }
0x33d: {  	s30 =	simm.s32 $0x13100  }
0x33e: {  	[tilespmem:s30], [sflag:$0x5] =	stream.indirect_vreg.gather [hbm4b:s10+s3], $0x80, v2, vm0, $0xb8;
	[tilespmem:$0x18100] =	vst v63  }
0x33f: {  	s31 =	simm.s32 $0x13900  }
0x340: {  	[tilespmem:s31], [sflag:$0x5] =	stream.indirect_vreg.gather [hbm4b:s11+s3], $0x80, v2, vm0, $0xb8;
	[tilespmem:$0x18100] =	vst v63  }
0x341: {  	_ =	swait.ge [sflag:s25], $0x4000  }
0x342: {  	[sflag:s25] =	ssyncset.done $0x0  }
0x343: {  	s12 =	simm.s32 $0x14100;
	s4 =	rddreg [dreg:$0x1b];
	[sflag:s25] =	ssyncadd.s32 $0xFFFFC000  }
0x344: {  	[hbm4b:s4+s3] =	stream.linear.scatter [tilespmem:s12], [sflag:$0xC], $0x4000, $0x38;
	[tilespmem:$0x18100] =	vst v63  }
0x345: {  	_ =	swait.ge [sflag:s26], $0x4000  }
0x346: {  	[sflag:s26] =	ssyncset.done $0x0  }
0x347: {  	[sflag:s26] =	ssyncadd.s32 $0xFFFFC000  }
0x348: {  	v2 =	vld.msk [tilespmem:$0xE8], $0xff;
	_ =	sdelay $0x4  }
0x349: {  	v3 =	vshll.u32 v2, $0x4  }
0x34a: {  	v2 =	vand.u32 $0x7, v2;
	v3 =	vand.u32 $0xFFFFFF80, v3  }
0x34b: {  	v2 =	vor.u32 v2, v3  }
0x34c: {  	v2 =	vperm.xlane v2, v0;
	_ =	sdelay $0x1  }
0x34d: {  	v2 =	vadd.s32 v1, v2;
	_ =	sdelay $0x4  }
0x34e: {  	[tilespmem:s12], [sflag:$0x6] =	stream.indirect_vreg.gather [hbm4b:s2+s3], $0x80, v2, vm0, $0xb8;
	[tilespmem:$0x18100] =	vst v63  }
0x34f: {  	s28 =	simm.s32 $0x14900  }
0x350: {  	[tilespmem:s28], [sflag:$0x6] =	stream.indirect_vreg.gather [hbm4b:s5+s3], $0x80, v2, vm0, $0xb8;
	[tilespmem:$0x18100] =	vst v63  }
0x351: {  	s30 =	simm.s32 $0x15100  }
0x352: {  	[tilespmem:s30], [sflag:$0x6] =	stream.indirect_vreg.gather [hbm4b:s6+s3], $0x80, v2, vm0, $0xb8;
	[tilespmem:$0x18100] =	vst v63  }
0x353: {  	s31 =	simm.s32 $0x15900  }
0x354: {  	[tilespmem:s31], [sflag:$0x6] =	stream.indirect_vreg.gather [hbm4b:s7+s3], $0x80, v2, vm0, $0xb8;
	[tilespmem:$0x18100] =	vst v63  }
0x355: {  	s12 =	simm.s32 $0x16100  }
0x356: {  	[tilespmem:s12], [sflag:$0x6] =	stream.indirect_vreg.gather [hbm4b:s8+s3], $0x80, v2, vm0, $0xb8;
	[tilespmem:$0x18100] =	vst v63  }
0x357: {  	s28 =	simm.s32 $0x16900  }
0x358: {  	[tilespmem:s28], [sflag:$0x6] =	stream.indirect_vreg.gather [hbm4b:s9+s3], $0x80, v2, vm0, $0xb8;
	[tilespmem:$0x18100] =	vst v63  }
0x359: {  	s30 =	simm.s32 $0x17100  }
0x35a: {  	[tilespmem:s30], [sflag:$0x6] =	stream.indirect_vreg.gather [hbm4b:s10+s3], $0x80, v2, vm0, $0xb8;
	[tilespmem:$0x18100] =	vst v63  }
0x35b: {  	s31 =	simm.s32 $0x17900  }
0x35c: {  	[tilespmem:s31], [sflag:$0x6] =	stream.indirect_vreg.gather [hbm4b:s11+s3], $0x80, v2, vm0, $0xb8;
	[tilespmem:$0x18100] =	vst v63  }
0x35d: {  	_ =	swait.ge [sflag:s13], $0x4000  }
0x35e: {  	[sflag:s13] =	ssyncset.done $0x0  }
0x35f: {  	s30 =	simm.s32 $0x100;
	s12 =	rddreg [dreg:$0x1c];
	[sflag:s13] =	ssyncadd.s32 $0xFFFFC000  }
0x360: {  	[hbm4b:s12+s3] =	stream.linear.scatter [tilespmem:s30], [sflag:$0x7], $0x4000, $0x38;
	[tilespmem:$0x18100] =	vst v63  }
0x361: {  	_ =	swait.ge [sflag:s15], $0x4000  }
0x362: {  	[sflag:s15] =	ssyncset.done $0x0  }
0x363: {  	[sflag:s15] =	ssyncadd.s32 $0xFFFFC000  }
0x364: {  	v2 =	vld.msk [tilespmem:$0xF0], $0xff;
	_ =	sdelay $0x4  }
0x365: {  	v3 =	vshll.u32 v2, $0x4  }
0x366: {  	v2 =	vand.u32 $0x7, v2;
	v3 =	vand.u32 $0xFFFFFF80, v3  }
0x367: {  	v2 =	vor.u32 v2, v3  }
0x368: {  	v2 =	vperm.xlane v2, v0;
	_ =	sdelay $0x1  }
0x369: {  	v2 =	vadd.s32 v1, v2;
	_ =	sdelay $0x4  }
0x36a: {  	[tilespmem:s30], [sflag:$0x1] =	stream.indirect_vreg.gather [hbm4b:s2+s3], $0x80, v2, vm0, $0xb8;
	[tilespmem:$0x18100] =	vst v63  }
0x36b: {  	s31 =	simm.s32 $0x900  }
0x36c: {  	[tilespmem:s31], [sflag:$0x1] =	stream.indirect_vreg.gather [hbm4b:s5+s3], $0x80, v2, vm0, $0xb8;
	[tilespmem:$0x18100] =	vst v63  }
0x36d: {  	s28 =	simm.s32 $0x1100  }
0x36e: {  	[tilespmem:s28], [sflag:$0x1] =	stream.indirect_vreg.gather [hbm4b:s6+s3], $0x80, v2, vm0, $0xb8;
	[tilespmem:$0x18100] =	vst v63  }
0x36f: {  	s30 =	simm.s32 $0x1900  }
0x370: {  	[tilespmem:s30], [sflag:$0x1] =	stream.indirect_vreg.gather [hbm4b:s7+s3], $0x80, v2, vm0, $0xb8;
	[tilespmem:$0x18100] =	vst v63  }
0x371: {  	s31 =	simm.s32 $0x2100  }
0x372: {  	[tilespmem:s31], [sflag:$0x1] =	stream.indirect_vreg.gather [hbm4b:s8+s3], $0x80, v2, vm0, $0xb8;
	[tilespmem:$0x18100] =	vst v63  }
0x373: {  	s28 =	simm.s32 $0x2900  }
0x374: {  	[tilespmem:s28], [sflag:$0x1] =	stream.indirect_vreg.gather [hbm4b:s9+s3], $0x80, v2, vm0, $0xb8;
	[tilespmem:$0x18100] =	vst v63  }
0x375: {  	s30 =	simm.s32 $0x3100  }
0x376: {  	[tilespmem:s30], [sflag:$0x1] =	stream.indirect_vreg.gather [hbm4b:s10+s3], $0x80, v2, vm0, $0xb8;
	[tilespmem:$0x18100] =	vst v63  }
0x377: {  	s31 =	simm.s32 $0x3900  }
0x378: {  	[tilespmem:s31], [sflag:$0x1] =	stream.indirect_vreg.gather [hbm4b:s11+s3], $0x80, v2, vm0, $0xb8;
	[tilespmem:$0x18100] =	vst v63  }
0x379: {  	_ =	swait.ge [sflag:s16], $0x4000  }
0x37a: {  	[sflag:s16] =	ssyncset.done $0x0  }
0x37b: {  	s30 =	simm.s32 $0x4100;
	s12 =	rddreg [dreg:$0x1d];
	[sflag:s16] =	ssyncadd.s32 $0xFFFFC000  }
0x37c: {  	[hbm4b:s12+s3] =	stream.linear.scatter [tilespmem:s30], [sflag:$0x8], $0x4000, $0x38;
	[tilespmem:$0x18100] =	vst v63  }
0x37d: {  	_ =	swait.ge [sflag:s17], $0x4000  }
0x37e: {  	[sflag:s17] =	ssyncset.done $0x0  }
0x37f: {  	[sflag:s17] =	ssyncadd.s32 $0xFFFFC000  }
0x380: {  	v2 =	vld.msk [tilespmem:$0xF8], $0xff;
	_ =	sdelay $0x4  }
0x381: {  	v3 =	vshll.u32 v2, $0x4  }
0x382: {  	v2 =	vand.u32 $0x7, v2;
	v3 =	vand.u32 $0xFFFFFF80, v3  }
0x383: {  	v2 =	vor.u32 v2, v3  }
0x384: {  	v2 =	vperm.xlane v2, v0;
	_ =	sdelay $0x1  }
0x385: {  	v2 =	vadd.s32 v1, v2;
	_ =	sdelay $0x4  }
0x386: {  	[tilespmem:s30], [sflag:$0x2] =	stream.indirect_vreg.gather [hbm4b:s2+s3], $0x80, v2, vm0, $0xb8;
	[tilespmem:$0x18100] =	vst v63  }
0x387: {  	s31 =	simm.s32 $0x4900  }
0x388: {  	[tilespmem:s31], [sflag:$0x2] =	stream.indirect_vreg.gather [hbm4b:s5+s3], $0x80, v2, vm0, $0xb8;
	[tilespmem:$0x18100] =	vst v63  }
0x389: {  	s14 =	simm.s32 $0x5100  }
0x38a: {  	[tilespmem:s14], [sflag:$0x2] =	stream.indirect_vreg.gather [hbm4b:s6+s3], $0x80, v2, vm0, $0xb8;
	[tilespmem:$0x18100] =	vst v63  }
0x38b: {  	s28 =	simm.s32 $0x5900  }
0x38c: {  	[tilespmem:s28], [sflag:$0x2] =	stream.indirect_vreg.gather [hbm4b:s7+s3], $0x80, v2, vm0, $0xb8;
	[tilespmem:$0x18100] =	vst v63  }
0x38d: {  	s30 =	simm.s32 $0x6100  }
0x38e: {  	[tilespmem:s30], [sflag:$0x2] =	stream.indirect_vreg.gather [hbm4b:s8+s3], $0x80, v2, vm0, $0xb8;
	[tilespmem:$0x18100] =	vst v63  }
0x38f: {  	s31 =	simm.s32 $0x6900  }
0x390: {  	[tilespmem:s31], [sflag:$0x2] =	stream.indirect_vreg.gather [hbm4b:s9+s3], $0x80, v2, vm0, $0xb8;
	[tilespmem:$0x18100] =	vst v63  }
0x391: {  	s28 =	simm.s32 $0x7100  }
0x392: {  	[tilespmem:s28], [sflag:$0x2] =	stream.indirect_vreg.gather [hbm4b:s10+s3], $0x80, v2, vm0, $0xb8;
	[tilespmem:$0x18100] =	vst v63  }
0x393: {  	s30 =	simm.s32 $0x7900  }
0x394: {  	[tilespmem:s30], [sflag:$0x2] =	stream.indirect_vreg.gather [hbm4b:s11+s3], $0x80, v2, vm0, $0xb8;
	[tilespmem:$0x18100] =	vst v63  }
0x395: {  	_ =	swait.ge [sflag:s18], $0x4000  }
0x396: {  	[sflag:s18] =	ssyncset.done $0x0  }
0x397: {  	s1 =	simm.s32 $0x8100;
	s31 =	rddreg [dreg:$0x1e];
	[sflag:s18] =	ssyncadd.s32 $0xFFFFC000  }
0x398: {  	[hbm4b:s31+s3] =	stream.linear.scatter [tilespmem:s1], [sflag:$0x9], $0x4000, $0x38;
	[tilespmem:$0x18100] =	vst v63  }
0x399: {  	s1 =	sld [smem:$0x7F6];
	_ =	swait.ge [sflag:s20], $0x4000  }
0x39a: {  	[sflag:s20] =	ssyncset.done $0x0  }
0x39b: {  	s22 =	simm.s32 $0xC100;
	s14 =	rddreg [dreg:$0x1f];
	[sflag:s20] =	ssyncadd.s32 $0xFFFFC000  }
0x39c: {  	[hbm4b:s14+s3] =	stream.linear.scatter [tilespmem:s22], [sflag:$0xA], $0x4000, $0x38;
	[tilespmem:$0x18100] =	vst v63  }
0x39d: {  	_ =	swait.ge [sflag:s23], $0x4000  }
0x39e: {  	s22 =	sld [smem:$0x7F7]  }
0x39f: {  	[sflag:s23] =	ssyncset.done $0x0  }
0x3a0: {  	s29 =	simm.s32 $0x10100;
	[sflag:s23] =	ssyncadd.s32 $0xFFFFC000  }
0x3a1: {  	[hbm4b:s22+s3] =	stream.linear.scatter [tilespmem:s29], [sflag:$0xB], $0x4000, $0x38;
	[tilespmem:$0x18100] =	vst v63  }
0x3a2: {  	_ =	swait.ge [sflag:s25], $0x4000  }
0x3a3: {  	s29 =	sld [smem:$0x7F8]  }
0x3a4: {  	[sflag:s25] =	ssyncset.done $0x0  }
0x3a5: {  	s0 =	simm.s32 $0x14100;
	[sflag:s25] =	ssyncadd.s32 $0xFFFFC000  }
0x3a6: {  	[hbm4b:s29+s3] =	stream.linear.scatter [tilespmem:s0], [sflag:$0xC], $0x4000, $0x38;
	[tilespmem:$0x18100] =	vst v63  }
0x3a7: {  	_ =	swait.ge [sflag:s13], $0x4000  }
0x3a8: {  	s30 =	sld [smem:$0x7F9]  }
0x3a9: {  	[sflag:s13] =	ssyncset.done $0x0  }
0x3aa: {  	s4 =	simm.s32 $0x100;
	[sflag:s13] =	ssyncadd.s32 $0xFFFFC000  }
0x3ab: {  	[hbm4b:s30+s3] =	stream.linear.scatter [tilespmem:s4], [sflag:$0x7], $0x4000, $0x38;
	[tilespmem:$0x18100] =	vst v63  }
0x3ac: {  	_ =	swait.ge [sflag:s16], $0x4000  }
0x3ad: {  	s31 =	sld [smem:$0x7FB]  }
0x3ae: {  	[sflag:s16] =	ssyncset.done $0x0  }
0x3af: {  	s12 =	simm.s32 $0x4100;
	[sflag:s16] =	ssyncadd.s32 $0xFFFFC000  }
0x3b0: {  	[hbm4b:s31+s3] =	stream.linear.scatter [tilespmem:s12], [sflag:$0x8], $0x4000, $0x38;
	[tilespmem:$0x18100] =	vst v63  }
0x3b1: {  	_ =	swait.ge [sflag:s15], $0x4000  }
0x3b2: {  	[sflag:s15] =	ssyncset.done $0x0  }
0x3b3: {  	[sflag:s15] =	ssyncadd.s32 $0xFFFFC000  }
0x3b4: {  	_ =	swait.ge [sflag:s17], $0x4000  }
0x3b5: {  	[sflag:s17] =	ssyncset.done $0x0  }
0x3b6: {  	[sflag:s17] =	ssyncadd.s32 $0xFFFFC000  }
0x3b7: {  	_ =	swait.ge [sflag:s19], $0x4000  }
0x3b8: {  	[sflag:s19] =	ssyncset.done $0x0  }
0x3b9: {  	[sflag:s19] =	ssyncadd.s32 $0xFFFFC000  }
0x3ba: {  	_ =	swait.ge [sflag:s21], $0x4000  }
0x3bb: {  	[sflag:s21] =	ssyncset.done $0x0  }
0x3bc: {  	[sflag:s21] =	ssyncadd.s32 $0xFFFFC000  }
0x3bd: {  	p0 =	sne.s32 s1, $0x1;
	_ =	swait.ge [sflag:s24], $0x4000  }
.Ltmp0:
0x3be: {  	[sflag:s24] =	ssyncset.done $0x0;
	(pc) =	sbr.rel @p0 .LBB2_1-.Ltmp0, $4  }
0x3bf: {  	[sflag:s24] =	ssyncadd.s32 $0xFFFFC000  }
0x3c0: {  	_ =	swait.ge [sflag:s26], $0x4000  }
0x3c1: {  	[sflag:s26] =	ssyncset.done $0x0  }
0x3c2: {  	s1 =	sadd.s32 $0xFFFFFFFF, s1;
	[sflag:s26] =	ssyncadd.s32 $0xFFFFC000  }
0x3c3: {  	_ =	sfence.sel $0x180000  }
0x3c4: {  	[bflag:$0x0] =	sbarrier.arrive $0xFFFF  }
0x3c5: {  	_ =	strace $0x90000047  }
0x3c6: {  	s0 =	stileid.u32;
	[bflag:$0x2] =	sbarrier.arrive $0xFFFF  }
0x3c7: {  	p0 =	sne.s32 s0, $0x0;
	s0 =	rddreg [dreg:$0x3]  }
0x3c8: {  	s0 =	sadd.s32 @!p0 $0x100000, s0  }
0x3c9: {  	[sflag:s0] =	ssyncadd.tile.s32 @!p0 $0x1;
	_ =	shalt  }
.Lfunc_end2:
_tile_overlayer_lowered:
.L_overlay_start_2:
0x3ca: {  	(tag) =	ssettag $0x2  }
0x3cb: {  	s0 =	rddreg [dreg:$0x0];
	s2 =	stileid.u32  }
0x3cc: {  	s1 =	rddreg [dreg:$0x1];
	p0 =	sne.s32 s2, $0x0  }
0x3cd: {  	s3 =	rddreg [dreg:$0x2];
	[bflag:$0x3] =	sbarrier.arrive $0xFFFF;
	s2 =	simm.s32 @!p0 $0x1C0D  }
0x3ce: {  	[timem:s3], [sflag:s2] =	dma.local @!p0 [hbm:s0], s1  }
0x3cf: {  	s0 =	simm.s32 @!p0 $0xD  }
0x3d0: {  	_ =	swait.ge @!p0 [sflag:s0], s1  }
0x3d1: {  	s1 =	ssub.s32 @!p0 $0x0, s1;
	[sflag:s0] =	ssyncset.done @!p0 $0x0  }
0x3d2: {  	[sflag:s0] =	ssyncadd.s32 @!p0 s1  }
0x3d3: {  	[bflag:$0x3] =	sbarrier.arrive $0xFFFF  }
0x3d4: {  	_ =	shalt  }

</sc_bundles>
